<compile_context>
chip_gen: v7x
topology: tpu7x:2x2x1
jax: 0.10.2.dev20260603
libtpu: 0.0.44.dev20260713+nightly
codegen_flags: <defaults>
</compile_context>

<pallas_src>
import functools

import jax
import jax.numpy as jnp
from jax import lax
from jax.experimental import pallas as pl
from jax.experimental.pallas import tpu as pltpu
from jax.experimental.pallas import tpu_sc as plsc

N_NODES = 100000
N_EDGES = 3200000
D = 11

NC = 2
NS = 16
NW = NC * NS
NPT = N_NODES // NW
C = 1280
NCHUNK = N_EDGES // C
NCH_PAD = ((NCHUNK + 15) // 16) * 16
NG = C // 16
UNROLL = 5
CD = C * D
ACC_W = ((NPT * D + 15) // 16) * 16
NB_W = ((NPT + 7 + 15) // 16) * 16
SENTINEL = 1 << 30


def _build(interpret=False):
  mesh = plsc.VectorSubcoreMesh(
      core_axis_name="c", subcore_axis_name="s",
      num_cores=NC, num_subcores=NS)

  @functools.partial(
      pl.kernel,
      out_type=jax.ShapeDtypeStruct((NW, ACC_W), jnp.float32),
      mesh=mesh,
      scratch_types=[
          pltpu.VMEM((ACC_W,), jnp.float32),
          pltpu.VMEM((48, C), jnp.float32),
          pltpu.VMEM((3 * C,), jnp.int32),
          pltpu.VMEM((3 * C,), jnp.float32),
          pltpu.VMEM((NB_W,), jnp.float32),
          pltpu.VMEM((NCH_PAD,), jnp.int32),
          pltpu.VMEM((NCH_PAD,), jnp.int32),
          pltpu.SemaphoreType.DMA,
          pltpu.SemaphoreType.DMA,
          pltpu.SemaphoreType.DMA,
      ],
      compiler_params=pltpu.CompilerParams(needs_layout_passes=False),
      interpret=interpret,
  )
  def seg_kernel(rows_hbm, src_hbm, w_hbm, nb_hbm, lb_hbm, ub_hbm,
                 out_hbm, acc_v, rows_v, src_v, w_v, nbr_v, lb_v, ub_v,
                 sem_r, sem_s, sem_w):
    wid = lax.axis_index("c") * NS + lax.axis_index("s")
    base = wid * NPT
    limit = base + NPT

    s8 = base - lax.rem(base, 8)
    s8 = pl.multiple_of(jnp.minimum(s8, N_NODES - NB_W), 8)
    off = base - s8
    c1 = pltpu.async_copy(lb_hbm, lb_v, sem_r)
    c2 = pltpu.async_copy(ub_hbm, ub_v, sem_s)
    c3 = pltpu.async_copy(nb_hbm.at[pl.ds(s8, NB_W)], nbr_v, sem_w)
    c3.wait()
    c2.wait()
    c1.wait()

    zeros16f = jnp.zeros((16,), jnp.float32)
    iota16 = lax.iota(jnp.int32, 16)

    def init_body(i, _):
      acc_v[pl.ds(i * 16, 16)] = zeros16f
      return 0
    lax.fori_loop(0, ACC_W // 16, init_body, 0)

    def rcp_body(i, _):
      nbr_v[pl.ds(i * 16, 16)] = 1.0 / nbr_v[pl.ds(i * 16, 16)]
      return 0
    lax.fori_loop(0, NB_W // 16, rcp_body, 0)

    def cnt_body(m, carry):
      ca, cb = carry
      va = ub_v[pl.ds(m * 16, 16)]
      vb = lb_v[pl.ds(m * 16, 16)]
      ca = ca + jnp.where(va < base, 1, 0)
      cb = cb + jnp.where(vb < limit, 1, 0)
      return ca, cb
    cnt0, cnt1 = lax.fori_loop(
        0, NCH_PAD // 16, cnt_body,
        (jnp.zeros((16,), jnp.int32), jnp.zeros((16,), jnp.int32)))

    def lane_sum(v):
      s = v[0]
      for l in range(1, 16):
        s = s + v[l]
      return s

    k0 = lane_sum(cnt0)
    k1 = lane_sum(cnt1)

    strip16 = iota16 * NG

    def issue(k, p):
      eo = pl.multiple_of(k * C, 8)
      po_e = pl.multiple_of(p * C, 8)
      po16 = pl.multiple_of(p * 16, 8)
      pltpu.async_copy(rows_hbm.at[pl.ds(0, 8), pl.ds(eo, C)],
                       rows_v.at[pl.ds(po16, 8), :], sem_r)
      for c in range(8, D):
        pltpu.async_copy(rows_hbm.at[pl.ds(c, 1), pl.ds(eo, C)],
                         rows_v.at[pl.ds(p * 16 + c, 1), :], sem_r)
      pltpu.async_copy(src_hbm.at[pl.ds(eo, C)],
                       src_v.at[pl.ds(po_e, C)], sem_s)
      pltpu.async_copy(w_hbm.at[pl.ds(eo, C)],
                       w_v.at[pl.ds(po_e, C)], sem_w)

    def drain(p):
      po_e = pl.multiple_of(p * C, 8)
      po16 = pl.multiple_of(p * 16, 8)
      pltpu.make_async_copy(rows_hbm.at[pl.ds(0, 8), pl.ds(0, C)],
                            rows_v.at[pl.ds(po16, 8), :], sem_r).wait()
      for c in range(8, D):
        pltpu.make_async_copy(rows_hbm.at[pl.ds(0, 1), pl.ds(0, C)],
                              rows_v.at[pl.ds(p * 16 + c, 1), :], sem_r).wait()
      pltpu.make_async_copy(src_hbm.at[pl.ds(0, C)],
                            src_v.at[pl.ds(po_e, C)], sem_s).wait()
      pltpu.make_async_copy(w_hbm.at[pl.ds(0, C)],
                            w_v.at[pl.ds(po_e, C)], sem_w).wait()

    @pl.when(k1 > k0)
    def _prologue():
      issue(k0, 0)

    @pl.when(k1 > k0 + 1)
    def _prologue2():
      issue(k0 + 1, 1)

    def chunk_body(k, _):
      p = lax.rem(k - k0, 3)
      drain(p)

      @pl.when(k + 2 < k1)
      def _next():
        issue(k + 2, lax.rem(p + 2, 3))

      eoff = p * C
      rsplat = [jnp.full((16,), 0, jnp.int32) + (p * 16 + c) for c in range(D)]

      def group_body(gg, _):
        for u in range(UNROLL):
          g = gg * UNROLL + u
          eidx = strip16 + (g + eoff)
          s16 = plsc.load_gather(src_v, [eidx])
          w16 = plsc.load_gather(w_v, [eidx])
          j = s16 - base
          inr = (j >= 0) & (j < NPT)
          jc = jnp.where(inr, j, 0)
          rcp16 = plsc.load_gather(nbr_v, [jc + off])
          wz = jnp.where(inr, w16, 0.0) * rcp16
          j11 = jc * D
          rb = strip16 + g
          cols = [plsc.load_gather(rows_v, [rsplat[c], rb]) for c in range(D)]
          vals = [cols[c] * wz for c in range(D)]
          for c in range(D):
            plsc.addupdate_scatter(acc_v, [j11 + c], vals[c])
        return 0
      lax.fori_loop(0, NG // UNROLL, group_body, 0)
      return 0

    lax.fori_loop(k0, k1, chunk_body, 0)

    pltpu.sync_copy(acc_v, out_hbm.at[wid])

  return seg_kernel


_seg_kernel = _build()


def kernel(poss_edge, edge_src, edge_weight, neighbours_sum):
  rows_t = poss_edge.T
  src_chunks = edge_src.reshape(NCHUNK, C)
  lb = jnp.pad(jnp.min(src_chunks, axis=1), (0, NCH_PAD - NCHUNK),
               constant_values=SENTINEL)
  ub = jnp.pad(jnp.max(src_chunks, axis=1), (0, NCH_PAD - NCHUNK),
               constant_values=SENTINEL)
  out_raw = _seg_kernel(rows_t, edge_src, edge_weight, neighbours_sum,
                        lb, ub)
  return out_raw[:, : NPT * D].reshape(N_NODES, D)

# --- scband reference (transcript-rebuilt; emitter-appended) ---
"""Pipeline reference for scband-basic-model-24472723653107 (READ-ONLY COPY).

The authoritative reference and input builder live on the scoring server;
editing this copy changes nothing except your own understanding.
"""

import jax, jax.numpy as jnp
import numpy as np

N_NODES = 100000
N_EDGES = 3200000
NUM_CLASS = 10
D = NUM_CLASS + 1


def setup_inputs(seed: int = 0) -> dict:
    key = jax.random.key(seed)
    k1, k2, k3, k4 = jax.random.split(key, 4)
    # per-edge class probabilities (output of abstract predict_edges)
    poss_edge = jax.random.normal(k1, (N_EDGES, D), dtype=jnp.float32)
    # source node of each edge; sorted so segment reduce sees grouped segments
    edge_src = jnp.sort(jax.random.randint(k2, (N_EDGES,), 0, N_NODES, dtype=jnp.int32))
    # per-edge weight G.edges() -> (pair, weight)
    edge_weight = jax.random.uniform(k3, (N_EDGES,), dtype=jnp.float32)
    # G.neighbours_sum(): per-node normalizer; keep away from 0 for stability
    neighbours_sum = jax.random.uniform(k4, (N_NODES,), dtype=jnp.float32, minval=1.0, maxval=2.0)
    return {
        "poss_edge": poss_edge,
        "edge_src": edge_src,
        "edge_weight": edge_weight,
        "neighbours_sum": neighbours_sum,
    }


def reference(poss_edge, edge_src, edge_weight, neighbours_sum):
    # for i, (edge, weight) in enumerate(G.edges()):
    #     poss_node[edge[0]] += poss_edge[i] * weight
    weighted = poss_edge * edge_weight[:, None]
    poss_node = jax.ops.segment_sum(weighted, edge_src, num_segments=N_NODES)
    # poss_node /= neighbours_sum
    poss_node = poss_node / neighbours_sum[:, None]
    return poss_node

if __name__ == "__main__":
    import jax
    _d = setup_inputs()
    print(jax.jit(kernel)(*tuple(_d.values())))

</pallas_src>

<mosaic_0001>
#map = affine_map<(d0, d1) -> (0, 0)>
#map1 = affine_map<(d0, d1) -> (0)>
module attributes {stable_mosaic.version = 14 : i64} {
  func.func @seg_kernel(%arg0: i32, %arg1: i32, %arg2: memref<11x3200000xf32, #tpu.memory_space<hbm>>, %arg3: memref<3200000xi32, #tpu.memory_space<hbm>>, %arg4: memref<3200000xf32, #tpu.memory_space<hbm>>, %arg5: memref<100000xf32, #tpu.memory_space<hbm>>, %arg6: memref<2512xi32, #tpu.memory_space<hbm>>, %arg7: memref<2512xi32, #tpu.memory_space<hbm>>, %arg8: memref<32x34384xf32, #tpu.memory_space<hbm>>, %arg9: memref<34384xf32, #tpu.memory_space<vmem>>, %arg10: memref<48x1280xf32, #tpu.memory_space<vmem>>, %arg11: memref<3840xi32, #tpu.memory_space<vmem>>, %arg12: memref<3840xf32, #tpu.memory_space<vmem>>, %arg13: memref<3136xf32, #tpu.memory_space<vmem>>, %arg14: memref<2512xi32, #tpu.memory_space<vmem>>, %arg15: memref<2512xi32, #tpu.memory_space<vmem>>, %arg16: memref<!tpu.dma_semaphore, #tpu.memory_space<semaphore_mem>>, %arg17: memref<!tpu.dma_semaphore, #tpu.memory_space<semaphore_mem>>, %arg18: memref<!tpu.dma_semaphore, #tpu.memory_space<semaphore_mem>>) attributes {dimension_semantics = [#tpu.dimension_semantics<core_parallel>, #tpu.dimension_semantics<subcore_parallel>], iteration_bounds = array<i64: 2, 16>, scalar_prefetch = 0 : i64, scratch_operands = 10 : i64, tpu.core_type = #tpu.core_type<sc_vector_subcore>, window_params = [{transform_indices = #map}, {transform_indices = #map1}, {transform_indices = #map1}, {transform_indices = #map1}, {transform_indices = #map1}, {transform_indices = #map1}, {transform_indices = #map}]} {
    %mul3A = arith.constant 16 : i32
    %mul3A_0 = arith.muli %arg0, %mul3A : i32
    %add3A = arith.addi %mul3A_0, %arg1 : i32
    %mul3A_1 = arith.constant 3125 : i32
    %mul3A_2 = arith.muli %add3A, %mul3A_1 : i32
    %add3A_3 = arith.constant 3125 : i32
    %add3A_4 = arith.addi %mul3A_2, %add3A_3 : i32
    %rem3A = arith.constant 8 : i32
    %rem3A_5 = arith.remsi %mul3A_2, %rem3A : i32
    %sub3A = arith.subi %mul3A_2, %rem3A_5 : i32
    %min3A = arith.constant 96864 : i32
    %min3A_6 = arith.minsi %sub3A, %min3A : i32
    %multiple_of3A = tpu.assume_multiple %min3A_6, 8 : i32
    %sub3A_7 = arith.subi %mul3A_2, %multiple_of3A : i32
    tpu.enqueue_dma source(%arg6 : memref<2512xi32, #tpu.memory_space<hbm>>) target(%arg14 : memref<2512xi32, #tpu.memory_space<vmem>>) target_semaphore(%arg16 : memref<!tpu.dma_semaphore, #tpu.memory_space<semaphore_mem>>)
    tpu.enqueue_dma source(%arg7 : memref<2512xi32, #tpu.memory_space<hbm>>) target(%arg15 : memref<2512xi32, #tpu.memory_space<vmem>>) target_semaphore(%arg17 : memref<!tpu.dma_semaphore, #tpu.memory_space<semaphore_mem>>)
    %dma_start3A = tpu.memref_slice %arg5[%multiple_of3A] : memref<100000xf32, #tpu.memory_space<hbm>> -> memref<3136xf32, #tpu.memory_space<hbm>>
    %dma_start3A_8 = tpu.memref_slice %arg5[%multiple_of3A] : memref<100000xf32, #tpu.memory_space<hbm>> -> memref<3136xf32, #tpu.memory_space<hbm>>
    tpu.enqueue_dma source(%dma_start3A_8 : memref<3136xf32, #tpu.memory_space<hbm>>) target(%arg13 : memref<3136xf32, #tpu.memory_space<vmem>>) target_semaphore(%arg18 : memref<!tpu.dma_semaphore, #tpu.memory_space<semaphore_mem>>)
    %dma_wait3A = tpu.memref_slice %arg5[%multiple_of3A] : memref<100000xf32, #tpu.memory_space<hbm>> -> memref<3136xf32, #tpu.memory_space<hbm>>
    %dma_wait3A_9 = tpu.memref_slice %arg5[%multiple_of3A] : memref<100000xf32, #tpu.memory_space<hbm>> -> memref<3136xf32, #tpu.memory_space<hbm>>
    tpu.wait_dma2 semaphore(%arg18 : memref<!tpu.dma_semaphore, #tpu.memory_space<semaphore_mem>>) src(%dma_wait3A_9 : memref<3136xf32, #tpu.memory_space<hbm>>) dst(%arg13 : memref<3136xf32, #tpu.memory_space<vmem>>)
    tpu.wait_dma2 semaphore(%arg17 : memref<!tpu.dma_semaphore, #tpu.memory_space<semaphore_mem>>) src(%arg7 : memref<2512xi32, #tpu.memory_space<hbm>>) dst(%arg15 : memref<2512xi32, #tpu.memory_space<vmem>>)
    tpu.wait_dma2 semaphore(%arg16 : memref<!tpu.dma_semaphore, #tpu.memory_space<semaphore_mem>>) src(%arg6 : memref<2512xi32, #tpu.memory_space<hbm>>) dst(%arg14 : memref<2512xi32, #tpu.memory_space<vmem>>)
    %broadcast_in_dim3A = arith.constant 0.000000e+00 : f32
    %broadcast_in_dim3A_10 = vector.broadcast %broadcast_in_dim3A : f32 to vector<16xf32>
    %iota3A = tpu.iota {dimensions = array<i32: 0>} : vector<16xi32>
    %scan3A = arith.constant 0 : i32
    %scan3A_11 = arith.constant 0 : i32
    %scan3A_12 = arith.constant 2149 : i32
    %scan3A_13 = arith.addi %scan3A_11, %scan3A_12 : i32
    %scan3A_14 = arith.constant 1 : i32
    %scan3A_15 = scf.for %scan3A_146 = %scan3A_11 to %scan3A_13 step %scan3A_14 iter_args(%scan3A_147 = %scan3A) -> (i32)  : i32 {
      %mul3A_148 = arith.constant 16 : i32
      %mul3A_149 = arith.muli %scan3A_146, %mul3A_148 : i32
      %swap3A = arith.index_cast %mul3A_149 : i32 to index
      %swap3A_150 = tpu.vector_load %arg9[%swap3A] {strides = array<i32>} : memref<34384xf32, #tpu.memory_space<vmem>>, vector<16xf32>,
      tpu.vector_store %arg9[%swap3A], %broadcast_in_dim3A_10 {strides = array<i32>} : memref<34384xf32, #tpu.memory_space<vmem>>, vector<16xf32>,
      %scan3A_151 = arith.constant 0 : i32
      scf.yield %scan3A_151 : i32
    }
    %scan3A_16 = arith.constant 2149 : i32
    %scan3A_17 = arith.constant 0 : i32
    %scan3A_18 = arith.constant 0 : i32
    %scan3A_19 = arith.constant 196 : i32
    %scan3A_20 = arith.addi %scan3A_18, %scan3A_19 : i32
    %scan3A_21 = arith.constant 1 : i32
    %scan3A_22 = scf.for %scan3A_146 = %scan3A_18 to %scan3A_20 step %scan3A_21 iter_args(%scan3A_147 = %scan3A_17) -> (i32)  : i32 {
      %mul3A_148 = arith.constant 16 : i32
      %mul3A_149 = arith.muli %scan3A_146, %mul3A_148 : i32
      %get3A = arith.index_cast %mul3A_149 : i32 to index
      %get3A_150 = tpu.vector_load %arg13[%get3A] {strides = array<i32>} : memref<3136xf32, #tpu.memory_space<vmem>>, vector<16xf32>,
      %div3A = arith.constant 1.000000e+00 : f32
      %div3A_151 = vector.broadcast %div3A : f32 to vector<16xf32>
      %div3A_152 = arith.divf %div3A_151, %get3A_150 : vector<16xf32>
      %mul3A_153 = arith.constant 16 : i32
      %mul3A_154 = arith.muli %scan3A_146, %mul3A_153 : i32
      %swap3A = arith.index_cast %mul3A_154 : i32 to index
      %swap3A_155 = tpu.vector_load %arg13[%swap3A] {strides = array<i32>} : memref<3136xf32, #tpu.memory_space<vmem>>, vector<16xf32>,
      tpu.vector_store %arg13[%swap3A], %div3A_152 {strides = array<i32>} : memref<3136xf32, #tpu.memory_space<vmem>>, vector<16xf32>,
      %scan3A_156 = arith.constant 0 : i32
      scf.yield %scan3A_156 : i32
    }
    %scan3A_23 = arith.constant 196 : i32
    %broadcast_in_dim3A_24 = arith.constant 0 : i32
    %broadcast_in_dim3A_25 = vector.broadcast %broadcast_in_dim3A_24 : i32 to vector<16xi32>
    %broadcast_in_dim3A_26 = arith.constant 0 : i32
    %broadcast_in_dim3A_27 = vector.broadcast %broadcast_in_dim3A_26 : i32 to vector<16xi32>
    %scan3A_28 = arith.constant 0 : i32
    %scan3A_29 = arith.constant 157 : i32
    %scan3A_30 = arith.addi %scan3A_28, %scan3A_29 : i32
    %scan3A_31 = arith.constant 1 : i32
    %scan3A_32:2 = scf.for %scan3A_146 = %scan3A_28 to %scan3A_30 step %scan3A_31 iter_args(%scan3A_147 = %broadcast_in_dim3A_25, %scan3A_148 = %broadcast_in_dim3A_27) -> (vector<16xi32>, vector<16xi32>)  : i32 {
      %mul3A_149 = arith.constant 16 : i32
      %mul3A_150 = arith.muli %scan3A_146, %mul3A_149 : i32
      %get3A = arith.index_cast %mul3A_150 : i32 to index
      %get3A_151 = tpu.vector_load %arg15[%get3A] {strides = array<i32>} : memref<2512xi32, #tpu.memory_space<vmem>>, vector<16xi32>,
      %mul3A_152 = arith.constant 16 : i32
      %mul3A_153 = arith.muli %scan3A_146, %mul3A_152 : i32
      %get3A_154 = arith.index_cast %mul3A_153 : i32 to index
      %get3A_155 = tpu.vector_load %arg14[%get3A_154] {strides = array<i32>} : memref<2512xi32, #tpu.memory_space<vmem>>, vector<16xi32>,
      %lt3A = vector.broadcast %mul3A_2 : i32 to vector<16xi32>
      %lt3A_156 = arith.cmpi slt, %get3A_151, %lt3A : vector<16xi32>
      %jit3A = arith.constant 1 : i32
      %jit3A_157 = arith.constant 0 : i32
      %broadcast_in_dim3A_158 = vector.broadcast %jit3A : i32 to vector<16xi32>
      %broadcast_in_dim3A_159 = vector.broadcast %jit3A_157 : i32 to vector<16xi32>
      %select_n3A = arith.select %lt3A_156, %broadcast_in_dim3A_158, %broadcast_in_dim3A_159 : vector<16xi1>, vector<16xi32>
      %add3A_160 = arith.addi %scan3A_147, %select_n3A : vector<16xi32>
      %lt3A_161 = vector.broadcast %add3A_4 : i32 to vector<16xi32>
      %lt3A_162 = arith.cmpi slt, %get3A_155, %lt3A_161 : vector<16xi32>
      %jit3A_163 = arith.constant 1 : i32
      %jit3A_164 = arith.constant 0 : i32
      %broadcast_in_dim3A_165 = vector.broadcast %jit3A_163 : i32 to vector<16xi32>
      %broadcast_in_dim3A_166 = vector.broadcast %jit3A_164 : i32 to vector<16xi32>
      %select_n3A_167 = arith.select %lt3A_162, %broadcast_in_dim3A_165, %broadcast_in_dim3A_166 : vector<16xi1>, vector<16xi32>
      %add3A_168 = arith.addi %scan3A_148, %select_n3A_167 : vector<16xi32>
      scf.yield %add3A_160, %add3A_168 : vector<16xi32>, vector<16xi32>
    }
    %scan3A_33 = arith.constant 157 : i32
    %slice3A = vector.extract_strided_slice %scan3A_32#0 {offsets = [0], sizes = [1], strides = [1]} : vector<16xi32> to vector<1xi32>
    %squeeze3A = vector.extract %slice3A[0] : i32 from vector<1xi32>
    %slice3A_34 = vector.extract_strided_slice %scan3A_32#0 {offsets = [1], sizes = [1], strides = [1]} : vector<16xi32> to vector<1xi32>
    %squeeze3A_35 = vector.extract %slice3A_34[0] : i32 from vector<1xi32>
    %add3A_36 = arith.addi %squeeze3A, %squeeze3A_35 : i32
    %slice3A_37 = vector.extract_strided_slice %scan3A_32#0 {offsets = [2], sizes = [1], strides = [1]} : vector<16xi32> to vector<1xi32>
    %squeeze3A_38 = vector.extract %slice3A_37[0] : i32 from vector<1xi32>
    %add3A_39 = arith.addi %add3A_36, %squeeze3A_38 : i32
    %slice3A_40 = vector.extract_strided_slice %scan3A_32#0 {offsets = [3], sizes = [1], strides = [1]} : vector<16xi32> to vector<1xi32>
    %squeeze3A_41 = vector.extract %slice3A_40[0] : i32 from vector<1xi32>
    %add3A_42 = arith.addi %add3A_39, %squeeze3A_41 : i32
    %slice3A_43 = vector.extract_strided_slice %scan3A_32#0 {offsets = [4], sizes = [1], strides = [1]} : vector<16xi32> to vector<1xi32>
    %squeeze3A_44 = vector.extract %slice3A_43[0] : i32 from vector<1xi32>
    %add3A_45 = arith.addi %add3A_42, %squeeze3A_44 : i32
    %slice3A_46 = vector.extract_strided_slice %scan3A_32#0 {offsets = [5], sizes = [1], strides = [1]} : vector<16xi32> to vector<1xi32>
    %squeeze3A_47 = vector.extract %slice3A_46[0] : i32 from vector<1xi32>
    %add3A_48 = arith.addi %add3A_45, %squeeze3A_47 : i32
    %slice3A_49 = vector.extract_strided_slice %scan3A_32#0 {offsets = [6], sizes = [1], strides = [1]} : vector<16xi32> to vector<1xi32>
    %squeeze3A_50 = vector.extract %slice3A_49[0] : i32 from vector<1xi32>
    %add3A_51 = arith.addi %add3A_48, %squeeze3A_50 : i32
    %slice3A_52 = vector.extract_strided_slice %scan3A_32#0 {offsets = [7], sizes = [1], strides = [1]} : vector<16xi32> to vector<1xi32>
    %squeeze3A_53 = vector.extract %slice3A_52[0] : i32 from vector<1xi32>
    %add3A_54 = arith.addi %add3A_51, %squeeze3A_53 : i32
    %slice3A_55 = vector.extract_strided_slice %scan3A_32#0 {offsets = [8], sizes = [1], strides = [1]} : vector<16xi32> to vector<1xi32>
    %squeeze3A_56 = vector.extract %slice3A_55[0] : i32 from vector<1xi32>
    %add3A_57 = arith.addi %add3A_54, %squeeze3A_56 : i32
    %slice3A_58 = vector.extract_strided_slice %scan3A_32#0 {offsets = [9], sizes = [1], strides = [1]} : vector<16xi32> to vector<1xi32>
    %squeeze3A_59 = vector.extract %slice3A_58[0] : i32 from vector<1xi32>
    %add3A_60 = arith.addi %add3A_57, %squeeze3A_59 : i32
    %slice3A_61 = vector.extract_strided_slice %scan3A_32#0 {offsets = [10], sizes = [1], strides = [1]} : vector<16xi32> to vector<1xi32>
    %squeeze3A_62 = vector.extract %slice3A_61[0] : i32 from vector<1xi32>
    %add3A_63 = arith.addi %add3A_60, %squeeze3A_62 : i32
    %slice3A_64 = vector.extract_strided_slice %scan3A_32#0 {offsets = [11], sizes = [1], strides = [1]} : vector<16xi32> to vector<1xi32>
    %squeeze3A_65 = vector.extract %slice3A_64[0] : i32 from vector<1xi32>
    %add3A_66 = arith.addi %add3A_63, %squeeze3A_65 : i32
    %slice3A_67 = vector.extract_strided_slice %scan3A_32#0 {offsets = [12], sizes = [1], strides = [1]} : vector<16xi32> to vector<1xi32>
    %squeeze3A_68 = vector.extract %slice3A_67[0] : i32 from vector<1xi32>
    %add3A_69 = arith.addi %add3A_66, %squeeze3A_68 : i32
    %slice3A_70 = vector.extract_strided_slice %scan3A_32#0 {offsets = [13], sizes = [1], strides = [1]} : vector<16xi32> to vector<1xi32>
    %squeeze3A_71 = vector.extract %slice3A_70[0] : i32 from vector<1xi32>
    %add3A_72 = arith.addi %add3A_69, %squeeze3A_71 : i32
    %slice3A_73 = vector.extract_strided_slice %scan3A_32#0 {offsets = [14], sizes = [1], strides = [1]} : vector<16xi32> to vector<1xi32>
    %squeeze3A_74 = vector.extract %slice3A_73[0] : i32 from vector<1xi32>
    %add3A_75 = arith.addi %add3A_72, %squeeze3A_74 : i32
    %slice3A_76 = vector.extract_strided_slice %scan3A_32#0 {offsets = [15], sizes = [1], strides = [1]} : vector<16xi32> to vector<1xi32>
    %squeeze3A_77 = vector.extract %slice3A_76[0] : i32 from vector<1xi32>
    %add3A_78 = arith.addi %add3A_75, %squeeze3A_77 : i32
    %slice3A_79 = vector.extract_strided_slice %scan3A_32#1 {offsets = [0], sizes = [1], strides = [1]} : vector<16xi32> to vector<1xi32>
    %squeeze3A_80 = vector.extract %slice3A_79[0] : i32 from vector<1xi32>
    %slice3A_81 = vector.extract_strided_slice %scan3A_32#1 {offsets = [1], sizes = [1], strides = [1]} : vector<16xi32> to vector<1xi32>
    %squeeze3A_82 = vector.extract %slice3A_81[0] : i32 from vector<1xi32>
    %add3A_83 = arith.addi %squeeze3A_80, %squeeze3A_82 : i32
    %slice3A_84 = vector.extract_strided_slice %scan3A_32#1 {offsets = [2], sizes = [1], strides = [1]} : vector<16xi32> to vector<1xi32>
    %squeeze3A_85 = vector.extract %slice3A_84[0] : i32 from vector<1xi32>
    %add3A_86 = arith.addi %add3A_83, %squeeze3A_85 : i32
    %slice3A_87 = vector.extract_strided_slice %scan3A_32#1 {offsets = [3], sizes = [1], strides = [1]} : vector<16xi32> to vector<1xi32>
    %squeeze3A_88 = vector.extract %slice3A_87[0] : i32 from vector<1xi32>
    %add3A_89 = arith.addi %add3A_86, %squeeze3A_88 : i32
    %slice3A_90 = vector.extract_strided_slice %scan3A_32#1 {offsets = [4], sizes = [1], strides = [1]} : vector<16xi32> to vector<1xi32>
    %squeeze3A_91 = vector.extract %slice3A_90[0] : i32 from vector<1xi32>
    %add3A_92 = arith.addi %add3A_89, %squeeze3A_91 : i32
    %slice3A_93 = vector.extract_strided_slice %scan3A_32#1 {offsets = [5], sizes = [1], strides = [1]} : vector<16xi32> to vector<1xi32>
    %squeeze3A_94 = vector.extract %slice3A_93[0] : i32 from vector<1xi32>
    %add3A_95 = arith.addi %add3A_92, %squeeze3A_94 : i32
    %slice3A_96 = vector.extract_strided_slice %scan3A_32#1 {offsets = [6], sizes = [1], strides = [1]} : vector<16xi32> to vector<1xi32>
    %squeeze3A_97 = vector.extract %slice3A_96[0] : i32 from vector<1xi32>
    %add3A_98 = arith.addi %add3A_95, %squeeze3A_97 : i32
    %slice3A_99 = vector.extract_strided_slice %scan3A_32#1 {offsets = [7], sizes = [1], strides = [1]} : vector<16xi32> to vector<1xi32>
    %squeeze3A_100 = vector.extract %slice3A_99[0] : i32 from vector<1xi32>
    %add3A_101 = arith.addi %add3A_98, %squeeze3A_100 : i32
    %slice3A_102 = vector.extract_strided_slice %scan3A_32#1 {offsets = [8], sizes = [1], strides = [1]} : vector<16xi32> to vector<1xi32>
    %squeeze3A_103 = vector.extract %slice3A_102[0] : i32 from vector<1xi32>
    %add3A_104 = arith.addi %add3A_101, %squeeze3A_103 : i32
    %slice3A_105 = vector.extract_strided_slice %scan3A_32#1 {offsets = [9], sizes = [1], strides = [1]} : vector<16xi32> to vector<1xi32>
    %squeeze3A_106 = vector.extract %slice3A_105[0] : i32 from vector<1xi32>
    %add3A_107 = arith.addi %add3A_104, %squeeze3A_106 : i32
    %slice3A_108 = vector.extract_strided_slice %scan3A_32#1 {offsets = [10], sizes = [1], strides = [1]} : vector<16xi32> to vector<1xi32>
    %squeeze3A_109 = vector.extract %slice3A_108[0] : i32 from vector<1xi32>
    %add3A_110 = arith.addi %add3A_107, %squeeze3A_109 : i32
    %slice3A_111 = vector.extract_strided_slice %scan3A_32#1 {offsets = [11], sizes = [1], strides = [1]} : vector<16xi32> to vector<1xi32>
    %squeeze3A_112 = vector.extract %slice3A_111[0] : i32 from vector<1xi32>
    %add3A_113 = arith.addi %add3A_110, %squeeze3A_112 : i32
    %slice3A_114 = vector.extract_strided_slice %scan3A_32#1 {offsets = [12], sizes = [1], strides = [1]} : vector<16xi32> to vector<1xi32>
    %squeeze3A_115 = vector.extract %slice3A_114[0] : i32 from vector<1xi32>
    %add3A_116 = arith.addi %add3A_113, %squeeze3A_115 : i32
    %slice3A_117 = vector.extract_strided_slice %scan3A_32#1 {offsets = [13], sizes = [1], strides = [1]} : vector<16xi32> to vector<1xi32>
    %squeeze3A_118 = vector.extract %slice3A_117[0] : i32 from vector<1xi32>
    %add3A_119 = arith.addi %add3A_116, %squeeze3A_118 : i32
    %slice3A_120 = vector.extract_strided_slice %scan3A_32#1 {offsets = [14], sizes = [1], strides = [1]} : vector<16xi32> to vector<1xi32>
    %squeeze3A_121 = vector.extract %slice3A_120[0] : i32 from vector<1xi32>
    %add3A_122 = arith.addi %add3A_119, %squeeze3A_121 : i32
    %slice3A_123 = vector.extract_strided_slice %scan3A_32#1 {offsets = [15], sizes = [1], strides = [1]} : vector<16xi32> to vector<1xi32>
    %squeeze3A_124 = vector.extract %slice3A_123[0] : i32 from vector<1xi32>
    %add3A_125 = arith.addi %add3A_122, %squeeze3A_124 : i32
    %mul3A_126 = arith.constant 80 : i32
    %mul3A_127 = vector.broadcast %mul3A_126 : i32 to vector<16xi32>
    %mul3A_128 = arith.muli %iota3A, %mul3A_127 : vector<16xi32>
    %gt3A = arith.cmpi sgt, %add3A_125, %add3A_78 : i32
    %convert_element_type3A = arith.extui %gt3A : i1 to i32
    %cond3A = arith.constant 0 : i32
    %cond3A_129 = arith.cmpi ne, %convert_element_type3A, %cond3A : i32
    scf.if %cond3A_129 {
      %mul3A_146 = arith.constant 1280 : i32
      %mul3A_147 = arith.muli %add3A_78, %mul3A_146 : i32
      %multiple_of3A_148 = tpu.assume_multiple %mul3A_147, 8 : i32
      %multiple_of3A_149 = arith.constant 0 : i32
      %multiple_of3A_150 = tpu.assume_multiple %multiple_of3A_149, 8 : i32
      %multiple_of3A_151 = arith.constant 0 : i32
      %multiple_of3A_152 = tpu.assume_multiple %multiple_of3A_151, 8 : i32
      %dma_start3A_153 = arith.constant 0 : i32
      %dma_start3A_154 = tpu.memref_slice %arg10[%multiple_of3A_152, %dma_start3A_153] : memref<48x1280xf32, #tpu.memory_space<vmem>> -> memref<8x1280xf32, #tpu.memory_space<vmem>>
      %dma_start3A_155 = arith.constant 0 : i32
      %dma_start3A_156 = tpu.memref_slice %arg2[%dma_start3A_155, %multiple_of3A_148] : memref<11x3200000xf32, #tpu.memory_space<hbm>> -> memref<8x1280xf32, #tpu.memory_space<hbm>>
      %dma_start3A_157 = arith.constant 0 : i32
      %dma_start3A_158 = tpu.memref_slice %arg10[%multiple_of3A_152, %dma_start3A_157] : memref<48x1280xf32, #tpu.memory_space<vmem>> -> memref<8x1280xf32, #tpu.memory_space<vmem>>
      %dma_start3A_159 = arith.constant 0 : i32
      %dma_start3A_160 = tpu.memref_slice %arg2[%dma_start3A_159, %multiple_of3A_148] : memref<11x3200000xf32, #tpu.memory_space<hbm>> -> memref<8x1280xf32, #tpu.memory_space<hbm>>
      tpu.enqueue_dma source(%dma_start3A_160 : memref<8x1280xf32, #tpu.memory_space<hbm>>) target(%dma_start3A_158 : memref<8x1280xf32, #tpu.memory_space<vmem>>) target_semaphore(%arg16 : memref<!tpu.dma_semaphore, #tpu.memory_space<semaphore_mem>>)
      %dma_start3A_161 = arith.constant 8 : i32
      %dma_start3A_162 = arith.constant 0 : i32
      %dma_start3A_163 = tpu.memref_slice %arg10[%dma_start3A_161, %dma_start3A_162] : memref<48x1280xf32, #tpu.memory_space<vmem>> -> memref<1x1280xf32, #tpu.memory_space<vmem>>
      %dma_start3A_164 = arith.constant 8 : i32
      %dma_start3A_165 = tpu.memref_slice %arg2[%dma_start3A_164, %multiple_of3A_148] : memref<11x3200000xf32, #tpu.memory_space<hbm>> -> memref<1x1280xf32, #tpu.memory_space<hbm>>
      %dma_start3A_166 = arith.constant 8 : i32
      %dma_start3A_167 = arith.constant 0 : i32
      %dma_start3A_168 = tpu.memref_slice %arg10[%dma_start3A_166, %dma_start3A_167] : memref<48x1280xf32, #tpu.memory_space<vmem>> -> memref<1x1280xf32, #tpu.memory_space<vmem>>
      %dma_start3A_169 = arith.constant 8 : i32
      %dma_start3A_170 = tpu.memref_slice %arg2[%dma_start3A_169, %multiple_of3A_148] : memref<11x3200000xf32, #tpu.memory_space<hbm>> -> memref<1x1280xf32, #tpu.memory_space<hbm>>
      tpu.enqueue_dma source(%dma_start3A_170 : memref<1x1280xf32, #tpu.memory_space<hbm>>) target(%dma_start3A_168 : memref<1x1280xf32, #tpu.memory_space<vmem>>) target_semaphore(%arg16 : memref<!tpu.dma_semaphore, #tpu.memory_space<semaphore_mem>>)
      %dma_start3A_171 = arith.constant 9 : i32
      %dma_start3A_172 = arith.constant 0 : i32
      %dma_start3A_173 = tpu.memref_slice %arg10[%dma_start3A_171, %dma_start3A_172] : memref<48x1280xf32, #tpu.memory_space<vmem>> -> memref<1x1280xf32, #tpu.memory_space<vmem>>
      %dma_start3A_174 = arith.constant 9 : i32
      %dma_start3A_175 = tpu.memref_slice %arg2[%dma_start3A_174, %multiple_of3A_148] : memref<11x3200000xf32, #tpu.memory_space<hbm>> -> memref<1x1280xf32, #tpu.memory_space<hbm>>
      %dma_start3A_176 = arith.constant 9 : i32
      %dma_start3A_177 = arith.constant 0 : i32
      %dma_start3A_178 = tpu.memref_slice %arg10[%dma_start3A_176, %dma_start3A_177] : memref<48x1280xf32, #tpu.memory_space<vmem>> -> memref<1x1280xf32, #tpu.memory_space<vmem>>
      %dma_start3A_179 = arith.constant 9 : i32
      %dma_start3A_180 = tpu.memref_slice %arg2[%dma_start3A_179, %multiple_of3A_148] : memref<11x3200000xf32, #tpu.memory_space<hbm>> -> memref<1x1280xf32, #tpu.memory_space<hbm>>
      tpu.enqueue_dma source(%dma_start3A_180 : memref<1x1280xf32, #tpu.memory_space<hbm>>) target(%dma_start3A_178 : memref<1x1280xf32, #tpu.memory_space<vmem>>) target_semaphore(%arg16 : memref<!tpu.dma_semaphore, #tpu.memory_space<semaphore_mem>>)
      %dma_start3A_181 = arith.constant 10 : i32
      %dma_start3A_182 = arith.constant 0 : i32
      %dma_start3A_183 = tpu.memref_slice %arg10[%dma_start3A_181, %dma_start3A_182] : memref<48x1280xf32, #tpu.memory_space<vmem>> -> memref<1x1280xf32, #tpu.memory_space<vmem>>
      %dma_start3A_184 = arith.constant 10 : i32
      %dma_start3A_185 = tpu.memref_slice %arg2[%dma_start3A_184, %multiple_of3A_148] : memref<11x3200000xf32, #tpu.memory_space<hbm>> -> memref<1x1280xf32, #tpu.memory_space<hbm>>
      %dma_start3A_186 = arith.constant 10 : i32
      %dma_start3A_187 = arith.constant 0 : i32
      %dma_start3A_188 = tpu.memref_slice %arg10[%dma_start3A_186, %dma_start3A_187] : memref<48x1280xf32, #tpu.memory_space<vmem>> -> memref<1x1280xf32, #tpu.memory_space<vmem>>
      %dma_start3A_189 = arith.constant 10 : i32
      %dma_start3A_190 = tpu.memref_slice %arg2[%dma_start3A_189, %multiple_of3A_148] : memref<11x3200000xf32, #tpu.memory_space<hbm>> -> memref<1x1280xf32, #tpu.memory_space<hbm>>
      tpu.enqueue_dma source(%dma_start3A_190 : memref<1x1280xf32, #tpu.memory_space<hbm>>) target(%dma_start3A_188 : memref<1x1280xf32, #tpu.memory_space<vmem>>) target_semaphore(%arg16 : memref<!tpu.dma_semaphore, #tpu.memory_space<semaphore_mem>>)
      %dma_start3A_191 = tpu.memref_slice %arg11[%multiple_of3A_150] : memref<3840xi32, #tpu.memory_space<vmem>> -> memref<1280xi32, #tpu.memory_space<vmem>>
      %dma_start3A_192 = tpu.memref_slice %arg3[%multiple_of3A_148] : memref<3200000xi32, #tpu.memory_space<hbm>> -> memref<1280xi32, #tpu.memory_space<hbm>>
      %dma_start3A_193 = tpu.memref_slice %arg11[%multiple_of3A_150] : memref<3840xi32, #tpu.memory_space<vmem>> -> memref<1280xi32, #tpu.memory_space<vmem>>
      %dma_start3A_194 = tpu.memref_slice %arg3[%multiple_of3A_148] : memref<3200000xi32, #tpu.memory_space<hbm>> -> memref<1280xi32, #tpu.memory_space<hbm>>
      tpu.enqueue_dma source(%dma_start3A_194 : memref<1280xi32, #tpu.memory_space<hbm>>) target(%dma_start3A_193 : memref<1280xi32, #tpu.memory_space<vmem>>) target_semaphore(%arg17 : memref<!tpu.dma_semaphore, #tpu.memory_space<semaphore_mem>>)
      %dma_start3A_195 = tpu.memref_slice %arg12[%multiple_of3A_150] : memref<3840xf32, #tpu.memory_space<vmem>> -> memref<1280xf32, #tpu.memory_space<vmem>>
      %dma_start3A_196 = tpu.memref_slice %arg4[%multiple_of3A_148] : memref<3200000xf32, #tpu.memory_space<hbm>> -> memref<1280xf32, #tpu.memory_space<hbm>>
      %dma_start3A_197 = tpu.memref_slice %arg12[%multiple_of3A_150] : memref<3840xf32, #tpu.memory_space<vmem>> -> memref<1280xf32, #tpu.memory_space<vmem>>
      %dma_start3A_198 = tpu.memref_slice %arg4[%multiple_of3A_148] : memref<3200000xf32, #tpu.memory_space<hbm>> -> memref<1280xf32, #tpu.memory_space<hbm>>
      tpu.enqueue_dma source(%dma_start3A_198 : memref<1280xf32, #tpu.memory_space<hbm>>) target(%dma_start3A_197 : memref<1280xf32, #tpu.memory_space<vmem>>) target_semaphore(%arg18 : memref<!tpu.dma_semaphore, #tpu.memory_space<semaphore_mem>>)
    } else {
    }
    %add3A_130 = arith.constant 1 : i32
    %add3A_131 = arith.addi %add3A_78, %add3A_130 : i32
    %gt3A_132 = arith.cmpi sgt, %add3A_125, %add3A_131 : i32
    %convert_element_type3A_133 = arith.extui %gt3A_132 : i1 to i32
    %cond3A_134 = arith.constant 0 : i32
    %cond3A_135 = arith.cmpi ne, %convert_element_type3A_133, %cond3A_134 : i32
    scf.if %cond3A_135 {
      %add3A_146 = arith.constant 1 : i32
      %add3A_147 = arith.addi %add3A_78, %add3A_146 : i32
      %mul3A_148 = arith.constant 1280 : i32
      %mul3A_149 = arith.muli %add3A_147, %mul3A_148 : i32
      %multiple_of3A_150 = tpu.assume_multiple %mul3A_149, 8 : i32
      %multiple_of3A_151 = arith.constant 1280 : i32
      %multiple_of3A_152 = tpu.assume_multiple %multiple_of3A_151, 8 : i32
      %multiple_of3A_153 = arith.constant 16 : i32
      %multiple_of3A_154 = tpu.assume_multiple %multiple_of3A_153, 8 : i32
      %dma_start3A_155 = arith.constant 0 : i32
      %dma_start3A_156 = tpu.memref_slice %arg10[%multiple_of3A_154, %dma_start3A_155] : memref<48x1280xf32, #tpu.memory_space<vmem>> -> memref<8x1280xf32, #tpu.memory_space<vmem>>
      %dma_start3A_157 = arith.constant 0 : i32
      %dma_start3A_158 = tpu.memref_slice %arg2[%dma_start3A_157, %multiple_of3A_150] : memref<11x3200000xf32, #tpu.memory_space<hbm>> -> memref<8x1280xf32, #tpu.memory_space<hbm>>
      %dma_start3A_159 = arith.constant 0 : i32
      %dma_start3A_160 = tpu.memref_slice %arg10[%multiple_of3A_154, %dma_start3A_159] : memref<48x1280xf32, #tpu.memory_space<vmem>> -> memref<8x1280xf32, #tpu.memory_space<vmem>>
      %dma_start3A_161 = arith.constant 0 : i32
      %dma_start3A_162 = tpu.memref_slice %arg2[%dma_start3A_161, %multiple_of3A_150] : memref<11x3200000xf32, #tpu.memory_space<hbm>> -> memref<8x1280xf32, #tpu.memory_space<hbm>>
      tpu.enqueue_dma source(%dma_start3A_162 : memref<8x1280xf32, #tpu.memory_space<hbm>>) target(%dma_start3A_160 : memref<8x1280xf32, #tpu.memory_space<vmem>>) target_semaphore(%arg16 : memref<!tpu.dma_semaphore, #tpu.memory_space<semaphore_mem>>)
      %dma_start3A_163 = arith.constant 24 : i32
      %dma_start3A_164 = arith.constant 0 : i32
      %dma_start3A_165 = tpu.memref_slice %arg10[%dma_start3A_163, %dma_start3A_164] : memref<48x1280xf32, #tpu.memory_space<vmem>> -> memref<1x1280xf32, #tpu.memory_space<vmem>>
      %dma_start3A_166 = arith.constant 8 : i32
      %dma_start3A_167 = tpu.memref_slice %arg2[%dma_start3A_166, %multiple_of3A_150] : memref<11x3200000xf32, #tpu.memory_space<hbm>> -> memref<1x1280xf32, #tpu.memory_space<hbm>>
      %dma_start3A_168 = arith.constant 24 : i32
      %dma_start3A_169 = arith.constant 0 : i32
      %dma_start3A_170 = tpu.memref_slice %arg10[%dma_start3A_168, %dma_start3A_169] : memref<48x1280xf32, #tpu.memory_space<vmem>> -> memref<1x1280xf32, #tpu.memory_space<vmem>>
      %dma_start3A_171 = arith.constant 8 : i32
      %dma_start3A_172 = tpu.memref_slice %arg2[%dma_start3A_171, %multiple_of3A_150] : memref<11x3200000xf32, #tpu.memory_space<hbm>> -> memref<1x1280xf32, #tpu.memory_space<hbm>>
      tpu.enqueue_dma source(%dma_start3A_172 : memref<1x1280xf32, #tpu.memory_space<hbm>>) target(%dma_start3A_170 : memref<1x1280xf32, #tpu.memory_space<vmem>>) target_semaphore(%arg16 : memref<!tpu.dma_semaphore, #tpu.memory_space<semaphore_mem>>)
      %dma_start3A_173 = arith.constant 25 : i32
      %dma_start3A_174 = arith.constant 0 : i32
      %dma_start3A_175 = tpu.memref_slice %arg10[%dma_start3A_173, %dma_start3A_174] : memref<48x1280xf32, #tpu.memory_space<vmem>> -> memref<1x1280xf32, #tpu.memory_space<vmem>>
      %dma_start3A_176 = arith.constant 9 : i32
      %dma_start3A_177 = tpu.memref_slice %arg2[%dma_start3A_176, %multiple_of3A_150] : memref<11x3200000xf32, #tpu.memory_space<hbm>> -> memref<1x1280xf32, #tpu.memory_space<hbm>>
      %dma_start3A_178 = arith.constant 25 : i32
      %dma_start3A_179 = arith.constant 0 : i32
      %dma_start3A_180 = tpu.memref_slice %arg10[%dma_start3A_178, %dma_start3A_179] : memref<48x1280xf32, #tpu.memory_space<vmem>> -> memref<1x1280xf32, #tpu.memory_space<vmem>>
      %dma_start3A_181 = arith.constant 9 : i32
      %dma_start3A_182 = tpu.memref_slice %arg2[%dma_start3A_181, %multiple_of3A_150] : memref<11x3200000xf32, #tpu.memory_space<hbm>> -> memref<1x1280xf32, #tpu.memory_space<hbm>>
      tpu.enqueue_dma source(%dma_start3A_182 : memref<1x1280xf32, #tpu.memory_space<hbm>>) target(%dma_start3A_180 : memref<1x1280xf32, #tpu.memory_space<vmem>>) target_semaphore(%arg16 : memref<!tpu.dma_semaphore, #tpu.memory_space<semaphore_mem>>)
      %dma_start3A_183 = arith.constant 26 : i32
      %dma_start3A_184 = arith.constant 0 : i32
      %dma_start3A_185 = tpu.memref_slice %arg10[%dma_start3A_183, %dma_start3A_184] : memref<48x1280xf32, #tpu.memory_space<vmem>> -> memref<1x1280xf32, #tpu.memory_space<vmem>>
      %dma_start3A_186 = arith.constant 10 : i32
      %dma_start3A_187 = tpu.memref_slice %arg2[%dma_start3A_186, %multiple_of3A_150] : memref<11x3200000xf32, #tpu.memory_space<hbm>> -> memref<1x1280xf32, #tpu.memory_space<hbm>>
      %dma_start3A_188 = arith.constant 26 : i32
      %dma_start3A_189 = arith.constant 0 : i32
      %dma_start3A_190 = tpu.memref_slice %arg10[%dma_start3A_188, %dma_start3A_189] : memref<48x1280xf32, #tpu.memory_space<vmem>> -> memref<1x1280xf32, #tpu.memory_space<vmem>>
      %dma_start3A_191 = arith.constant 10 : i32
      %dma_start3A_192 = tpu.memref_slice %arg2[%dma_start3A_191, %multiple_of3A_150] : memref<11x3200000xf32, #tpu.memory_space<hbm>> -> memref<1x1280xf32, #tpu.memory_space<hbm>>
      tpu.enqueue_dma source(%dma_start3A_192 : memref<1x1280xf32, #tpu.memory_space<hbm>>) target(%dma_start3A_190 : memref<1x1280xf32, #tpu.memory_space<vmem>>) target_semaphore(%arg16 : memref<!tpu.dma_semaphore, #tpu.memory_space<semaphore_mem>>)
      %dma_start3A_193 = tpu.memref_slice %arg11[%multiple_of3A_152] : memref<3840xi32, #tpu.memory_space<vmem>> -> memref<1280xi32, #tpu.memory_space<vmem>>
      %dma_start3A_194 = tpu.memref_slice %arg3[%multiple_of3A_150] : memref<3200000xi32, #tpu.memory_space<hbm>> -> memref<1280xi32, #tpu.memory_space<hbm>>
      %dma_start3A_195 = tpu.memref_slice %arg11[%multiple_of3A_152] : memref<3840xi32, #tpu.memory_space<vmem>> -> memref<1280xi32, #tpu.memory_space<vmem>>
      %dma_start3A_196 = tpu.memref_slice %arg3[%multiple_of3A_150] : memref<3200000xi32, #tpu.memory_space<hbm>> -> memref<1280xi32, #tpu.memory_space<hbm>>
      tpu.enqueue_dma source(%dma_start3A_196 : memref<1280xi32, #tpu.memory_space<hbm>>) target(%dma_start3A_195 : memref<1280xi32, #tpu.memory_space<vmem>>) target_semaphore(%arg17 : memref<!tpu.dma_semaphore, #tpu.memory_space<semaphore_mem>>)
      %dma_start3A_197 = tpu.memref_slice %arg12[%multiple_of3A_152] : memref<3840xf32, #tpu.memory_space<vmem>> -> memref<1280xf32, #tpu.memory_space<vmem>>
      %dma_start3A_198 = tpu.memref_slice %arg4[%multiple_of3A_150] : memref<3200000xf32, #tpu.memory_space<hbm>> -> memref<1280xf32, #tpu.memory_space<hbm>>
      %dma_start3A_199 = tpu.memref_slice %arg12[%multiple_of3A_152] : memref<3840xf32, #tpu.memory_space<vmem>> -> memref<1280xf32, #tpu.memory_space<vmem>>
      %dma_start3A_200 = tpu.memref_slice %arg4[%multiple_of3A_150] : memref<3200000xf32, #tpu.memory_space<hbm>> -> memref<1280xf32, #tpu.memory_space<hbm>>
      tpu.enqueue_dma source(%dma_start3A_200 : memref<1280xf32, #tpu.memory_space<hbm>>) target(%dma_start3A_199 : memref<1280xf32, #tpu.memory_space<vmem>>) target_semaphore(%arg18 : memref<!tpu.dma_semaphore, #tpu.memory_space<semaphore_mem>>)
    } else {
    }
    %while3A = arith.constant 0 : i32
    %while3A_136 = arith.subi %add3A_125, %add3A_78 : i32
    %while3A_137 = arith.addi %add3A_78, %while3A_136 : i32
    %while3A_138 = arith.constant 1 : i32
    %while3A_139 = arith.divsi %while3A_136, %while3A_138 : i32
    %while3A_140 = arith.muli %while3A_139, %while3A_138 : i32
    %while3A_141 = arith.addi %add3A_78, %while3A_140 : i32
    %while3A_142 = arith.constant 1 : i32
    %while3A_143 = scf.for %while3A_146 = %add3A_78 to %while3A_141 step %while3A_142 iter_args(%while3A_147 = %while3A) -> (i32)  : i32 {
      %sub3A_148 = arith.subi %while3A_146, %add3A_78 : i32
      %rem3A_149 = arith.constant 3 : i32
      %rem3A_150 = arith.remsi %sub3A_148, %rem3A_149 : i32
      %mul3A_151 = arith.constant 1280 : i32
      %mul3A_152 = arith.muli %rem3A_150, %mul3A_151 : i32
      %multiple_of3A_153 = tpu.assume_multiple %mul3A_152, 8 : i32
      %mul3A_154 = arith.constant 16 : i32
      %mul3A_155 = arith.muli %rem3A_150, %mul3A_154 : i32
      %multiple_of3A_156 = tpu.assume_multiple %mul3A_155, 8 : i32
      %dma_wait3A_157 = arith.constant 0 : i32
      %dma_wait3A_158 = tpu.memref_slice %arg10[%multiple_of3A_156, %dma_wait3A_157] : memref<48x1280xf32, #tpu.memory_space<vmem>> -> memref<8x1280xf32, #tpu.memory_space<vmem>>
      %dma_wait3A_159 = arith.constant 0 : i32
      %dma_wait3A_160 = arith.constant 0 : i32
      %dma_wait3A_161 = tpu.memref_slice %arg2[%dma_wait3A_159, %dma_wait3A_160] : memref<11x3200000xf32, #tpu.memory_space<hbm>> -> memref<8x1280xf32, #tpu.memory_space<hbm>>
      %dma_wait3A_162 = arith.constant 0 : i32
      %dma_wait3A_163 = tpu.memref_slice %arg10[%multiple_of3A_156, %dma_wait3A_162] : memref<48x1280xf32, #tpu.memory_space<vmem>> -> memref<8x1280xf32, #tpu.memory_space<vmem>>
      %dma_wait3A_164 = arith.constant 0 : i32
      %dma_wait3A_165 = arith.constant 0 : i32
      %dma_wait3A_166 = tpu.memref_slice %arg2[%dma_wait3A_164, %dma_wait3A_165] : memref<11x3200000xf32, #tpu.memory_space<hbm>> -> memref<8x1280xf32, #tpu.memory_space<hbm>>
      tpu.wait_dma2 semaphore(%arg16 : memref<!tpu.dma_semaphore, #tpu.memory_space<semaphore_mem>>) src(%dma_wait3A_166 : memref<8x1280xf32, #tpu.memory_space<hbm>>) dst(%dma_wait3A_163 : memref<8x1280xf32, #tpu.memory_space<vmem>>)
      %mul3A_167 = arith.constant 16 : i32
      %mul3A_168 = arith.muli %rem3A_150, %mul3A_167 : i32
      %add3A_169 = arith.constant 8 : i32
      %add3A_170 = arith.addi %mul3A_168, %add3A_169 : i32
      %dma_wait3A_171 = arith.constant 0 : i32
      %dma_wait3A_172 = tpu.memref_slice %arg10[%add3A_170, %dma_wait3A_171] : memref<48x1280xf32, #tpu.memory_space<vmem>> -> memref<1x1280xf32, #tpu.memory_space<vmem>>
      %dma_wait3A_173 = arith.constant 0 : i32
      %dma_wait3A_174 = arith.constant 0 : i32
      %dma_wait3A_175 = tpu.memref_slice %arg2[%dma_wait3A_173, %dma_wait3A_174] : memref<11x3200000xf32, #tpu.memory_space<hbm>> -> memref<1x1280xf32, #tpu.memory_space<hbm>>
      %dma_wait3A_176 = arith.constant 0 : i32
      %dma_wait3A_177 = tpu.memref_slice %arg10[%add3A_170, %dma_wait3A_176] : memref<48x1280xf32, #tpu.memory_space<vmem>> -> memref<1x1280xf32, #tpu.memory_space<vmem>>
      %dma_wait3A_178 = arith.constant 0 : i32
      %dma_wait3A_179 = arith.constant 0 : i32
      %dma_wait3A_180 = tpu.memref_slice %arg2[%dma_wait3A_178, %dma_wait3A_179] : memref<11x3200000xf32, #tpu.memory_space<hbm>> -> memref<1x1280xf32, #tpu.memory_space<hbm>>
      tpu.wait_dma2 semaphore(%arg16 : memref<!tpu.dma_semaphore, #tpu.memory_space<semaphore_mem>>) src(%dma_wait3A_180 : memref<1x1280xf32, #tpu.memory_space<hbm>>) dst(%dma_wait3A_177 : memref<1x1280xf32, #tpu.memory_space<vmem>>)
      %mul3A_181 = arith.constant 16 : i32
      %mul3A_182 = arith.muli %rem3A_150, %mul3A_181 : i32
      %add3A_183 = arith.constant 9 : i32
      %add3A_184 = arith.addi %mul3A_182, %add3A_183 : i32
      %dma_wait3A_185 = arith.constant 0 : i32
      %dma_wait3A_186 = tpu.memref_slice %arg10[%add3A_184, %dma_wait3A_185] : memref<48x1280xf32, #tpu.memory_space<vmem>> -> memref<1x1280xf32, #tpu.memory_space<vmem>>
      %dma_wait3A_187 = arith.constant 0 : i32
      %dma_wait3A_188 = arith.constant 0 : i32
      %dma_wait3A_189 = tpu.memref_slice %arg2[%dma_wait3A_187, %dma_wait3A_188] : memref<11x3200000xf32, #tpu.memory_space<hbm>> -> memref<1x1280xf32, #tpu.memory_space<hbm>>
      %dma_wait3A_190 = arith.constant 0 : i32
      %dma_wait3A_191 = tpu.memref_slice %arg10[%add3A_184, %dma_wait3A_190] : memref<48x1280xf32, #tpu.memory_space<vmem>> -> memref<1x1280xf32, #tpu.memory_space<vmem>>
      %dma_wait3A_192 = arith.constant 0 : i32
      %dma_wait3A_193 = arith.constant 0 : i32
      %dma_wait3A_194 = tpu.memref_slice %arg2[%dma_wait3A_192, %dma_wait3A_193] : memref<11x3200000xf32, #tpu.memory_space<hbm>> -> memref<1x1280xf32, #tpu.memory_space<hbm>>
      tpu.wait_dma2 semaphore(%arg16 : memref<!tpu.dma_semaphore, #tpu.memory_space<semaphore_mem>>) src(%dma_wait3A_194 : memref<1x1280xf32, #tpu.memory_space<hbm>>) dst(%dma_wait3A_191 : memref<1x1280xf32, #tpu.memory_space<vmem>>)
      %mul3A_195 = arith.constant 16 : i32
      %mul3A_196 = arith.muli %rem3A_150, %mul3A_195 : i32
      %add3A_197 = arith.constant 10 : i32
      %add3A_198 = arith.addi %mul3A_196, %add3A_197 : i32
      %dma_wait3A_199 = arith.constant 0 : i32
      %dma_wait3A_200 = tpu.memref_slice %arg10[%add3A_198, %dma_wait3A_199] : memref<48x1280xf32, #tpu.memory_space<vmem>> -> memref<1x1280xf32, #tpu.memory_space<vmem>>
      %dma_wait3A_201 = arith.constant 0 : i32
      %dma_wait3A_202 = arith.constant 0 : i32
      %dma_wait3A_203 = tpu.memref_slice %arg2[%dma_wait3A_201, %dma_wait3A_202] : memref<11x3200000xf32, #tpu.memory_space<hbm>> -> memref<1x1280xf32, #tpu.memory_space<hbm>>
      %dma_wait3A_204 = arith.constant 0 : i32
      %dma_wait3A_205 = tpu.memref_slice %arg10[%add3A_198, %dma_wait3A_204] : memref<48x1280xf32, #tpu.memory_space<vmem>> -> memref<1x1280xf32, #tpu.memory_space<vmem>>
      %dma_wait3A_206 = arith.constant 0 : i32
      %dma_wait3A_207 = arith.constant 0 : i32
      %dma_wait3A_208 = tpu.memref_slice %arg2[%dma_wait3A_206, %dma_wait3A_207] : memref<11x3200000xf32, #tpu.memory_space<hbm>> -> memref<1x1280xf32, #tpu.memory_space<hbm>>
      tpu.wait_dma2 semaphore(%arg16 : memref<!tpu.dma_semaphore, #tpu.memory_space<semaphore_mem>>) src(%dma_wait3A_208 : memref<1x1280xf32, #tpu.memory_space<hbm>>) dst(%dma_wait3A_205 : memref<1x1280xf32, #tpu.memory_space<vmem>>)
      %dma_wait3A_209 = tpu.memref_slice %arg11[%multiple_of3A_153] : memref<3840xi32, #tpu.memory_space<vmem>> -> memref<1280xi32, #tpu.memory_space<vmem>>
      %dma_wait3A_210 = arith.constant 0 : i32
      %dma_wait3A_211 = tpu.memref_slice %arg3[%dma_wait3A_210] : memref<3200000xi32, #tpu.memory_space<hbm>> -> memref<1280xi32, #tpu.memory_space<hbm>>
      %dma_wait3A_212 = tpu.memref_slice %arg11[%multiple_of3A_153] : memref<3840xi32, #tpu.memory_space<vmem>> -> memref<1280xi32, #tpu.memory_space<vmem>>
      %dma_wait3A_213 = arith.constant 0 : i32
      %dma_wait3A_214 = tpu.memref_slice %arg3[%dma_wait3A_213] : memref<3200000xi32, #tpu.memory_space<hbm>> -> memref<1280xi32, #tpu.memory_space<hbm>>
      tpu.wait_dma2 semaphore(%arg17 : memref<!tpu.dma_semaphore, #tpu.memory_space<semaphore_mem>>) src(%dma_wait3A_214 : memref<1280xi32, #tpu.memory_space<hbm>>) dst(%dma_wait3A_212 : memref<1280xi32, #tpu.memory_space<vmem>>)
      %dma_wait3A_215 = tpu.memref_slice %arg12[%multiple_of3A_153] : memref<3840xf32, #tpu.memory_space<vmem>> -> memref<1280xf32, #tpu.memory_space<vmem>>
      %dma_wait3A_216 = arith.constant 0 : i32
      %dma_wait3A_217 = tpu.memref_slice %arg4[%dma_wait3A_216] : memref<3200000xf32, #tpu.memory_space<hbm>> -> memref<1280xf32, #tpu.memory_space<hbm>>
      %dma_wait3A_218 = tpu.memref_slice %arg12[%multiple_of3A_153] : memref<3840xf32, #tpu.memory_space<vmem>> -> memref<1280xf32, #tpu.memory_space<vmem>>
      %dma_wait3A_219 = arith.constant 0 : i32
      %dma_wait3A_220 = tpu.memref_slice %arg4[%dma_wait3A_219] : memref<3200000xf32, #tpu.memory_space<hbm>> -> memref<1280xf32, #tpu.memory_space<hbm>>
      tpu.wait_dma2 semaphore(%arg18 : memref<!tpu.dma_semaphore, #tpu.memory_space<semaphore_mem>>) src(%dma_wait3A_220 : memref<1280xf32, #tpu.memory_space<hbm>>) dst(%dma_wait3A_218 : memref<1280xf32, #tpu.memory_space<vmem>>)
      %add3A_221 = arith.constant 2 : i32
      %add3A_222 = arith.addi %while3A_146, %add3A_221 : i32
      %lt3A = arith.cmpi slt, %add3A_222, %add3A_125 : i32
      %convert_element_type3A_223 = arith.extui %lt3A : i1 to i32
      %cond3A_224 = arith.constant 0 : i32
      %cond3A_225 = arith.cmpi ne, %convert_element_type3A_223, %cond3A_224 : i32
      scf.if %cond3A_225 {
        %add3A_324 = arith.constant 2 : i32
        %add3A_325 = arith.addi %while3A_146, %add3A_324 : i32
        %add3A_326 = arith.constant 2 : i32
        %add3A_327 = arith.addi %rem3A_150, %add3A_326 : i32
        %rem3A_328 = arith.constant 3 : i32
        %rem3A_329 = arith.remsi %add3A_327, %rem3A_328 : i32
        %mul3A_330 = arith.constant 1280 : i32
        %mul3A_331 = arith.muli %add3A_325, %mul3A_330 : i32
        %multiple_of3A_332 = tpu.assume_multiple %mul3A_331, 8 : i32
        %mul3A_333 = arith.constant 1280 : i32
        %mul3A_334 = arith.muli %rem3A_329, %mul3A_333 : i32
        %multiple_of3A_335 = tpu.assume_multiple %mul3A_334, 8 : i32
        %mul3A_336 = arith.constant 16 : i32
        %mul3A_337 = arith.muli %rem3A_329, %mul3A_336 : i32
        %multiple_of3A_338 = tpu.assume_multiple %mul3A_337, 8 : i32
        %dma_start3A_339 = arith.constant 0 : i32
        %dma_start3A_340 = tpu.memref_slice %arg10[%multiple_of3A_338, %dma_start3A_339] : memref<48x1280xf32, #tpu.memory_space<vmem>> -> memref<8x1280xf32, #tpu.memory_space<vmem>>
        %dma_start3A_341 = arith.constant 0 : i32
        %dma_start3A_342 = tpu.memref_slice %arg2[%dma_start3A_341, %multiple_of3A_332] : memref<11x3200000xf32, #tpu.memory_space<hbm>> -> memref<8x1280xf32, #tpu.memory_space<hbm>>
        %dma_start3A_343 = arith.constant 0 : i32
        %dma_start3A_344 = tpu.memref_slice %arg10[%multiple_of3A_338, %dma_start3A_343] : memref<48x1280xf32, #tpu.memory_space<vmem>> -> memref<8x1280xf32, #tpu.memory_space<vmem>>
        %dma_start3A_345 = arith.constant 0 : i32
        %dma_start3A_346 = tpu.memref_slice %arg2[%dma_start3A_345, %multiple_of3A_332] : memref<11x3200000xf32, #tpu.memory_space<hbm>> -> memref<8x1280xf32, #tpu.memory_space<hbm>>
        tpu.enqueue_dma source(%dma_start3A_346 : memref<8x1280xf32, #tpu.memory_space<hbm>>) target(%dma_start3A_344 : memref<8x1280xf32, #tpu.memory_space<vmem>>) target_semaphore(%arg16 : memref<!tpu.dma_semaphore, #tpu.memory_space<semaphore_mem>>)
        %mul3A_347 = arith.constant 16 : i32
        %mul3A_348 = arith.muli %rem3A_329, %mul3A_347 : i32
        %add3A_349 = arith.constant 8 : i32
        %add3A_350 = arith.addi %mul3A_348, %add3A_349 : i32
        %dma_start3A_351 = arith.constant 0 : i32
        %dma_start3A_352 = tpu.memref_slice %arg10[%add3A_350, %dma_start3A_351] : memref<48x1280xf32, #tpu.memory_space<vmem>> -> memref<1x1280xf32, #tpu.memory_space<vmem>>
        %dma_start3A_353 = arith.constant 8 : i32
        %dma_start3A_354 = tpu.memref_slice %arg2[%dma_start3A_353, %multiple_of3A_332] : memref<11x3200000xf32, #tpu.memory_space<hbm>> -> memref<1x1280xf32, #tpu.memory_space<hbm>>
        %dma_start3A_355 = arith.constant 0 : i32
        %dma_start3A_356 = tpu.memref_slice %arg10[%add3A_350, %dma_start3A_355] : memref<48x1280xf32, #tpu.memory_space<vmem>> -> memref<1x1280xf32, #tpu.memory_space<vmem>>
        %dma_start3A_357 = arith.constant 8 : i32
        %dma_start3A_358 = tpu.memref_slice %arg2[%dma_start3A_357, %multiple_of3A_332] : memref<11x3200000xf32, #tpu.memory_space<hbm>> -> memref<1x1280xf32, #tpu.memory_space<hbm>>
        tpu.enqueue_dma source(%dma_start3A_358 : memref<1x1280xf32, #tpu.memory_space<hbm>>) target(%dma_start3A_356 : memref<1x1280xf32, #tpu.memory_space<vmem>>) target_semaphore(%arg16 : memref<!tpu.dma_semaphore, #tpu.memory_space<semaphore_mem>>)
        %mul3A_359 = arith.constant 16 : i32
        %mul3A_360 = arith.muli %rem3A_329, %mul3A_359 : i32
        %add3A_361 = arith.constant 9 : i32
        %add3A_362 = arith.addi %mul3A_360, %add3A_361 : i32
        %dma_start3A_363 = arith.constant 0 : i32
        %dma_start3A_364 = tpu.memref_slice %arg10[%add3A_362, %dma_start3A_363] : memref<48x1280xf32, #tpu.memory_space<vmem>> -> memref<1x1280xf32, #tpu.memory_space<vmem>>
        %dma_start3A_365 = arith.constant 9 : i32
        %dma_start3A_366 = tpu.memref_slice %arg2[%dma_start3A_365, %multiple_of3A_332] : memref<11x3200000xf32, #tpu.memory_space<hbm>> -> memref<1x1280xf32, #tpu.memory_space<hbm>>
        %dma_start3A_367 = arith.constant 0 : i32
        %dma_start3A_368 = tpu.memref_slice %arg10[%add3A_362, %dma_start3A_367] : memref<48x1280xf32, #tpu.memory_space<vmem>> -> memref<1x1280xf32, #tpu.memory_space<vmem>>
        %dma_start3A_369 = arith.constant 9 : i32
        %dma_start3A_370 = tpu.memref_slice %arg2[%dma_start3A_369, %multiple_of3A_332] : memref<11x3200000xf32, #tpu.memory_space<hbm>> -> memref<1x1280xf32, #tpu.memory_space<hbm>>
        tpu.enqueue_dma source(%dma_start3A_370 : memref<1x1280xf32, #tpu.memory_space<hbm>>) target(%dma_start3A_368 : memref<1x1280xf32, #tpu.memory_space<vmem>>) target_semaphore(%arg16 : memref<!tpu.dma_semaphore, #tpu.memory_space<semaphore_mem>>)
        %mul3A_371 = arith.constant 16 : i32
        %mul3A_372 = arith.muli %rem3A_329, %mul3A_371 : i32
        %add3A_373 = arith.constant 10 : i32
        %add3A_374 = arith.addi %mul3A_372, %add3A_373 : i32
        %dma_start3A_375 = arith.constant 0 : i32
        %dma_start3A_376 = tpu.memref_slice %arg10[%add3A_374, %dma_start3A_375] : memref<48x1280xf32, #tpu.memory_space<vmem>> -> memref<1x1280xf32, #tpu.memory_space<vmem>>
        %dma_start3A_377 = arith.constant 10 : i32
        %dma_start3A_378 = tpu.memref_slice %arg2[%dma_start3A_377, %multiple_of3A_332] : memref<11x3200000xf32, #tpu.memory_space<hbm>> -> memref<1x1280xf32, #tpu.memory_space<hbm>>
        %dma_start3A_379 = arith.constant 0 : i32
        %dma_start3A_380 = tpu.memref_slice %arg10[%add3A_374, %dma_start3A_379] : memref<48x1280xf32, #tpu.memory_space<vmem>> -> memref<1x1280xf32, #tpu.memory_space<vmem>>
        %dma_start3A_381 = arith.constant 10 : i32
        %dma_start3A_382 = tpu.memref_slice %arg2[%dma_start3A_381, %multiple_of3A_332] : memref<11x3200000xf32, #tpu.memory_space<hbm>> -> memref<1x1280xf32, #tpu.memory_space<hbm>>
        tpu.enqueue_dma source(%dma_start3A_382 : memref<1x1280xf32, #tpu.memory_space<hbm>>) target(%dma_start3A_380 : memref<1x1280xf32, #tpu.memory_space<vmem>>) target_semaphore(%arg16 : memref<!tpu.dma_semaphore, #tpu.memory_space<semaphore_mem>>)
        %dma_start3A_383 = tpu.memref_slice %arg11[%multiple_of3A_335] : memref<3840xi32, #tpu.memory_space<vmem>> -> memref<1280xi32, #tpu.memory_space<vmem>>
        %dma_start3A_384 = tpu.memref_slice %arg3[%multiple_of3A_332] : memref<3200000xi32, #tpu.memory_space<hbm>> -> memref<1280xi32, #tpu.memory_space<hbm>>
        %dma_start3A_385 = tpu.memref_slice %arg11[%multiple_of3A_335] : memref<3840xi32, #tpu.memory_space<vmem>> -> memref<1280xi32, #tpu.memory_space<vmem>>
        %dma_start3A_386 = tpu.memref_slice %arg3[%multiple_of3A_332] : memref<3200000xi32, #tpu.memory_space<hbm>> -> memref<1280xi32, #tpu.memory_space<hbm>>
        tpu.enqueue_dma source(%dma_start3A_386 : memref<1280xi32, #tpu.memory_space<hbm>>) target(%dma_start3A_385 : memref<1280xi32, #tpu.memory_space<vmem>>) target_semaphore(%arg17 : memref<!tpu.dma_semaphore, #tpu.memory_space<semaphore_mem>>)
        %dma_start3A_387 = tpu.memref_slice %arg12[%multiple_of3A_335] : memref<3840xf32, #tpu.memory_space<vmem>> -> memref<1280xf32, #tpu.memory_space<vmem>>
        %dma_start3A_388 = tpu.memref_slice %arg4[%multiple_of3A_332] : memref<3200000xf32, #tpu.memory_space<hbm>> -> memref<1280xf32, #tpu.memory_space<hbm>>
        %dma_start3A_389 = tpu.memref_slice %arg12[%multiple_of3A_335] : memref<3840xf32, #tpu.memory_space<vmem>> -> memref<1280xf32, #tpu.memory_space<vmem>>
        %dma_start3A_390 = tpu.memref_slice %arg4[%multiple_of3A_332] : memref<3200000xf32, #tpu.memory_space<hbm>> -> memref<1280xf32, #tpu.memory_space<hbm>>
        tpu.enqueue_dma source(%dma_start3A_390 : memref<1280xf32, #tpu.memory_space<hbm>>) target(%dma_start3A_389 : memref<1280xf32, #tpu.memory_space<vmem>>) target_semaphore(%arg18 : memref<!tpu.dma_semaphore, #tpu.memory_space<semaphore_mem>>)
      } else {
      }
      %mul3A_226 = arith.constant 1280 : i32
      %mul3A_227 = arith.muli %rem3A_150, %mul3A_226 : i32
      %broadcast_in_dim3A_228 = arith.constant 0 : i32
      %broadcast_in_dim3A_229 = vector.broadcast %broadcast_in_dim3A_228 : i32 to vector<16xi32>
      %mul3A_230 = arith.constant 16 : i32
      %mul3A_231 = arith.muli %rem3A_150, %mul3A_230 : i32
      %add3A_232 = arith.constant 0 : i32
      %add3A_233 = arith.addi %mul3A_231, %add3A_232 : i32
      %add3A_234 = vector.broadcast %add3A_233 : i32 to vector<16xi32>
      %add3A_235 = arith.addi %broadcast_in_dim3A_229, %add3A_234 : vector<16xi32>
      %broadcast_in_dim3A_236 = arith.constant 0 : i32
      %broadcast_in_dim3A_237 = vector.broadcast %broadcast_in_dim3A_236 : i32 to vector<16xi32>
      %mul3A_238 = arith.constant 16 : i32
      %mul3A_239 = arith.muli %rem3A_150, %mul3A_238 : i32
      %add3A_240 = arith.constant 1 : i32
      %add3A_241 = arith.addi %mul3A_239, %add3A_240 : i32
      %add3A_242 = vector.broadcast %add3A_241 : i32 to vector<16xi32>
      %add3A_243 = arith.addi %broadcast_in_dim3A_237, %add3A_242 : vector<16xi32>
      %broadcast_in_dim3A_244 = arith.constant 0 : i32
      %broadcast_in_dim3A_245 = vector.broadcast %broadcast_in_dim3A_244 : i32 to vector<16xi32>
      %mul3A_246 = arith.constant 16 : i32
      %mul3A_247 = arith.muli %rem3A_150, %mul3A_246 : i32
      %add3A_248 = arith.constant 2 : i32
      %add3A_249 = arith.addi %mul3A_247, %add3A_248 : i32
      %add3A_250 = vector.broadcast %add3A_249 : i32 to vector<16xi32>
      %add3A_251 = arith.addi %broadcast_in_dim3A_245, %add3A_250 : vector<16xi32>
      %broadcast_in_dim3A_252 = arith.constant 0 : i32
      %broadcast_in_dim3A_253 = vector.broadcast %broadcast_in_dim3A_252 : i32 to vector<16xi32>
      %mul3A_254 = arith.constant 16 : i32
      %mul3A_255 = arith.muli %rem3A_150, %mul3A_254 : i32
      %add3A_256 = arith.constant 3 : i32
      %add3A_257 = arith.addi %mul3A_255, %add3A_256 : i32
      %add3A_258 = vector.broadcast %add3A_257 : i32 to vector<16xi32>
      %add3A_259 = arith.addi %broadcast_in_dim3A_253, %add3A_258 : vector<16xi32>
      %broadcast_in_dim3A_260 = arith.constant 0 : i32
      %broadcast_in_dim3A_261 = vector.broadcast %broadcast_in_dim3A_260 : i32 to vector<16xi32>
      %mul3A_262 = arith.constant 16 : i32
      %mul3A_263 = arith.muli %rem3A_150, %mul3A_262 : i32
      %add3A_264 = arith.constant 4 : i32
      %add3A_265 = arith.addi %mul3A_263, %add3A_264 : i32
      %add3A_266 = vector.broadcast %add3A_265 : i32 to vector<16xi32>
      %add3A_267 = arith.addi %broadcast_in_dim3A_261, %add3A_266 : vector<16xi32>
      %broadcast_in_dim3A_268 = arith.constant 0 : i32
      %broadcast_in_dim3A_269 = vector.broadcast %broadcast_in_dim3A_268 : i32 to vector<16xi32>
      %mul3A_270 = arith.constant 16 : i32
      %mul3A_271 = arith.muli %rem3A_150, %mul3A_270 : i32
      %add3A_272 = arith.constant 5 : i32
      %add3A_273 = arith.addi %mul3A_271, %add3A_272 : i32
      %add3A_274 = vector.broadcast %add3A_273 : i32 to vector<16xi32>
      %add3A_275 = arith.addi %broadcast_in_dim3A_269, %add3A_274 : vector<16xi32>
      %broadcast_in_dim3A_276 = arith.constant 0 : i32
      %broadcast_in_dim3A_277 = vector.broadcast %broadcast_in_dim3A_276 : i32 to vector<16xi32>
      %mul3A_278 = arith.constant 16 : i32
      %mul3A_279 = arith.muli %rem3A_150, %mul3A_278 : i32
      %add3A_280 = arith.constant 6 : i32
      %add3A_281 = arith.addi %mul3A_279, %add3A_280 : i32
      %add3A_282 = vector.broadcast %add3A_281 : i32 to vector<16xi32>
      %add3A_283 = arith.addi %broadcast_in_dim3A_277, %add3A_282 : vector<16xi32>
      %broadcast_in_dim3A_284 = arith.constant 0 : i32
      %broadcast_in_dim3A_285 = vector.broadcast %broadcast_in_dim3A_284 : i32 to vector<16xi32>
      %mul3A_286 = arith.constant 16 : i32
      %mul3A_287 = arith.muli %rem3A_150, %mul3A_286 : i32
      %add3A_288 = arith.constant 7 : i32
      %add3A_289 = arith.addi %mul3A_287, %add3A_288 : i32
      %add3A_290 = vector.broadcast %add3A_289 : i32 to vector<16xi32>
      %add3A_291 = arith.addi %broadcast_in_dim3A_285, %add3A_290 : vector<16xi32>
      %broadcast_in_dim3A_292 = arith.constant 0 : i32
      %broadcast_in_dim3A_293 = vector.broadcast %broadcast_in_dim3A_292 : i32 to vector<16xi32>
      %mul3A_294 = arith.constant 16 : i32
      %mul3A_295 = arith.muli %rem3A_150, %mul3A_294 : i32
      %add3A_296 = arith.constant 8 : i32
      %add3A_297 = arith.addi %mul3A_295, %add3A_296 : i32
      %add3A_298 = vector.broadcast %add3A_297 : i32 to vector<16xi32>
      %add3A_299 = arith.addi %broadcast_in_dim3A_293, %add3A_298 : vector<16xi32>
      %broadcast_in_dim3A_300 = arith.constant 0 : i32
      %broadcast_in_dim3A_301 = vector.broadcast %broadcast_in_dim3A_300 : i32 to vector<16xi32>
      %mul3A_302 = arith.constant 16 : i32
      %mul3A_303 = arith.muli %rem3A_150, %mul3A_302 : i32
      %add3A_304 = arith.constant 9 : i32
      %add3A_305 = arith.addi %mul3A_303, %add3A_304 : i32
      %add3A_306 = vector.broadcast %add3A_305 : i32 to vector<16xi32>
      %add3A_307 = arith.addi %broadcast_in_dim3A_301, %add3A_306 : vector<16xi32>
      %broadcast_in_dim3A_308 = arith.constant 0 : i32
      %broadcast_in_dim3A_309 = vector.broadcast %broadcast_in_dim3A_308 : i32 to vector<16xi32>
      %mul3A_310 = arith.constant 16 : i32
      %mul3A_311 = arith.muli %rem3A_150, %mul3A_310 : i32
      %add3A_312 = arith.constant 10 : i32
      %add3A_313 = arith.addi %mul3A_311, %add3A_312 : i32
      %add3A_314 = vector.broadcast %add3A_313 : i32 to vector<16xi32>
      %add3A_315 = arith.addi %broadcast_in_dim3A_309, %add3A_314 : vector<16xi32>
      %scan3A_316 = arith.constant 0 : i32
      %scan3A_317 = arith.constant 0 : i32
      %scan3A_318 = arith.constant 16 : i32
      %scan3A_319 = arith.addi %scan3A_317, %scan3A_318 : i32
      %scan3A_320 = arith.constant 1 : i32
      %scan3A_321 = scf.for %scan3A_324 = %scan3A_317 to %scan3A_319 step %scan3A_320 iter_args(%scan3A_325 = %scan3A_316) -> (i32)  : i32 {
        %mul3A_326 = arith.constant 5 : i32
        %mul3A_327 = arith.muli %scan3A_324, %mul3A_326 : i32
        %add3A_328 = arith.constant 0 : i32
        %add3A_329 = arith.addi %mul3A_327, %add3A_328 : i32
        %add3A_330 = arith.addi %add3A_329, %mul3A_227 : i32
        %add3A_331 = vector.broadcast %add3A_330 : i32 to vector<16xi32>
        %add3A_332 = arith.addi %mul3A_128, %add3A_331 : vector<16xi32>
        %gather3A = tpu.vector_load_idx %arg11[%add3A_332] : memref<3840xi32, #tpu.memory_space<vmem>>[vector<16xi32>], vector<16xi32>,
        %gather3A_333 = tpu.vector_load_idx %arg12[%add3A_332] : memref<3840xf32, #tpu.memory_space<vmem>>[vector<16xi32>], vector<16xf32>,
        %sub3A_334 = vector.broadcast %mul3A_2 : i32 to vector<16xi32>
        %sub3A_335 = arith.subi %gather3A, %sub3A_334 : vector<16xi32>
        %ge3A = arith.constant 0 : i32
        %ge3A_336 = vector.broadcast %ge3A : i32 to vector<16xi32>
        %ge3A_337 = arith.cmpi sge, %sub3A_335, %ge3A_336 : vector<16xi32>
        %lt3A_338 = arith.constant 3125 : i32
        %lt3A_339 = vector.broadcast %lt3A_338 : i32 to vector<16xi32>
        %lt3A_340 = arith.cmpi slt, %sub3A_335, %lt3A_339 : vector<16xi32>
        %and3A = arith.andi %ge3A_337, %lt3A_340 : vector<16xi1>
        %jit3A = arith.constant 0 : i32
        %broadcast_in_dim3A_341 = vector.broadcast %jit3A : i32 to vector<16xi32>
        %select_n3A = arith.select %and3A, %sub3A_335, %broadcast_in_dim3A_341 : vector<16xi1>, vector<16xi32>
        %add3A_342 = vector.broadcast %sub3A_7 : i32 to vector<16xi32>
        %add3A_343 = arith.addi %select_n3A, %add3A_342 : vector<16xi32>
        %gather3A_344 = tpu.vector_load_idx %arg13[%add3A_343] : memref<3136xf32, #tpu.memory_space<vmem>>[vector<16xi32>], vector<16xf32>,
        %jit3A_345 = arith.constant 0.000000e+00 : f32
        %broadcast_in_dim3A_346 = vector.broadcast %jit3A_345 : f32 to vector<16xf32>
        %select_n3A_347 = arith.select %and3A, %gather3A_333, %broadcast_in_dim3A_346 : vector<16xi1>, vector<16xf32>
        %mul3A_348 = arith.mulf %select_n3A_347, %gather3A_344 : vector<16xf32>
        %mul3A_349 = arith.constant 11 : i32
        %mul3A_350 = vector.broadcast %mul3A_349 : i32 to vector<16xi32>
        %mul3A_351 = arith.muli %select_n3A, %mul3A_350 : vector<16xi32>
        %add3A_352 = vector.broadcast %add3A_329 : i32 to vector<16xi32>
        %add3A_353 = arith.addi %mul3A_128, %add3A_352 : vector<16xi32>
        %gather3A_354 = tpu.vector_load_idx %arg10[%add3A_235, %add3A_353] : memref<48x1280xf32, #tpu.memory_space<vmem>>[vector<16xi32>, vector<16xi32>], vector<16xf32>,
        %gather3A_355 = tpu.vector_load_idx %arg10[%add3A_243, %add3A_353] : memref<48x1280xf32, #tpu.memory_space<vmem>>[vector<16xi32>, vector<16xi32>], vector<16xf32>,
        %gather3A_356 = tpu.vector_load_idx %arg10[%add3A_251, %add3A_353] : memref<48x1280xf32, #tpu.memory_space<vmem>>[vector<16xi32>, vector<16xi32>], vector<16xf32>,
        %gather3A_357 = tpu.vector_load_idx %arg10[%add3A_259, %add3A_353] : memref<48x1280xf32, #tpu.memory_space<vmem>>[vector<16xi32>, vector<16xi32>], vector<16xf32>,
        %gather3A_358 = tpu.vector_load_idx %arg10[%add3A_267, %add3A_353] : memref<48x1280xf32, #tpu.memory_space<vmem>>[vector<16xi32>, vector<16xi32>], vector<16xf32>,
        %gather3A_359 = tpu.vector_load_idx %arg10[%add3A_275, %add3A_353] : memref<48x1280xf32, #tpu.memory_space<vmem>>[vector<16xi32>, vector<16xi32>], vector<16xf32>,
        %gather3A_360 = tpu.vector_load_idx %arg10[%add3A_283, %add3A_353] : memref<48x1280xf32, #tpu.memory_space<vmem>>[vector<16xi32>, vector<16xi32>], vector<16xf32>,
        %gather3A_361 = tpu.vector_load_idx %arg10[%add3A_291, %add3A_353] : memref<48x1280xf32, #tpu.memory_space<vmem>>[vector<16xi32>, vector<16xi32>], vector<16xf32>,
        %gather3A_362 = tpu.vector_load_idx %arg10[%add3A_299, %add3A_353] : memref<48x1280xf32, #tpu.memory_space<vmem>>[vector<16xi32>, vector<16xi32>], vector<16xf32>,
        %gather3A_363 = tpu.vector_load_idx %arg10[%add3A_307, %add3A_353] : memref<48x1280xf32, #tpu.memory_space<vmem>>[vector<16xi32>, vector<16xi32>], vector<16xf32>,
        %gather3A_364 = tpu.vector_load_idx %arg10[%add3A_315, %add3A_353] : memref<48x1280xf32, #tpu.memory_space<vmem>>[vector<16xi32>, vector<16xi32>], vector<16xf32>,
        %mul3A_365 = arith.mulf %gather3A_354, %mul3A_348 : vector<16xf32>
        %mul3A_366 = arith.mulf %gather3A_355, %mul3A_348 : vector<16xf32>
        %mul3A_367 = arith.mulf %gather3A_356, %mul3A_348 : vector<16xf32>
        %mul3A_368 = arith.mulf %gather3A_357, %mul3A_348 : vector<16xf32>
        %mul3A_369 = arith.mulf %gather3A_358, %mul3A_348 : vector<16xf32>
        %mul3A_370 = arith.mulf %gather3A_359, %mul3A_348 : vector<16xf32>
        %mul3A_371 = arith.mulf %gather3A_360, %mul3A_348 : vector<16xf32>
        %mul3A_372 = arith.mulf %gather3A_361, %mul3A_348 : vector<16xf32>
        %mul3A_373 = arith.mulf %gather3A_362, %mul3A_348 : vector<16xf32>
        %mul3A_374 = arith.mulf %gather3A_363, %mul3A_348 : vector<16xf32>
        %mul3A_375 = arith.mulf %gather3A_364, %mul3A_348 : vector<16xf32>
        %add3A_376 = arith.constant 0 : i32
        %add3A_377 = vector.broadcast %add3A_376 : i32 to vector<16xi32>
        %add3A_378 = arith.addi %mul3A_351, %add3A_377 : vector<16xi32>
        tpu.vector_store_idx %arg9[%add3A_378], %mul3A_365 {add = true} : memref<34384xf32, #tpu.memory_space<vmem>>[vector<16xi32>], vector<16xf32>,
        %add3A_379 = arith.constant 1 : i32
        %add3A_380 = vector.broadcast %add3A_379 : i32 to vector<16xi32>
        %add3A_381 = arith.addi %mul3A_351, %add3A_380 : vector<16xi32>
        tpu.vector_store_idx %arg9[%add3A_381], %mul3A_366 {add = true} : memref<34384xf32, #tpu.memory_space<vmem>>[vector<16xi32>], vector<16xf32>,
        %add3A_382 = arith.constant 2 : i32
        %add3A_383 = vector.broadcast %add3A_382 : i32 to vector<16xi32>
        %add3A_384 = arith.addi %mul3A_351, %add3A_383 : vector<16xi32>
        tpu.vector_store_idx %arg9[%add3A_384], %mul3A_367 {add = true} : memref<34384xf32, #tpu.memory_space<vmem>>[vector<16xi32>], vector<16xf32>,
        %add3A_385 = arith.constant 3 : i32
        %add3A_386 = vector.broadcast %add3A_385 : i32 to vector<16xi32>
        %add3A_387 = arith.addi %mul3A_351, %add3A_386 : vector<16xi32>
        tpu.vector_store_idx %arg9[%add3A_387], %mul3A_368 {add = true} : memref<34384xf32, #tpu.memory_space<vmem>>[vector<16xi32>], vector<16xf32>,
        %add3A_388 = arith.constant 4 : i32
        %add3A_389 = vector.broadcast %add3A_388 : i32 to vector<16xi32>
        %add3A_390 = arith.addi %mul3A_351, %add3A_389 : vector<16xi32>
        tpu.vector_store_idx %arg9[%add3A_390], %mul3A_369 {add = true} : memref<34384xf32, #tpu.memory_space<vmem>>[vector<16xi32>], vector<16xf32>,
        %add3A_391 = arith.constant 5 : i32
        %add3A_392 = vector.broadcast %add3A_391 : i32 to vector<16xi32>
        %add3A_393 = arith.addi %mul3A_351, %add3A_392 : vector<16xi32>
        tpu.vector_store_idx %arg9[%add3A_393], %mul3A_370 {add = true} : memref<34384xf32, #tpu.memory_space<vmem>>[vector<16xi32>], vector<16xf32>,
        %add3A_394 = arith.constant 6 : i32
        %add3A_395 = vector.broadcast %add3A_394 : i32 to vector<16xi32>
        %add3A_396 = arith.addi %mul3A_351, %add3A_395 : vector<16xi32>
        tpu.vector_store_idx %arg9[%add3A_396], %mul3A_371 {add = true} : memref<34384xf32, #tpu.memory_space<vmem>>[vector<16xi32>], vector<16xf32>,
        %add3A_397 = arith.constant 7 : i32
        %add3A_398 = vector.broadcast %add3A_397 : i32 to vector<16xi32>
        %add3A_399 = arith.addi %mul3A_351, %add3A_398 : vector<16xi32>
        tpu.vector_store_idx %arg9[%add3A_399], %mul3A_372 {add = true} : memref<34384xf32, #tpu.memory_space<vmem>>[vector<16xi32>], vector<16xf32>,
        %add3A_400 = arith.constant 8 : i32
        %add3A_401 = vector.broadcast %add3A_400 : i32 to vector<16xi32>
        %add3A_402 = arith.addi %mul3A_351, %add3A_401 : vector<16xi32>
        tpu.vector_store_idx %arg9[%add3A_402], %mul3A_373 {add = true} : memref<34384xf32, #tpu.memory_space<vmem>>[vector<16xi32>], vector<16xf32>,
        %add3A_403 = arith.constant 9 : i32
        %add3A_404 = vector.broadcast %add3A_403 : i32 to vector<16xi32>
        %add3A_405 = arith.addi %mul3A_351, %add3A_404 : vector<16xi32>
        tpu.vector_store_idx %arg9[%add3A_405], %mul3A_374 {add = true} : memref<34384xf32, #tpu.memory_space<vmem>>[vector<16xi32>], vector<16xf32>,
        %add3A_406 = arith.constant 10 : i32
        %add3A_407 = vector.broadcast %add3A_406 : i32 to vector<16xi32>
        %add3A_408 = arith.addi %mul3A_351, %add3A_407 : vector<16xi32>
        tpu.vector_store_idx %arg9[%add3A_408], %mul3A_375 {add = true} : memref<34384xf32, #tpu.memory_space<vmem>>[vector<16xi32>], vector<16xf32>,
        %mul3A_409 = arith.constant 5 : i32
        %mul3A_410 = arith.muli %scan3A_324, %mul3A_409 : i32
        %add3A_411 = arith.constant 1 : i32
        %add3A_412 = arith.addi %mul3A_410, %add3A_411 : i32
        %add3A_413 = arith.addi %add3A_412, %mul3A_227 : i32
        %add3A_414 = vector.broadcast %add3A_413 : i32 to vector<16xi32>
        %add3A_415 = arith.addi %mul3A_128, %add3A_414 : vector<16xi32>
        %gather3A_416 = tpu.vector_load_idx %arg11[%add3A_415] : memref<3840xi32, #tpu.memory_space<vmem>>[vector<16xi32>], vector<16xi32>,
        %gather3A_417 = tpu.vector_load_idx %arg12[%add3A_415] : memref<3840xf32, #tpu.memory_space<vmem>>[vector<16xi32>], vector<16xf32>,
        %sub3A_418 = vector.broadcast %mul3A_2 : i32 to vector<16xi32>
        %sub3A_419 = arith.subi %gather3A_416, %sub3A_418 : vector<16xi32>
        %ge3A_420 = arith.constant 0 : i32
        %ge3A_421 = vector.broadcast %ge3A_420 : i32 to vector<16xi32>
        %ge3A_422 = arith.cmpi sge, %sub3A_419, %ge3A_421 : vector<16xi32>
        %lt3A_423 = arith.constant 3125 : i32
        %lt3A_424 = vector.broadcast %lt3A_423 : i32 to vector<16xi32>
        %lt3A_425 = arith.cmpi slt, %sub3A_419, %lt3A_424 : vector<16xi32>
        %and3A_426 = arith.andi %ge3A_422, %lt3A_425 : vector<16xi1>
        %jit3A_427 = arith.constant 0 : i32
        %broadcast_in_dim3A_428 = vector.broadcast %jit3A_427 : i32 to vector<16xi32>
        %select_n3A_429 = arith.select %and3A_426, %sub3A_419, %broadcast_in_dim3A_428 : vector<16xi1>, vector<16xi32>
        %add3A_430 = vector.broadcast %sub3A_7 : i32 to vector<16xi32>
        %add3A_431 = arith.addi %select_n3A_429, %add3A_430 : vector<16xi32>
        %gather3A_432 = tpu.vector_load_idx %arg13[%add3A_431] : memref<3136xf32, #tpu.memory_space<vmem>>[vector<16xi32>], vector<16xf32>,
        %jit3A_433 = arith.constant 0.000000e+00 : f32
        %broadcast_in_dim3A_434 = vector.broadcast %jit3A_433 : f32 to vector<16xf32>
        %select_n3A_435 = arith.select %and3A_426, %gather3A_417, %broadcast_in_dim3A_434 : vector<16xi1>, vector<16xf32>
        %mul3A_436 = arith.mulf %select_n3A_435, %gather3A_432 : vector<16xf32>
        %mul3A_437 = arith.constant 11 : i32
        %mul3A_438 = vector.broadcast %mul3A_437 : i32 to vector<16xi32>
        %mul3A_439 = arith.muli %select_n3A_429, %mul3A_438 : vector<16xi32>
        %add3A_440 = vector.broadcast %add3A_412 : i32 to vector<16xi32>
        %add3A_441 = arith.addi %mul3A_128, %add3A_440 : vector<16xi32>
        %gather3A_442 = tpu.vector_load_idx %arg10[%add3A_235, %add3A_441] : memref<48x1280xf32, #tpu.memory_space<vmem>>[vector<16xi32>, vector<16xi32>], vector<16xf32>,
        %gather3A_443 = tpu.vector_load_idx %arg10[%add3A_243, %add3A_441] : memref<48x1280xf32, #tpu.memory_space<vmem>>[vector<16xi32>, vector<16xi32>], vector<16xf32>,
        %gather3A_444 = tpu.vector_load_idx %arg10[%add3A_251, %add3A_441] : memref<48x1280xf32, #tpu.memory_space<vmem>>[vector<16xi32>, vector<16xi32>], vector<16xf32>,
        %gather3A_445 = tpu.vector_load_idx %arg10[%add3A_259, %add3A_441] : memref<48x1280xf32, #tpu.memory_space<vmem>>[vector<16xi32>, vector<16xi32>], vector<16xf32>,
        %gather3A_446 = tpu.vector_load_idx %arg10[%add3A_267, %add3A_441] : memref<48x1280xf32, #tpu.memory_space<vmem>>[vector<16xi32>, vector<16xi32>], vector<16xf32>,
        %gather3A_447 = tpu.vector_load_idx %arg10[%add3A_275, %add3A_441] : memref<48x1280xf32, #tpu.memory_space<vmem>>[vector<16xi32>, vector<16xi32>], vector<16xf32>,
        %gather3A_448 = tpu.vector_load_idx %arg10[%add3A_283, %add3A_441] : memref<48x1280xf32, #tpu.memory_space<vmem>>[vector<16xi32>, vector<16xi32>], vector<16xf32>,
        %gather3A_449 = tpu.vector_load_idx %arg10[%add3A_291, %add3A_441] : memref<48x1280xf32, #tpu.memory_space<vmem>>[vector<16xi32>, vector<16xi32>], vector<16xf32>,
        %gather3A_450 = tpu.vector_load_idx %arg10[%add3A_299, %add3A_441] : memref<48x1280xf32, #tpu.memory_space<vmem>>[vector<16xi32>, vector<16xi32>], vector<16xf32>,
        %gather3A_451 = tpu.vector_load_idx %arg10[%add3A_307, %add3A_441] : memref<48x1280xf32, #tpu.memory_space<vmem>>[vector<16xi32>, vector<16xi32>], vector<16xf32>,
        %gather3A_452 = tpu.vector_load_idx %arg10[%add3A_315, %add3A_441] : memref<48x1280xf32, #tpu.memory_space<vmem>>[vector<16xi32>, vector<16xi32>], vector<16xf32>,
        %mul3A_453 = arith.mulf %gather3A_442, %mul3A_436 : vector<16xf32>
        %mul3A_454 = arith.mulf %gather3A_443, %mul3A_436 : vector<16xf32>
        %mul3A_455 = arith.mulf %gather3A_444, %mul3A_436 : vector<16xf32>
        %mul3A_456 = arith.mulf %gather3A_445, %mul3A_436 : vector<16xf32>
        %mul3A_457 = arith.mulf %gather3A_446, %mul3A_436 : vector<16xf32>
        %mul3A_458 = arith.mulf %gather3A_447, %mul3A_436 : vector<16xf32>
        %mul3A_459 = arith.mulf %gather3A_448, %mul3A_436 : vector<16xf32>
        %mul3A_460 = arith.mulf %gather3A_449, %mul3A_436 : vector<16xf32>
        %mul3A_461 = arith.mulf %gather3A_450, %mul3A_436 : vector<16xf32>
        %mul3A_462 = arith.mulf %gather3A_451, %mul3A_436 : vector<16xf32>
        %mul3A_463 = arith.mulf %gather3A_452, %mul3A_436 : vector<16xf32>
        %add3A_464 = arith.constant 0 : i32
        %add3A_465 = vector.broadcast %add3A_464 : i32 to vector<16xi32>
        %add3A_466 = arith.addi %mul3A_439, %add3A_465 : vector<16xi32>
        tpu.vector_store_idx %arg9[%add3A_466], %mul3A_453 {add = true} : memref<34384xf32, #tpu.memory_space<vmem>>[vector<16xi32>], vector<16xf32>,
        %add3A_467 = arith.constant 1 : i32
        %add3A_468 = vector.broadcast %add3A_467 : i32 to vector<16xi32>
        %add3A_469 = arith.addi %mul3A_439, %add3A_468 : vector<16xi32>
        tpu.vector_store_idx %arg9[%add3A_469], %mul3A_454 {add = true} : memref<34384xf32, #tpu.memory_space<vmem>>[vector<16xi32>], vector<16xf32>,
        %add3A_470 = arith.constant 2 : i32
        %add3A_471 = vector.broadcast %add3A_470 : i32 to vector<16xi32>
        %add3A_472 = arith.addi %mul3A_439, %add3A_471 : vector<16xi32>
        tpu.vector_store_idx %arg9[%add3A_472], %mul3A_455 {add = true} : memref<34384xf32, #tpu.memory_space<vmem>>[vector<16xi32>], vector<16xf32>,
        %add3A_473 = arith.constant 3 : i32
        %add3A_474 = vector.broadcast %add3A_473 : i32 to vector<16xi32>
        %add3A_475 = arith.addi %mul3A_439, %add3A_474 : vector<16xi32>
        tpu.vector_store_idx %arg9[%add3A_475], %mul3A_456 {add = true} : memref<34384xf32, #tpu.memory_space<vmem>>[vector<16xi32>], vector<16xf32>,
        %add3A_476 = arith.constant 4 : i32
        %add3A_477 = vector.broadcast %add3A_476 : i32 to vector<16xi32>
        %add3A_478 = arith.addi %mul3A_439, %add3A_477 : vector<16xi32>
        tpu.vector_store_idx %arg9[%add3A_478], %mul3A_457 {add = true} : memref<34384xf32, #tpu.memory_space<vmem>>[vector<16xi32>], vector<16xf32>,
        %add3A_479 = arith.constant 5 : i32
        %add3A_480 = vector.broadcast %add3A_479 : i32 to vector<16xi32>
        %add3A_481 = arith.addi %mul3A_439, %add3A_480 : vector<16xi32>
        tpu.vector_store_idx %arg9[%add3A_481], %mul3A_458 {add = true} : memref<34384xf32, #tpu.memory_space<vmem>>[vector<16xi32>], vector<16xf32>,
        %add3A_482 = arith.constant 6 : i32
        %add3A_483 = vector.broadcast %add3A_482 : i32 to vector<16xi32>
        %add3A_484 = arith.addi %mul3A_439, %add3A_483 : vector<16xi32>
        tpu.vector_store_idx %arg9[%add3A_484], %mul3A_459 {add = true} : memref<34384xf32, #tpu.memory_space<vmem>>[vector<16xi32>], vector<16xf32>,
        %add3A_485 = arith.constant 7 : i32
        %add3A_486 = vector.broadcast %add3A_485 : i32 to vector<16xi32>
        %add3A_487 = arith.addi %mul3A_439, %add3A_486 : vector<16xi32>
        tpu.vector_store_idx %arg9[%add3A_487], %mul3A_460 {add = true} : memref<34384xf32, #tpu.memory_space<vmem>>[vector<16xi32>], vector<16xf32>,
        %add3A_488 = arith.constant 8 : i32
        %add3A_489 = vector.broadcast %add3A_488 : i32 to vector<16xi32>
        %add3A_490 = arith.addi %mul3A_439, %add3A_489 : vector<16xi32>
        tpu.vector_store_idx %arg9[%add3A_490], %mul3A_461 {add = true} : memref<34384xf32, #tpu.memory_space<vmem>>[vector<16xi32>], vector<16xf32>,
        %add3A_491 = arith.constant 9 : i32
        %add3A_492 = vector.broadcast %add3A_491 : i32 to vector<16xi32>
        %add3A_493 = arith.addi %mul3A_439, %add3A_492 : vector<16xi32>
        tpu.vector_store_idx %arg9[%add3A_493], %mul3A_462 {add = true} : memref<34384xf32, #tpu.memory_space<vmem>>[vector<16xi32>], vector<16xf32>,
        %add3A_494 = arith.constant 10 : i32
        %add3A_495 = vector.broadcast %add3A_494 : i32 to vector<16xi32>
        %add3A_496 = arith.addi %mul3A_439, %add3A_495 : vector<16xi32>
        tpu.vector_store_idx %arg9[%add3A_496], %mul3A_463 {add = true} : memref<34384xf32, #tpu.memory_space<vmem>>[vector<16xi32>], vector<16xf32>,
        %mul3A_497 = arith.constant 5 : i32
        %mul3A_498 = arith.muli %scan3A_324, %mul3A_497 : i32
        %add3A_499 = arith.constant 2 : i32
        %add3A_500 = arith.addi %mul3A_498, %add3A_499 : i32
        %add3A_501 = arith.addi %add3A_500, %mul3A_227 : i32
        %add3A_502 = vector.broadcast %add3A_501 : i32 to vector<16xi32>
        %add3A_503 = arith.addi %mul3A_128, %add3A_502 : vector<16xi32>
        %gather3A_504 = tpu.vector_load_idx %arg11[%add3A_503] : memref<3840xi32, #tpu.memory_space<vmem>>[vector<16xi32>], vector<16xi32>,
        %gather3A_505 = tpu.vector_load_idx %arg12[%add3A_503] : memref<3840xf32, #tpu.memory_space<vmem>>[vector<16xi32>], vector<16xf32>,
        %sub3A_506 = vector.broadcast %mul3A_2 : i32 to vector<16xi32>
        %sub3A_507 = arith.subi %gather3A_504, %sub3A_506 : vector<16xi32>
        %ge3A_508 = arith.constant 0 : i32
        %ge3A_509 = vector.broadcast %ge3A_508 : i32 to vector<16xi32>
        %ge3A_510 = arith.cmpi sge, %sub3A_507, %ge3A_509 : vector<16xi32>
        %lt3A_511 = arith.constant 3125 : i32
        %lt3A_512 = vector.broadcast %lt3A_511 : i32 to vector<16xi32>
        %lt3A_513 = arith.cmpi slt, %sub3A_507, %lt3A_512 : vector<16xi32>
        %and3A_514 = arith.andi %ge3A_510, %lt3A_513 : vector<16xi1>
        %jit3A_515 = arith.constant 0 : i32
        %broadcast_in_dim3A_516 = vector.broadcast %jit3A_515 : i32 to vector<16xi32>
        %select_n3A_517 = arith.select %and3A_514, %sub3A_507, %broadcast_in_dim3A_516 : vector<16xi1>, vector<16xi32>
        %add3A_518 = vector.broadcast %sub3A_7 : i32 to vector<16xi32>
        %add3A_519 = arith.addi %select_n3A_517, %add3A_518 : vector<16xi32>
        %gather3A_520 = tpu.vector_load_idx %arg13[%add3A_519] : memref<3136xf32, #tpu.memory_space<vmem>>[vector<16xi32>], vector<16xf32>,
        %jit3A_521 = arith.constant 0.000000e+00 : f32
        %broadcast_in_dim3A_522 = vector.broadcast %jit3A_521 : f32 to vector<16xf32>
        %select_n3A_523 = arith.select %and3A_514, %gather3A_505, %broadcast_in_dim3A_522 : vector<16xi1>, vector<16xf32>
        %mul3A_524 = arith.mulf %select_n3A_523, %gather3A_520 : vector<16xf32>
        %mul3A_525 = arith.constant 11 : i32
        %mul3A_526 = vector.broadcast %mul3A_525 : i32 to vector<16xi32>
        %mul3A_527 = arith.muli %select_n3A_517, %mul3A_526 : vector<16xi32>
        %add3A_528 = vector.broadcast %add3A_500 : i32 to vector<16xi32>
        %add3A_529 = arith.addi %mul3A_128, %add3A_528 : vector<16xi32>
        %gather3A_530 = tpu.vector_load_idx %arg10[%add3A_235, %add3A_529] : memref<48x1280xf32, #tpu.memory_space<vmem>>[vector<16xi32>, vector<16xi32>], vector<16xf32>,
        %gather3A_531 = tpu.vector_load_idx %arg10[%add3A_243, %add3A_529] : memref<48x1280xf32, #tpu.memory_space<vmem>>[vector<16xi32>, vector<16xi32>], vector<16xf32>,
        %gather3A_532 = tpu.vector_load_idx %arg10[%add3A_251, %add3A_529] : memref<48x1280xf32, #tpu.memory_space<vmem>>[vector<16xi32>, vector<16xi32>], vector<16xf32>,
        %gather3A_533 = tpu.vector_load_idx %arg10[%add3A_259, %add3A_529] : memref<48x1280xf32, #tpu.memory_space<vmem>>[vector<16xi32>, vector<16xi32>], vector<16xf32>,
        %gather3A_534 = tpu.vector_load_idx %arg10[%add3A_267, %add3A_529] : memref<48x1280xf32, #tpu.memory_space<vmem>>[vector<16xi32>, vector<16xi32>], vector<16xf32>,
        %gather3A_535 = tpu.vector_load_idx %arg10[%add3A_275, %add3A_529] : memref<48x1280xf32, #tpu.memory_space<vmem>>[vector<16xi32>, vector<16xi32>], vector<16xf32>,
        %gather3A_536 = tpu.vector_load_idx %arg10[%add3A_283, %add3A_529] : memref<48x1280xf32, #tpu.memory_space<vmem>>[vector<16xi32>, vector<16xi32>], vector<16xf32>,
        %gather3A_537 = tpu.vector_load_idx %arg10[%add3A_291, %add3A_529] : memref<48x1280xf32, #tpu.memory_space<vmem>>[vector<16xi32>, vector<16xi32>], vector<16xf32>,
        %gather3A_538 = tpu.vector_load_idx %arg10[%add3A_299, %add3A_529] : memref<48x1280xf32, #tpu.memory_space<vmem>>[vector<16xi32>, vector<16xi32>], vector<16xf32>,
        %gather3A_539 = tpu.vector_load_idx %arg10[%add3A_307, %add3A_529] : memref<48x1280xf32, #tpu.memory_space<vmem>>[vector<16xi32>, vector<16xi32>], vector<16xf32>,
        %gather3A_540 = tpu.vector_load_idx %arg10[%add3A_315, %add3A_529] : memref<48x1280xf32, #tpu.memory_space<vmem>>[vector<16xi32>, vector<16xi32>], vector<16xf32>,
        %mul3A_541 = arith.mulf %gather3A_530, %mul3A_524 : vector<16xf32>
        %mul3A_542 = arith.mulf %gather3A_531, %mul3A_524 : vector<16xf32>
        %mul3A_543 = arith.mulf %gather3A_532, %mul3A_524 : vector<16xf32>
        %mul3A_544 = arith.mulf %gather3A_533, %mul3A_524 : vector<16xf32>
        %mul3A_545 = arith.mulf %gather3A_534, %mul3A_524 : vector<16xf32>
        %mul3A_546 = arith.mulf %gather3A_535, %mul3A_524 : vector<16xf32>
        %mul3A_547 = arith.mulf %gather3A_536, %mul3A_524 : vector<16xf32>
        %mul3A_548 = arith.mulf %gather3A_537, %mul3A_524 : vector<16xf32>
        %mul3A_549 = arith.mulf %gather3A_538, %mul3A_524 : vector<16xf32>
        %mul3A_550 = arith.mulf %gather3A_539, %mul3A_524 : vector<16xf32>
        %mul3A_551 = arith.mulf %gather3A_540, %mul3A_524 : vector<16xf32>
        %add3A_552 = arith.constant 0 : i32
        %add3A_553 = vector.broadcast %add3A_552 : i32 to vector<16xi32>
        %add3A_554 = arith.addi %mul3A_527, %add3A_553 : vector<16xi32>
        tpu.vector_store_idx %arg9[%add3A_554], %mul3A_541 {add = true} : memref<34384xf32, #tpu.memory_space<vmem>>[vector<16xi32>], vector<16xf32>,
        %add3A_555 = arith.constant 1 : i32
        %add3A_556 = vector.broadcast %add3A_555 : i32 to vector<16xi32>
        %add3A_557 = arith.addi %mul3A_527, %add3A_556 : vector<16xi32>
        tpu.vector_store_idx %arg9[%add3A_557], %mul3A_542 {add = true} : memref<34384xf32, #tpu.memory_space<vmem>>[vector<16xi32>], vector<16xf32>,
        %add3A_558 = arith.constant 2 : i32
        %add3A_559 = vector.broadcast %add3A_558 : i32 to vector<16xi32>
        %add3A_560 = arith.addi %mul3A_527, %add3A_559 : vector<16xi32>
        tpu.vector_store_idx %arg9[%add3A_560], %mul3A_543 {add = true} : memref<34384xf32, #tpu.memory_space<vmem>>[vector<16xi32>], vector<16xf32>,
        %add3A_561 = arith.constant 3 : i32
        %add3A_562 = vector.broadcast %add3A_561 : i32 to vector<16xi32>
        %add3A_563 = arith.addi %mul3A_527, %add3A_562 : vector<16xi32>
        tpu.vector_store_idx %arg9[%add3A_563], %mul3A_544 {add = true} : memref<34384xf32, #tpu.memory_space<vmem>>[vector<16xi32>], vector<16xf32>,
        %add3A_564 = arith.constant 4 : i32
        %add3A_565 = vector.broadcast %add3A_564 : i32 to vector<16xi32>
        %add3A_566 = arith.addi %mul3A_527, %add3A_565 : vector<16xi32>
        tpu.vector_store_idx %arg9[%add3A_566], %mul3A_545 {add = true} : memref<34384xf32, #tpu.memory_space<vmem>>[vector<16xi32>], vector<16xf32>,
        %add3A_567 = arith.constant 5 : i32
        %add3A_568 = vector.broadcast %add3A_567 : i32 to vector<16xi32>
        %add3A_569 = arith.addi %mul3A_527, %add3A_568 : vector<16xi32>
        tpu.vector_store_idx %arg9[%add3A_569], %mul3A_546 {add = true} : memref<34384xf32, #tpu.memory_space<vmem>>[vector<16xi32>], vector<16xf32>,
        %add3A_570 = arith.constant 6 : i32
        %add3A_571 = vector.broadcast %add3A_570 : i32 to vector<16xi32>
        %add3A_572 = arith.addi %mul3A_527, %add3A_571 : vector<16xi32>
        tpu.vector_store_idx %arg9[%add3A_572], %mul3A_547 {add = true} : memref<34384xf32, #tpu.memory_space<vmem>>[vector<16xi32>], vector<16xf32>,
        %add3A_573 = arith.constant 7 : i32
        %add3A_574 = vector.broadcast %add3A_573 : i32 to vector<16xi32>
        %add3A_575 = arith.addi %mul3A_527, %add3A_574 : vector<16xi32>
        tpu.vector_store_idx %arg9[%add3A_575], %mul3A_548 {add = true} : memref<34384xf32, #tpu.memory_space<vmem>>[vector<16xi32>], vector<16xf32>,
        %add3A_576 = arith.constant 8 : i32
        %add3A_577 = vector.broadcast %add3A_576 : i32 to vector<16xi32>
        %add3A_578 = arith.addi %mul3A_527, %add3A_577 : vector<16xi32>
        tpu.vector_store_idx %arg9[%add3A_578], %mul3A_549 {add = true} : memref<34384xf32, #tpu.memory_space<vmem>>[vector<16xi32>], vector<16xf32>,
        %add3A_579 = arith.constant 9 : i32
        %add3A_580 = vector.broadcast %add3A_579 : i32 to vector<16xi32>
        %add3A_581 = arith.addi %mul3A_527, %add3A_580 : vector<16xi32>
        tpu.vector_store_idx %arg9[%add3A_581], %mul3A_550 {add = true} : memref<34384xf32, #tpu.memory_space<vmem>>[vector<16xi32>], vector<16xf32>,
        %add3A_582 = arith.constant 10 : i32
        %add3A_583 = vector.broadcast %add3A_582 : i32 to vector<16xi32>
        %add3A_584 = arith.addi %mul3A_527, %add3A_583 : vector<16xi32>
        tpu.vector_store_idx %arg9[%add3A_584], %mul3A_551 {add = true} : memref<34384xf32, #tpu.memory_space<vmem>>[vector<16xi32>], vector<16xf32>,
        %mul3A_585 = arith.constant 5 : i32
        %mul3A_586 = arith.muli %scan3A_324, %mul3A_585 : i32
        %add3A_587 = arith.constant 3 : i32
        %add3A_588 = arith.addi %mul3A_586, %add3A_587 : i32
        %add3A_589 = arith.addi %add3A_588, %mul3A_227 : i32
        %add3A_590 = vector.broadcast %add3A_589 : i32 to vector<16xi32>
        %add3A_591 = arith.addi %mul3A_128, %add3A_590 : vector<16xi32>
        %gather3A_592 = tpu.vector_load_idx %arg11[%add3A_591] : memref<3840xi32, #tpu.memory_space<vmem>>[vector<16xi32>], vector<16xi32>,
        %gather3A_593 = tpu.vector_load_idx %arg12[%add3A_591] : memref<3840xf32, #tpu.memory_space<vmem>>[vector<16xi32>], vector<16xf32>,
        %sub3A_594 = vector.broadcast %mul3A_2 : i32 to vector<16xi32>
        %sub3A_595 = arith.subi %gather3A_592, %sub3A_594 : vector<16xi32>
        %ge3A_596 = arith.constant 0 : i32
        %ge3A_597 = vector.broadcast %ge3A_596 : i32 to vector<16xi32>
        %ge3A_598 = arith.cmpi sge, %sub3A_595, %ge3A_597 : vector<16xi32>
        %lt3A_599 = arith.constant 3125 : i32
        %lt3A_600 = vector.broadcast %lt3A_599 : i32 to vector<16xi32>
        %lt3A_601 = arith.cmpi slt, %sub3A_595, %lt3A_600 : vector<16xi32>
        %and3A_602 = arith.andi %ge3A_598, %lt3A_601 : vector<16xi1>
        %jit3A_603 = arith.constant 0 : i32
        %broadcast_in_dim3A_604 = vector.broadcast %jit3A_603 : i32 to vector<16xi32>
        %select_n3A_605 = arith.select %and3A_602, %sub3A_595, %broadcast_in_dim3A_604 : vector<16xi1>, vector<16xi32>
        %add3A_606 = vector.broadcast %sub3A_7 : i32 to vector<16xi32>
        %add3A_607 = arith.addi %select_n3A_605, %add3A_606 : vector<16xi32>
        %gather3A_608 = tpu.vector_load_idx %arg13[%add3A_607] : memref<3136xf32, #tpu.memory_space<vmem>>[vector<16xi32>], vector<16xf32>,
        %jit3A_609 = arith.constant 0.000000e+00 : f32
        %broadcast_in_dim3A_610 = vector.broadcast %jit3A_609 : f32 to vector<16xf32>
        %select_n3A_611 = arith.select %and3A_602, %gather3A_593, %broadcast_in_dim3A_610 : vector<16xi1>, vector<16xf32>
        %mul3A_612 = arith.mulf %select_n3A_611, %gather3A_608 : vector<16xf32>
        %mul3A_613 = arith.constant 11 : i32
        %mul3A_614 = vector.broadcast %mul3A_613 : i32 to vector<16xi32>
        %mul3A_615 = arith.muli %select_n3A_605, %mul3A_614 : vector<16xi32>
        %add3A_616 = vector.broadcast %add3A_588 : i32 to vector<16xi32>
        %add3A_617 = arith.addi %mul3A_128, %add3A_616 : vector<16xi32>
        %gather3A_618 = tpu.vector_load_idx %arg10[%add3A_235, %add3A_617] : memref<48x1280xf32, #tpu.memory_space<vmem>>[vector<16xi32>, vector<16xi32>], vector<16xf32>,
        %gather3A_619 = tpu.vector_load_idx %arg10[%add3A_243, %add3A_617] : memref<48x1280xf32, #tpu.memory_space<vmem>>[vector<16xi32>, vector<16xi32>], vector<16xf32>,
        %gather3A_620 = tpu.vector_load_idx %arg10[%add3A_251, %add3A_617] : memref<48x1280xf32, #tpu.memory_space<vmem>>[vector<16xi32>, vector<16xi32>], vector<16xf32>,
        %gather3A_621 = tpu.vector_load_idx %arg10[%add3A_259, %add3A_617] : memref<48x1280xf32, #tpu.memory_space<vmem>>[vector<16xi32>, vector<16xi32>], vector<16xf32>,
        %gather3A_622 = tpu.vector_load_idx %arg10[%add3A_267, %add3A_617] : memref<48x1280xf32, #tpu.memory_space<vmem>>[vector<16xi32>, vector<16xi32>], vector<16xf32>,
        %gather3A_623 = tpu.vector_load_idx %arg10[%add3A_275, %add3A_617] : memref<48x1280xf32, #tpu.memory_space<vmem>>[vector<16xi32>, vector<16xi32>], vector<16xf32>,
        %gather3A_624 = tpu.vector_load_idx %arg10[%add3A_283, %add3A_617] : memref<48x1280xf32, #tpu.memory_space<vmem>>[vector<16xi32>, vector<16xi32>], vector<16xf32>,
        %gather3A_625 = tpu.vector_load_idx %arg10[%add3A_291, %add3A_617] : memref<48x1280xf32, #tpu.memory_space<vmem>>[vector<16xi32>, vector<16xi32>], vector<16xf32>,
        %gather3A_626 = tpu.vector_load_idx %arg10[%add3A_299, %add3A_617] : memref<48x1280xf32, #tpu.memory_space<vmem>>[vector<16xi32>, vector<16xi32>], vector<16xf32>,
        %gather3A_627 = tpu.vector_load_idx %arg10[%add3A_307, %add3A_617] : memref<48x1280xf32, #tpu.memory_space<vmem>>[vector<16xi32>, vector<16xi32>], vector<16xf32>,
        %gather3A_628 = tpu.vector_load_idx %arg10[%add3A_315, %add3A_617] : memref<48x1280xf32, #tpu.memory_space<vmem>>[vector<16xi32>, vector<16xi32>], vector<16xf32>,
        %mul3A_629 = arith.mulf %gather3A_618, %mul3A_612 : vector<16xf32>
        %mul3A_630 = arith.mulf %gather3A_619, %mul3A_612 : vector<16xf32>
        %mul3A_631 = arith.mulf %gather3A_620, %mul3A_612 : vector<16xf32>
        %mul3A_632 = arith.mulf %gather3A_621, %mul3A_612 : vector<16xf32>
        %mul3A_633 = arith.mulf %gather3A_622, %mul3A_612 : vector<16xf32>
        %mul3A_634 = arith.mulf %gather3A_623, %mul3A_612 : vector<16xf32>
        %mul3A_635 = arith.mulf %gather3A_624, %mul3A_612 : vector<16xf32>
        %mul3A_636 = arith.mulf %gather3A_625, %mul3A_612 : vector<16xf32>
        %mul3A_637 = arith.mulf %gather3A_626, %mul3A_612 : vector<16xf32>
        %mul3A_638 = arith.mulf %gather3A_627, %mul3A_612 : vector<16xf32>
        %mul3A_639 = arith.mulf %gather3A_628, %mul3A_612 : vector<16xf32>
        %add3A_640 = arith.constant 0 : i32
        %add3A_641 = vector.broadcast %add3A_640 : i32 to vector<16xi32>
        %add3A_642 = arith.addi %mul3A_615, %add3A_641 : vector<16xi32>
        tpu.vector_store_idx %arg9[%add3A_642], %mul3A_629 {add = true} : memref<34384xf32, #tpu.memory_space<vmem>>[vector<16xi32>], vector<16xf32>,
        %add3A_643 = arith.constant 1 : i32
        %add3A_644 = vector.broadcast %add3A_643 : i32 to vector<16xi32>
        %add3A_645 = arith.addi %mul3A_615, %add3A_644 : vector<16xi32>
        tpu.vector_store_idx %arg9[%add3A_645], %mul3A_630 {add = true} : memref<34384xf32, #tpu.memory_space<vmem>>[vector<16xi32>], vector<16xf32>,
        %add3A_646 = arith.constant 2 : i32
        %add3A_647 = vector.broadcast %add3A_646 : i32 to vector<16xi32>
        %add3A_648 = arith.addi %mul3A_615, %add3A_647 : vector<16xi32>
        tpu.vector_store_idx %arg9[%add3A_648], %mul3A_631 {add = true} : memref<34384xf32, #tpu.memory_space<vmem>>[vector<16xi32>], vector<16xf32>,
        %add3A_649 = arith.constant 3 : i32
        %add3A_650 = vector.broadcast %add3A_649 : i32 to vector<16xi32>
        %add3A_651 = arith.addi %mul3A_615, %add3A_650 : vector<16xi32>
        tpu.vector_store_idx %arg9[%add3A_651], %mul3A_632 {add = true} : memref<34384xf32, #tpu.memory_space<vmem>>[vector<16xi32>], vector<16xf32>,
        %add3A_652 = arith.constant 4 : i32
        %add3A_653 = vector.broadcast %add3A_652 : i32 to vector<16xi32>
        %add3A_654 = arith.addi %mul3A_615, %add3A_653 : vector<16xi32>
        tpu.vector_store_idx %arg9[%add3A_654], %mul3A_633 {add = true} : memref<34384xf32, #tpu.memory_space<vmem>>[vector<16xi32>], vector<16xf32>,
        %add3A_655 = arith.constant 5 : i32
        %add3A_656 = vector.broadcast %add3A_655 : i32 to vector<16xi32>
        %add3A_657 = arith.addi %mul3A_615, %add3A_656 : vector<16xi32>
        tpu.vector_store_idx %arg9[%add3A_657], %mul3A_634 {add = true} : memref<34384xf32, #tpu.memory_space<vmem>>[vector<16xi32>], vector<16xf32>,
        %add3A_658 = arith.constant 6 : i32
        %add3A_659 = vector.broadcast %add3A_658 : i32 to vector<16xi32>
        %add3A_660 = arith.addi %mul3A_615, %add3A_659 : vector<16xi32>
        tpu.vector_store_idx %arg9[%add3A_660], %mul3A_635 {add = true} : memref<34384xf32, #tpu.memory_space<vmem>>[vector<16xi32>], vector<16xf32>,
        %add3A_661 = arith.constant 7 : i32
        %add3A_662 = vector.broadcast %add3A_661 : i32 to vector<16xi32>
        %add3A_663 = arith.addi %mul3A_615, %add3A_662 : vector<16xi32>
        tpu.vector_store_idx %arg9[%add3A_663], %mul3A_636 {add = true} : memref<34384xf32, #tpu.memory_space<vmem>>[vector<16xi32>], vector<16xf32>,
        %add3A_664 = arith.constant 8 : i32
        %add3A_665 = vector.broadcast %add3A_664 : i32 to vector<16xi32>
        %add3A_666 = arith.addi %mul3A_615, %add3A_665 : vector<16xi32>
        tpu.vector_store_idx %arg9[%add3A_666], %mul3A_637 {add = true} : memref<34384xf32, #tpu.memory_space<vmem>>[vector<16xi32>], vector<16xf32>,
        %add3A_667 = arith.constant 9 : i32
        %add3A_668 = vector.broadcast %add3A_667 : i32 to vector<16xi32>
        %add3A_669 = arith.addi %mul3A_615, %add3A_668 : vector<16xi32>
        tpu.vector_store_idx %arg9[%add3A_669], %mul3A_638 {add = true} : memref<34384xf32, #tpu.memory_space<vmem>>[vector<16xi32>], vector<16xf32>,
        %add3A_670 = arith.constant 10 : i32
        %add3A_671 = vector.broadcast %add3A_670 : i32 to vector<16xi32>
        %add3A_672 = arith.addi %mul3A_615, %add3A_671 : vector<16xi32>
        tpu.vector_store_idx %arg9[%add3A_672], %mul3A_639 {add = true} : memref<34384xf32, #tpu.memory_space<vmem>>[vector<16xi32>], vector<16xf32>,
        %mul3A_673 = arith.constant 5 : i32
        %mul3A_674 = arith.muli %scan3A_324, %mul3A_673 : i32
        %add3A_675 = arith.constant 4 : i32
        %add3A_676 = arith.addi %mul3A_674, %add3A_675 : i32
        %add3A_677 = arith.addi %add3A_676, %mul3A_227 : i32
        %add3A_678 = vector.broadcast %add3A_677 : i32 to vector<16xi32>
        %add3A_679 = arith.addi %mul3A_128, %add3A_678 : vector<16xi32>
        %gather3A_680 = tpu.vector_load_idx %arg11[%add3A_679] : memref<3840xi32, #tpu.memory_space<vmem>>[vector<16xi32>], vector<16xi32>,
        %gather3A_681 = tpu.vector_load_idx %arg12[%add3A_679] : memref<3840xf32, #tpu.memory_space<vmem>>[vector<16xi32>], vector<16xf32>,
        %sub3A_682 = vector.broadcast %mul3A_2 : i32 to vector<16xi32>
        %sub3A_683 = arith.subi %gather3A_680, %sub3A_682 : vector<16xi32>
        %ge3A_684 = arith.constant 0 : i32
        %ge3A_685 = vector.broadcast %ge3A_684 : i32 to vector<16xi32>
        %ge3A_686 = arith.cmpi sge, %sub3A_683, %ge3A_685 : vector<16xi32>
        %lt3A_687 = arith.constant 3125 : i32
        %lt3A_688 = vector.broadcast %lt3A_687 : i32 to vector<16xi32>
        %lt3A_689 = arith.cmpi slt, %sub3A_683, %lt3A_688 : vector<16xi32>
        %and3A_690 = arith.andi %ge3A_686, %lt3A_689 : vector<16xi1>
        %jit3A_691 = arith.constant 0 : i32
        %broadcast_in_dim3A_692 = vector.broadcast %jit3A_691 : i32 to vector<16xi32>
        %select_n3A_693 = arith.select %and3A_690, %sub3A_683, %broadcast_in_dim3A_692 : vector<16xi1>, vector<16xi32>
        %add3A_694 = vector.broadcast %sub3A_7 : i32 to vector<16xi32>
        %add3A_695 = arith.addi %select_n3A_693, %add3A_694 : vector<16xi32>
        %gather3A_696 = tpu.vector_load_idx %arg13[%add3A_695] : memref<3136xf32, #tpu.memory_space<vmem>>[vector<16xi32>], vector<16xf32>,
        %jit3A_697 = arith.constant 0.000000e+00 : f32
        %broadcast_in_dim3A_698 = vector.broadcast %jit3A_697 : f32 to vector<16xf32>
        %select_n3A_699 = arith.select %and3A_690, %gather3A_681, %broadcast_in_dim3A_698 : vector<16xi1>, vector<16xf32>
        %mul3A_700 = arith.mulf %select_n3A_699, %gather3A_696 : vector<16xf32>
        %mul3A_701 = arith.constant 11 : i32
        %mul3A_702 = vector.broadcast %mul3A_701 : i32 to vector<16xi32>
        %mul3A_703 = arith.muli %select_n3A_693, %mul3A_702 : vector<16xi32>
        %add3A_704 = vector.broadcast %add3A_676 : i32 to vector<16xi32>
        %add3A_705 = arith.addi %mul3A_128, %add3A_704 : vector<16xi32>
        %gather3A_706 = tpu.vector_load_idx %arg10[%add3A_235, %add3A_705] : memref<48x1280xf32, #tpu.memory_space<vmem>>[vector<16xi32>, vector<16xi32>], vector<16xf32>,
        %gather3A_707 = tpu.vector_load_idx %arg10[%add3A_243, %add3A_705] : memref<48x1280xf32, #tpu.memory_space<vmem>>[vector<16xi32>, vector<16xi32>], vector<16xf32>,
        %gather3A_708 = tpu.vector_load_idx %arg10[%add3A_251, %add3A_705] : memref<48x1280xf32, #tpu.memory_space<vmem>>[vector<16xi32>, vector<16xi32>], vector<16xf32>,
        %gather3A_709 = tpu.vector_load_idx %arg10[%add3A_259, %add3A_705] : memref<48x1280xf32, #tpu.memory_space<vmem>>[vector<16xi32>, vector<16xi32>], vector<16xf32>,
        %gather3A_710 = tpu.vector_load_idx %arg10[%add3A_267, %add3A_705] : memref<48x1280xf32, #tpu.memory_space<vmem>>[vector<16xi32>, vector<16xi32>], vector<16xf32>,
        %gather3A_711 = tpu.vector_load_idx %arg10[%add3A_275, %add3A_705] : memref<48x1280xf32, #tpu.memory_space<vmem>>[vector<16xi32>, vector<16xi32>], vector<16xf32>,
        %gather3A_712 = tpu.vector_load_idx %arg10[%add3A_283, %add3A_705] : memref<48x1280xf32, #tpu.memory_space<vmem>>[vector<16xi32>, vector<16xi32>], vector<16xf32>,
        %gather3A_713 = tpu.vector_load_idx %arg10[%add3A_291, %add3A_705] : memref<48x1280xf32, #tpu.memory_space<vmem>>[vector<16xi32>, vector<16xi32>], vector<16xf32>,
        %gather3A_714 = tpu.vector_load_idx %arg10[%add3A_299, %add3A_705] : memref<48x1280xf32, #tpu.memory_space<vmem>>[vector<16xi32>, vector<16xi32>], vector<16xf32>,
        %gather3A_715 = tpu.vector_load_idx %arg10[%add3A_307, %add3A_705] : memref<48x1280xf32, #tpu.memory_space<vmem>>[vector<16xi32>, vector<16xi32>], vector<16xf32>,
        %gather3A_716 = tpu.vector_load_idx %arg10[%add3A_315, %add3A_705] : memref<48x1280xf32, #tpu.memory_space<vmem>>[vector<16xi32>, vector<16xi32>], vector<16xf32>,
        %mul3A_717 = arith.mulf %gather3A_706, %mul3A_700 : vector<16xf32>
        %mul3A_718 = arith.mulf %gather3A_707, %mul3A_700 : vector<16xf32>
        %mul3A_719 = arith.mulf %gather3A_708, %mul3A_700 : vector<16xf32>
        %mul3A_720 = arith.mulf %gather3A_709, %mul3A_700 : vector<16xf32>
        %mul3A_721 = arith.mulf %gather3A_710, %mul3A_700 : vector<16xf32>
        %mul3A_722 = arith.mulf %gather3A_711, %mul3A_700 : vector<16xf32>
        %mul3A_723 = arith.mulf %gather3A_712, %mul3A_700 : vector<16xf32>
        %mul3A_724 = arith.mulf %gather3A_713, %mul3A_700 : vector<16xf32>
        %mul3A_725 = arith.mulf %gather3A_714, %mul3A_700 : vector<16xf32>
        %mul3A_726 = arith.mulf %gather3A_715, %mul3A_700 : vector<16xf32>
        %mul3A_727 = arith.mulf %gather3A_716, %mul3A_700 : vector<16xf32>
        %add3A_728 = arith.constant 0 : i32
        %add3A_729 = vector.broadcast %add3A_728 : i32 to vector<16xi32>
        %add3A_730 = arith.addi %mul3A_703, %add3A_729 : vector<16xi32>
        tpu.vector_store_idx %arg9[%add3A_730], %mul3A_717 {add = true} : memref<34384xf32, #tpu.memory_space<vmem>>[vector<16xi32>], vector<16xf32>,
        %add3A_731 = arith.constant 1 : i32
        %add3A_732 = vector.broadcast %add3A_731 : i32 to vector<16xi32>
        %add3A_733 = arith.addi %mul3A_703, %add3A_732 : vector<16xi32>
        tpu.vector_store_idx %arg9[%add3A_733], %mul3A_718 {add = true} : memref<34384xf32, #tpu.memory_space<vmem>>[vector<16xi32>], vector<16xf32>,
        %add3A_734 = arith.constant 2 : i32
        %add3A_735 = vector.broadcast %add3A_734 : i32 to vector<16xi32>
        %add3A_736 = arith.addi %mul3A_703, %add3A_735 : vector<16xi32>
        tpu.vector_store_idx %arg9[%add3A_736], %mul3A_719 {add = true} : memref<34384xf32, #tpu.memory_space<vmem>>[vector<16xi32>], vector<16xf32>,
        %add3A_737 = arith.constant 3 : i32
        %add3A_738 = vector.broadcast %add3A_737 : i32 to vector<16xi32>
        %add3A_739 = arith.addi %mul3A_703, %add3A_738 : vector<16xi32>
        tpu.vector_store_idx %arg9[%add3A_739], %mul3A_720 {add = true} : memref<34384xf32, #tpu.memory_space<vmem>>[vector<16xi32>], vector<16xf32>,
        %add3A_740 = arith.constant 4 : i32
        %add3A_741 = vector.broadcast %add3A_740 : i32 to vector<16xi32>
        %add3A_742 = arith.addi %mul3A_703, %add3A_741 : vector<16xi32>
        tpu.vector_store_idx %arg9[%add3A_742], %mul3A_721 {add = true} : memref<34384xf32, #tpu.memory_space<vmem>>[vector<16xi32>], vector<16xf32>,
        %add3A_743 = arith.constant 5 : i32
        %add3A_744 = vector.broadcast %add3A_743 : i32 to vector<16xi32>
        %add3A_745 = arith.addi %mul3A_703, %add3A_744 : vector<16xi32>
        tpu.vector_store_idx %arg9[%add3A_745], %mul3A_722 {add = true} : memref<34384xf32, #tpu.memory_space<vmem>>[vector<16xi32>], vector<16xf32>,
        %add3A_746 = arith.constant 6 : i32
        %add3A_747 = vector.broadcast %add3A_746 : i32 to vector<16xi32>
        %add3A_748 = arith.addi %mul3A_703, %add3A_747 : vector<16xi32>
        tpu.vector_store_idx %arg9[%add3A_748], %mul3A_723 {add = true} : memref<34384xf32, #tpu.memory_space<vmem>>[vector<16xi32>], vector<16xf32>,
        %add3A_749 = arith.constant 7 : i32
        %add3A_750 = vector.broadcast %add3A_749 : i32 to vector<16xi32>
        %add3A_751 = arith.addi %mul3A_703, %add3A_750 : vector<16xi32>
        tpu.vector_store_idx %arg9[%add3A_751], %mul3A_724 {add = true} : memref<34384xf32, #tpu.memory_space<vmem>>[vector<16xi32>], vector<16xf32>,
        %add3A_752 = arith.constant 8 : i32
        %add3A_753 = vector.broadcast %add3A_752 : i32 to vector<16xi32>
        %add3A_754 = arith.addi %mul3A_703, %add3A_753 : vector<16xi32>
        tpu.vector_store_idx %arg9[%add3A_754], %mul3A_725 {add = true} : memref<34384xf32, #tpu.memory_space<vmem>>[vector<16xi32>], vector<16xf32>,
        %add3A_755 = arith.constant 9 : i32
        %add3A_756 = vector.broadcast %add3A_755 : i32 to vector<16xi32>
        %add3A_757 = arith.addi %mul3A_703, %add3A_756 : vector<16xi32>
        tpu.vector_store_idx %arg9[%add3A_757], %mul3A_726 {add = true} : memref<34384xf32, #tpu.memory_space<vmem>>[vector<16xi32>], vector<16xf32>,
        %add3A_758 = arith.constant 10 : i32
        %add3A_759 = vector.broadcast %add3A_758 : i32 to vector<16xi32>
        %add3A_760 = arith.addi %mul3A_703, %add3A_759 : vector<16xi32>
        tpu.vector_store_idx %arg9[%add3A_760], %mul3A_727 {add = true} : memref<34384xf32, #tpu.memory_space<vmem>>[vector<16xi32>], vector<16xf32>,
        %scan3A_761 = arith.constant 0 : i32
        scf.yield %scan3A_761 : i32
      }
      %scan3A_322 = arith.constant 16 : i32
      %while3A_323 = arith.constant 0 : i32
      scf.yield %while3A_323 : i32
    }
    %while3A_144 = arith.constant 1 : i32
    %while3A_145 = scf.for %while3A_146 = %while3A_141 to %while3A_137 step %while3A_144 iter_args(%while3A_147 = %while3A_143) -> (i32)  : i32 {
      %sub3A_148 = arith.subi %while3A_146, %add3A_78 : i32
      %rem3A_149 = arith.constant 3 : i32
      %rem3A_150 = arith.remsi %sub3A_148, %rem3A_149 : i32
      %mul3A_151 = arith.constant 1280 : i32
      %mul3A_152 = arith.muli %rem3A_150, %mul3A_151 : i32
      %multiple_of3A_153 = tpu.assume_multiple %mul3A_152, 8 : i32
      %mul3A_154 = arith.constant 16 : i32
      %mul3A_155 = arith.muli %rem3A_150, %mul3A_154 : i32
      %multiple_of3A_156 = tpu.assume_multiple %mul3A_155, 8 : i32
      %dma_wait3A_157 = arith.constant 0 : i32
      %dma_wait3A_158 = tpu.memref_slice %arg10[%multiple_of3A_156, %dma_wait3A_157] : memref<48x1280xf32, #tpu.memory_space<vmem>> -> memref<8x1280xf32, #tpu.memory_space<vmem>>
      %dma_wait3A_159 = arith.constant 0 : i32
      %dma_wait3A_160 = arith.constant 0 : i32
      %dma_wait3A_161 = tpu.memref_slice %arg2[%dma_wait3A_159, %dma_wait3A_160] : memref<11x3200000xf32, #tpu.memory_space<hbm>> -> memref<8x1280xf32, #tpu.memory_space<hbm>>
      %dma_wait3A_162 = arith.constant 0 : i32
      %dma_wait3A_163 = tpu.memref_slice %arg10[%multiple_of3A_156, %dma_wait3A_162] : memref<48x1280xf32, #tpu.memory_space<vmem>> -> memref<8x1280xf32, #tpu.memory_space<vmem>>
      %dma_wait3A_164 = arith.constant 0 : i32
      %dma_wait3A_165 = arith.constant 0 : i32
      %dma_wait3A_166 = tpu.memref_slice %arg2[%dma_wait3A_164, %dma_wait3A_165] : memref<11x3200000xf32, #tpu.memory_space<hbm>> -> memref<8x1280xf32, #tpu.memory_space<hbm>>
      tpu.wait_dma2 semaphore(%arg16 : memref<!tpu.dma_semaphore, #tpu.memory_space<semaphore_mem>>) src(%dma_wait3A_166 : memref<8x1280xf32, #tpu.memory_space<hbm>>) dst(%dma_wait3A_163 : memref<8x1280xf32, #tpu.memory_space<vmem>>)
      %mul3A_167 = arith.constant 16 : i32
      %mul3A_168 = arith.muli %rem3A_150, %mul3A_167 : i32
      %add3A_169 = arith.constant 8 : i32
      %add3A_170 = arith.addi %mul3A_168, %add3A_169 : i32
      %dma_wait3A_171 = arith.constant 0 : i32
      %dma_wait3A_172 = tpu.memref_slice %arg10[%add3A_170, %dma_wait3A_171] : memref<48x1280xf32, #tpu.memory_space<vmem>> -> memref<1x1280xf32, #tpu.memory_space<vmem>>
      %dma_wait3A_173 = arith.constant 0 : i32
      %dma_wait3A_174 = arith.constant 0 : i32
      %dma_wait3A_175 = tpu.memref_slice %arg2[%dma_wait3A_173, %dma_wait3A_174] : memref<11x3200000xf32, #tpu.memory_space<hbm>> -> memref<1x1280xf32, #tpu.memory_space<hbm>>
      %dma_wait3A_176 = arith.constant 0 : i32
      %dma_wait3A_177 = tpu.memref_slice %arg10[%add3A_170, %dma_wait3A_176] : memref<48x1280xf32, #tpu.memory_space<vmem>> -> memref<1x1280xf32, #tpu.memory_space<vmem>>
      %dma_wait3A_178 = arith.constant 0 : i32
      %dma_wait3A_179 = arith.constant 0 : i32
      %dma_wait3A_180 = tpu.memref_slice %arg2[%dma_wait3A_178, %dma_wait3A_179] : memref<11x3200000xf32, #tpu.memory_space<hbm>> -> memref<1x1280xf32, #tpu.memory_space<hbm>>
      tpu.wait_dma2 semaphore(%arg16 : memref<!tpu.dma_semaphore, #tpu.memory_space<semaphore_mem>>) src(%dma_wait3A_180 : memref<1x1280xf32, #tpu.memory_space<hbm>>) dst(%dma_wait3A_177 : memref<1x1280xf32, #tpu.memory_space<vmem>>)
      %mul3A_181 = arith.constant 16 : i32
      %mul3A_182 = arith.muli %rem3A_150, %mul3A_181 : i32
      %add3A_183 = arith.constant 9 : i32
      %add3A_184 = arith.addi %mul3A_182, %add3A_183 : i32
      %dma_wait3A_185 = arith.constant 0 : i32
      %dma_wait3A_186 = tpu.memref_slice %arg10[%add3A_184, %dma_wait3A_185] : memref<48x1280xf32, #tpu.memory_space<vmem>> -> memref<1x1280xf32, #tpu.memory_space<vmem>>
      %dma_wait3A_187 = arith.constant 0 : i32
      %dma_wait3A_188 = arith.constant 0 : i32
      %dma_wait3A_189 = tpu.memref_slice %arg2[%dma_wait3A_187, %dma_wait3A_188] : memref<11x3200000xf32, #tpu.memory_space<hbm>> -> memref<1x1280xf32, #tpu.memory_space<hbm>>
      %dma_wait3A_190 = arith.constant 0 : i32
      %dma_wait3A_191 = tpu.memref_slice %arg10[%add3A_184, %dma_wait3A_190] : memref<48x1280xf32, #tpu.memory_space<vmem>> -> memref<1x1280xf32, #tpu.memory_space<vmem>>
      %dma_wait3A_192 = arith.constant 0 : i32
      %dma_wait3A_193 = arith.constant 0 : i32
      %dma_wait3A_194 = tpu.memref_slice %arg2[%dma_wait3A_192, %dma_wait3A_193] : memref<11x3200000xf32, #tpu.memory_space<hbm>> -> memref<1x1280xf32, #tpu.memory_space<hbm>>
      tpu.wait_dma2 semaphore(%arg16 : memref<!tpu.dma_semaphore, #tpu.memory_space<semaphore_mem>>) src(%dma_wait3A_194 : memref<1x1280xf32, #tpu.memory_space<hbm>>) dst(%dma_wait3A_191 : memref<1x1280xf32, #tpu.memory_space<vmem>>)
      %mul3A_195 = arith.constant 16 : i32
      %mul3A_196 = arith.muli %rem3A_150, %mul3A_195 : i32
      %add3A_197 = arith.constant 10 : i32
      %add3A_198 = arith.addi %mul3A_196, %add3A_197 : i32
      %dma_wait3A_199 = arith.constant 0 : i32
      %dma_wait3A_200 = tpu.memref_slice %arg10[%add3A_198, %dma_wait3A_199] : memref<48x1280xf32, #tpu.memory_space<vmem>> -> memref<1x1280xf32, #tpu.memory_space<vmem>>
      %dma_wait3A_201 = arith.constant 0 : i32
      %dma_wait3A_202 = arith.constant 0 : i32
      %dma_wait3A_203 = tpu.memref_slice %arg2[%dma_wait3A_201, %dma_wait3A_202] : memref<11x3200000xf32, #tpu.memory_space<hbm>> -> memref<1x1280xf32, #tpu.memory_space<hbm>>
      %dma_wait3A_204 = arith.constant 0 : i32
      %dma_wait3A_205 = tpu.memref_slice %arg10[%add3A_198, %dma_wait3A_204] : memref<48x1280xf32, #tpu.memory_space<vmem>> -> memref<1x1280xf32, #tpu.memory_space<vmem>>
      %dma_wait3A_206 = arith.constant 0 : i32
      %dma_wait3A_207 = arith.constant 0 : i32
      %dma_wait3A_208 = tpu.memref_slice %arg2[%dma_wait3A_206, %dma_wait3A_207] : memref<11x3200000xf32, #tpu.memory_space<hbm>> -> memref<1x1280xf32, #tpu.memory_space<hbm>>
      tpu.wait_dma2 semaphore(%arg16 : memref<!tpu.dma_semaphore, #tpu.memory_space<semaphore_mem>>) src(%dma_wait3A_208 : memref<1x1280xf32, #tpu.memory_space<hbm>>) dst(%dma_wait3A_205 : memref<1x1280xf32, #tpu.memory_space<vmem>>)
      %dma_wait3A_209 = tpu.memref_slice %arg11[%multiple_of3A_153] : memref<3840xi32, #tpu.memory_space<vmem>> -> memref<1280xi32, #tpu.memory_space<vmem>>
      %dma_wait3A_210 = arith.constant 0 : i32
      %dma_wait3A_211 = tpu.memref_slice %arg3[%dma_wait3A_210] : memref<3200000xi32, #tpu.memory_space<hbm>> -> memref<1280xi32, #tpu.memory_space<hbm>>
      %dma_wait3A_212 = tpu.memref_slice %arg11[%multiple_of3A_153] : memref<3840xi32, #tpu.memory_space<vmem>> -> memref<1280xi32, #tpu.memory_space<vmem>>
      %dma_wait3A_213 = arith.constant 0 : i32
      %dma_wait3A_214 = tpu.memref_slice %arg3[%dma_wait3A_213] : memref<3200000xi32, #tpu.memory_space<hbm>> -> memref<1280xi32, #tpu.memory_space<hbm>>
      tpu.wait_dma2 semaphore(%arg17 : memref<!tpu.dma_semaphore, #tpu.memory_space<semaphore_mem>>) src(%dma_wait3A_214 : memref<1280xi32, #tpu.memory_space<hbm>>) dst(%dma_wait3A_212 : memref<1280xi32, #tpu.memory_space<vmem>>)
      %dma_wait3A_215 = tpu.memref_slice %arg12[%multiple_of3A_153] : memref<3840xf32, #tpu.memory_space<vmem>> -> memref<1280xf32, #tpu.memory_space<vmem>>
      %dma_wait3A_216 = arith.constant 0 : i32
      %dma_wait3A_217 = tpu.memref_slice %arg4[%dma_wait3A_216] : memref<3200000xf32, #tpu.memory_space<hbm>> -> memref<1280xf32, #tpu.memory_space<hbm>>
      %dma_wait3A_218 = tpu.memref_slice %arg12[%multiple_of3A_153] : memref<3840xf32, #tpu.memory_space<vmem>> -> memref<1280xf32, #tpu.memory_space<vmem>>
      %dma_wait3A_219 = arith.constant 0 : i32
      %dma_wait3A_220 = tpu.memref_slice %arg4[%dma_wait3A_219] : memref<3200000xf32, #tpu.memory_space<hbm>> -> memref<1280xf32, #tpu.memory_space<hbm>>
      tpu.wait_dma2 semaphore(%arg18 : memref<!tpu.dma_semaphore, #tpu.memory_space<semaphore_mem>>) src(%dma_wait3A_220 : memref<1280xf32, #tpu.memory_space<hbm>>) dst(%dma_wait3A_218 : memref<1280xf32, #tpu.memory_space<vmem>>)
      %add3A_221 = arith.constant 2 : i32
      %add3A_222 = arith.addi %while3A_146, %add3A_221 : i32
      %lt3A = arith.cmpi slt, %add3A_222, %add3A_125 : i32
      %convert_element_type3A_223 = arith.extui %lt3A : i1 to i32
      %cond3A_224 = arith.constant 0 : i32
      %cond3A_225 = arith.cmpi ne, %convert_element_type3A_223, %cond3A_224 : i32
      scf.if %cond3A_225 {
        %add3A_324 = arith.constant 2 : i32
        %add3A_325 = arith.addi %while3A_146, %add3A_324 : i32
        %add3A_326 = arith.constant 2 : i32
        %add3A_327 = arith.addi %rem3A_150, %add3A_326 : i32
        %rem3A_328 = arith.constant 3 : i32
        %rem3A_329 = arith.remsi %add3A_327, %rem3A_328 : i32
        %mul3A_330 = arith.constant 1280 : i32
        %mul3A_331 = arith.muli %add3A_325, %mul3A_330 : i32
        %multiple_of3A_332 = tpu.assume_multiple %mul3A_331, 8 : i32
        %mul3A_333 = arith.constant 1280 : i32
        %mul3A_334 = arith.muli %rem3A_329, %mul3A_333 : i32
        %multiple_of3A_335 = tpu.assume_multiple %mul3A_334, 8 : i32
        %mul3A_336 = arith.constant 16 : i32
        %mul3A_337 = arith.muli %rem3A_329, %mul3A_336 : i32
        %multiple_of3A_338 = tpu.assume_multiple %mul3A_337, 8 : i32
        %dma_start3A_339 = arith.constant 0 : i32
        %dma_start3A_340 = tpu.memref_slice %arg10[%multiple_of3A_338, %dma_start3A_339] : memref<48x1280xf32, #tpu.memory_space<vmem>> -> memref<8x1280xf32, #tpu.memory_space<vmem>>
        %dma_start3A_341 = arith.constant 0 : i32
        %dma_start3A_342 = tpu.memref_slice %arg2[%dma_start3A_341, %multiple_of3A_332] : memref<11x3200000xf32, #tpu.memory_space<hbm>> -> memref<8x1280xf32, #tpu.memory_space<hbm>>
        %dma_start3A_343 = arith.constant 0 : i32
        %dma_start3A_344 = tpu.memref_slice %arg10[%multiple_of3A_338, %dma_start3A_343] : memref<48x1280xf32, #tpu.memory_space<vmem>> -> memref<8x1280xf32, #tpu.memory_space<vmem>>
        %dma_start3A_345 = arith.constant 0 : i32
        %dma_start3A_346 = tpu.memref_slice %arg2[%dma_start3A_345, %multiple_of3A_332] : memref<11x3200000xf32, #tpu.memory_space<hbm>> -> memref<8x1280xf32, #tpu.memory_space<hbm>>
        tpu.enqueue_dma source(%dma_start3A_346 : memref<8x1280xf32, #tpu.memory_space<hbm>>) target(%dma_start3A_344 : memref<8x1280xf32, #tpu.memory_space<vmem>>) target_semaphore(%arg16 : memref<!tpu.dma_semaphore, #tpu.memory_space<semaphore_mem>>)
        %mul3A_347 = arith.constant 16 : i32
        %mul3A_348 = arith.muli %rem3A_329, %mul3A_347 : i32
        %add3A_349 = arith.constant 8 : i32
        %add3A_350 = arith.addi %mul3A_348, %add3A_349 : i32
        %dma_start3A_351 = arith.constant 0 : i32
        %dma_start3A_352 = tpu.memref_slice %arg10[%add3A_350, %dma_start3A_351] : memref<48x1280xf32, #tpu.memory_space<vmem>> -> memref<1x1280xf32, #tpu.memory_space<vmem>>
        %dma_start3A_353 = arith.constant 8 : i32
        %dma_start3A_354 = tpu.memref_slice %arg2[%dma_start3A_353, %multiple_of3A_332] : memref<11x3200000xf32, #tpu.memory_space<hbm>> -> memref<1x1280xf32, #tpu.memory_space<hbm>>
        %dma_start3A_355 = arith.constant 0 : i32
        %dma_start3A_356 = tpu.memref_slice %arg10[%add3A_350, %dma_start3A_355] : memref<48x1280xf32, #tpu.memory_space<vmem>> -> memref<1x1280xf32, #tpu.memory_space<vmem>>
        %dma_start3A_357 = arith.constant 8 : i32
        %dma_start3A_358 = tpu.memref_slice %arg2[%dma_start3A_357, %multiple_of3A_332] : memref<11x3200000xf32, #tpu.memory_space<hbm>> -> memref<1x1280xf32, #tpu.memory_space<hbm>>
        tpu.enqueue_dma source(%dma_start3A_358 : memref<1x1280xf32, #tpu.memory_space<hbm>>) target(%dma_start3A_356 : memref<1x1280xf32, #tpu.memory_space<vmem>>) target_semaphore(%arg16 : memref<!tpu.dma_semaphore, #tpu.memory_space<semaphore_mem>>)
        %mul3A_359 = arith.constant 16 : i32
        %mul3A_360 = arith.muli %rem3A_329, %mul3A_359 : i32
        %add3A_361 = arith.constant 9 : i32
        %add3A_362 = arith.addi %mul3A_360, %add3A_361 : i32
        %dma_start3A_363 = arith.constant 0 : i32
        %dma_start3A_364 = tpu.memref_slice %arg10[%add3A_362, %dma_start3A_363] : memref<48x1280xf32, #tpu.memory_space<vmem>> -> memref<1x1280xf32, #tpu.memory_space<vmem>>
        %dma_start3A_365 = arith.constant 9 : i32
        %dma_start3A_366 = tpu.memref_slice %arg2[%dma_start3A_365, %multiple_of3A_332] : memref<11x3200000xf32, #tpu.memory_space<hbm>> -> memref<1x1280xf32, #tpu.memory_space<hbm>>
        %dma_start3A_367 = arith.constant 0 : i32
        %dma_start3A_368 = tpu.memref_slice %arg10[%add3A_362, %dma_start3A_367] : memref<48x1280xf32, #tpu.memory_space<vmem>> -> memref<1x1280xf32, #tpu.memory_space<vmem>>
        %dma_start3A_369 = arith.constant 9 : i32
        %dma_start3A_370 = tpu.memref_slice %arg2[%dma_start3A_369, %multiple_of3A_332] : memref<11x3200000xf32, #tpu.memory_space<hbm>> -> memref<1x1280xf32, #tpu.memory_space<hbm>>
        tpu.enqueue_dma source(%dma_start3A_370 : memref<1x1280xf32, #tpu.memory_space<hbm>>) target(%dma_start3A_368 : memref<1x1280xf32, #tpu.memory_space<vmem>>) target_semaphore(%arg16 : memref<!tpu.dma_semaphore, #tpu.memory_space<semaphore_mem>>)
        %mul3A_371 = arith.constant 16 : i32
        %mul3A_372 = arith.muli %rem3A_329, %mul3A_371 : i32
        %add3A_373 = arith.constant 10 : i32
        %add3A_374 = arith.addi %mul3A_372, %add3A_373 : i32
        %dma_start3A_375 = arith.constant 0 : i32
        %dma_start3A_376 = tpu.memref_slice %arg10[%add3A_374, %dma_start3A_375] : memref<48x1280xf32, #tpu.memory_space<vmem>> -> memref<1x1280xf32, #tpu.memory_space<vmem>>
        %dma_start3A_377 = arith.constant 10 : i32
        %dma_start3A_378 = tpu.memref_slice %arg2[%dma_start3A_377, %multiple_of3A_332] : memref<11x3200000xf32, #tpu.memory_space<hbm>> -> memref<1x1280xf32, #tpu.memory_space<hbm>>
        %dma_start3A_379 = arith.constant 0 : i32
        %dma_start3A_380 = tpu.memref_slice %arg10[%add3A_374, %dma_start3A_379] : memref<48x1280xf32, #tpu.memory_space<vmem>> -> memref<1x1280xf32, #tpu.memory_space<vmem>>
        %dma_start3A_381 = arith.constant 10 : i32
        %dma_start3A_382 = tpu.memref_slice %arg2[%dma_start3A_381, %multiple_of3A_332] : memref<11x3200000xf32, #tpu.memory_space<hbm>> -> memref<1x1280xf32, #tpu.memory_space<hbm>>
        tpu.enqueue_dma source(%dma_start3A_382 : memref<1x1280xf32, #tpu.memory_space<hbm>>) target(%dma_start3A_380 : memref<1x1280xf32, #tpu.memory_space<vmem>>) target_semaphore(%arg16 : memref<!tpu.dma_semaphore, #tpu.memory_space<semaphore_mem>>)
        %dma_start3A_383 = tpu.memref_slice %arg11[%multiple_of3A_335] : memref<3840xi32, #tpu.memory_space<vmem>> -> memref<1280xi32, #tpu.memory_space<vmem>>
        %dma_start3A_384 = tpu.memref_slice %arg3[%multiple_of3A_332] : memref<3200000xi32, #tpu.memory_space<hbm>> -> memref<1280xi32, #tpu.memory_space<hbm>>
        %dma_start3A_385 = tpu.memref_slice %arg11[%multiple_of3A_335] : memref<3840xi32, #tpu.memory_space<vmem>> -> memref<1280xi32, #tpu.memory_space<vmem>>
        %dma_start3A_386 = tpu.memref_slice %arg3[%multiple_of3A_332] : memref<3200000xi32, #tpu.memory_space<hbm>> -> memref<1280xi32, #tpu.memory_space<hbm>>
        tpu.enqueue_dma source(%dma_start3A_386 : memref<1280xi32, #tpu.memory_space<hbm>>) target(%dma_start3A_385 : memref<1280xi32, #tpu.memory_space<vmem>>) target_semaphore(%arg17 : memref<!tpu.dma_semaphore, #tpu.memory_space<semaphore_mem>>)
        %dma_start3A_387 = tpu.memref_slice %arg12[%multiple_of3A_335] : memref<3840xf32, #tpu.memory_space<vmem>> -> memref<1280xf32, #tpu.memory_space<vmem>>
        %dma_start3A_388 = tpu.memref_slice %arg4[%multiple_of3A_332] : memref<3200000xf32, #tpu.memory_space<hbm>> -> memref<1280xf32, #tpu.memory_space<hbm>>
        %dma_start3A_389 = tpu.memref_slice %arg12[%multiple_of3A_335] : memref<3840xf32, #tpu.memory_space<vmem>> -> memref<1280xf32, #tpu.memory_space<vmem>>
        %dma_start3A_390 = tpu.memref_slice %arg4[%multiple_of3A_332] : memref<3200000xf32, #tpu.memory_space<hbm>> -> memref<1280xf32, #tpu.memory_space<hbm>>
        tpu.enqueue_dma source(%dma_start3A_390 : memref<1280xf32, #tpu.memory_space<hbm>>) target(%dma_start3A_389 : memref<1280xf32, #tpu.memory_space<vmem>>) target_semaphore(%arg18 : memref<!tpu.dma_semaphore, #tpu.memory_space<semaphore_mem>>)
      } else {
      }
      %mul3A_226 = arith.constant 1280 : i32
      %mul3A_227 = arith.muli %rem3A_150, %mul3A_226 : i32
      %broadcast_in_dim3A_228 = arith.constant 0 : i32
      %broadcast_in_dim3A_229 = vector.broadcast %broadcast_in_dim3A_228 : i32 to vector<16xi32>
      %mul3A_230 = arith.constant 16 : i32
      %mul3A_231 = arith.muli %rem3A_150, %mul3A_230 : i32
      %add3A_232 = arith.constant 0 : i32
      %add3A_233 = arith.addi %mul3A_231, %add3A_232 : i32
      %add3A_234 = vector.broadcast %add3A_233 : i32 to vector<16xi32>
      %add3A_235 = arith.addi %broadcast_in_dim3A_229, %add3A_234 : vector<16xi32>
      %broadcast_in_dim3A_236 = arith.constant 0 : i32
      %broadcast_in_dim3A_237 = vector.broadcast %broadcast_in_dim3A_236 : i32 to vector<16xi32>
      %mul3A_238 = arith.constant 16 : i32
      %mul3A_239 = arith.muli %rem3A_150, %mul3A_238 : i32
      %add3A_240 = arith.constant 1 : i32
      %add3A_241 = arith.addi %mul3A_239, %add3A_240 : i32
      %add3A_242 = vector.broadcast %add3A_241 : i32 to vector<16xi32>
      %add3A_243 = arith.addi %broadcast_in_dim3A_237, %add3A_242 : vector<16xi32>
      %broadcast_in_dim3A_244 = arith.constant 0 : i32
      %broadcast_in_dim3A_245 = vector.broadcast %broadcast_in_dim3A_244 : i32 to vector<16xi32>
      %mul3A_246 = arith.constant 16 : i32
      %mul3A_247 = arith.muli %rem3A_150, %mul3A_246 : i32
      %add3A_248 = arith.constant 2 : i32
      %add3A_249 = arith.addi %mul3A_247, %add3A_248 : i32
      %add3A_250 = vector.broadcast %add3A_249 : i32 to vector<16xi32>
      %add3A_251 = arith.addi %broadcast_in_dim3A_245, %add3A_250 : vector<16xi32>
      %broadcast_in_dim3A_252 = arith.constant 0 : i32
      %broadcast_in_dim3A_253 = vector.broadcast %broadcast_in_dim3A_252 : i32 to vector<16xi32>
      %mul3A_254 = arith.constant 16 : i32
      %mul3A_255 = arith.muli %rem3A_150, %mul3A_254 : i32
      %add3A_256 = arith.constant 3 : i32
      %add3A_257 = arith.addi %mul3A_255, %add3A_256 : i32
      %add3A_258 = vector.broadcast %add3A_257 : i32 to vector<16xi32>
      %add3A_259 = arith.addi %broadcast_in_dim3A_253, %add3A_258 : vector<16xi32>
      %broadcast_in_dim3A_260 = arith.constant 0 : i32
      %broadcast_in_dim3A_261 = vector.broadcast %broadcast_in_dim3A_260 : i32 to vector<16xi32>
      %mul3A_262 = arith.constant 16 : i32
      %mul3A_263 = arith.muli %rem3A_150, %mul3A_262 : i32
      %add3A_264 = arith.constant 4 : i32
      %add3A_265 = arith.addi %mul3A_263, %add3A_264 : i32
      %add3A_266 = vector.broadcast %add3A_265 : i32 to vector<16xi32>
      %add3A_267 = arith.addi %broadcast_in_dim3A_261, %add3A_266 : vector<16xi32>
      %broadcast_in_dim3A_268 = arith.constant 0 : i32
      %broadcast_in_dim3A_269 = vector.broadcast %broadcast_in_dim3A_268 : i32 to vector<16xi32>
      %mul3A_270 = arith.constant 16 : i32
      %mul3A_271 = arith.muli %rem3A_150, %mul3A_270 : i32
      %add3A_272 = arith.constant 5 : i32
      %add3A_273 = arith.addi %mul3A_271, %add3A_272 : i32
      %add3A_274 = vector.broadcast %add3A_273 : i32 to vector<16xi32>
      %add3A_275 = arith.addi %broadcast_in_dim3A_269, %add3A_274 : vector<16xi32>
      %broadcast_in_dim3A_276 = arith.constant 0 : i32
      %broadcast_in_dim3A_277 = vector.broadcast %broadcast_in_dim3A_276 : i32 to vector<16xi32>
      %mul3A_278 = arith.constant 16 : i32
      %mul3A_279 = arith.muli %rem3A_150, %mul3A_278 : i32
      %add3A_280 = arith.constant 6 : i32
      %add3A_281 = arith.addi %mul3A_279, %add3A_280 : i32
      %add3A_282 = vector.broadcast %add3A_281 : i32 to vector<16xi32>
      %add3A_283 = arith.addi %broadcast_in_dim3A_277, %add3A_282 : vector<16xi32>
      %broadcast_in_dim3A_284 = arith.constant 0 : i32
      %broadcast_in_dim3A_285 = vector.broadcast %broadcast_in_dim3A_284 : i32 to vector<16xi32>
      %mul3A_286 = arith.constant 16 : i32
      %mul3A_287 = arith.muli %rem3A_150, %mul3A_286 : i32
      %add3A_288 = arith.constant 7 : i32
      %add3A_289 = arith.addi %mul3A_287, %add3A_288 : i32
      %add3A_290 = vector.broadcast %add3A_289 : i32 to vector<16xi32>
      %add3A_291 = arith.addi %broadcast_in_dim3A_285, %add3A_290 : vector<16xi32>
      %broadcast_in_dim3A_292 = arith.constant 0 : i32
      %broadcast_in_dim3A_293 = vector.broadcast %broadcast_in_dim3A_292 : i32 to vector<16xi32>
      %mul3A_294 = arith.constant 16 : i32
      %mul3A_295 = arith.muli %rem3A_150, %mul3A_294 : i32
      %add3A_296 = arith.constant 8 : i32
      %add3A_297 = arith.addi %mul3A_295, %add3A_296 : i32
      %add3A_298 = vector.broadcast %add3A_297 : i32 to vector<16xi32>
      %add3A_299 = arith.addi %broadcast_in_dim3A_293, %add3A_298 : vector<16xi32>
      %broadcast_in_dim3A_300 = arith.constant 0 : i32
      %broadcast_in_dim3A_301 = vector.broadcast %broadcast_in_dim3A_300 : i32 to vector<16xi32>
      %mul3A_302 = arith.constant 16 : i32
      %mul3A_303 = arith.muli %rem3A_150, %mul3A_302 : i32
      %add3A_304 = arith.constant 9 : i32
      %add3A_305 = arith.addi %mul3A_303, %add3A_304 : i32
      %add3A_306 = vector.broadcast %add3A_305 : i32 to vector<16xi32>
      %add3A_307 = arith.addi %broadcast_in_dim3A_301, %add3A_306 : vector<16xi32>
      %broadcast_in_dim3A_308 = arith.constant 0 : i32
      %broadcast_in_dim3A_309 = vector.broadcast %broadcast_in_dim3A_308 : i32 to vector<16xi32>
      %mul3A_310 = arith.constant 16 : i32
      %mul3A_311 = arith.muli %rem3A_150, %mul3A_310 : i32
      %add3A_312 = arith.constant 10 : i32
      %add3A_313 = arith.addi %mul3A_311, %add3A_312 : i32
      %add3A_314 = vector.broadcast %add3A_313 : i32 to vector<16xi32>
      %add3A_315 = arith.addi %broadcast_in_dim3A_309, %add3A_314 : vector<16xi32>
      %scan3A_316 = arith.constant 0 : i32
      %scan3A_317 = arith.constant 0 : i32
      %scan3A_318 = arith.constant 16 : i32
      %scan3A_319 = arith.addi %scan3A_317, %scan3A_318 : i32
      %scan3A_320 = arith.constant 1 : i32
      %scan3A_321 = scf.for %scan3A_324 = %scan3A_317 to %scan3A_319 step %scan3A_320 iter_args(%scan3A_325 = %scan3A_316) -> (i32)  : i32 {
        %mul3A_326 = arith.constant 5 : i32
        %mul3A_327 = arith.muli %scan3A_324, %mul3A_326 : i32
        %add3A_328 = arith.constant 0 : i32
        %add3A_329 = arith.addi %mul3A_327, %add3A_328 : i32
        %add3A_330 = arith.addi %add3A_329, %mul3A_227 : i32
        %add3A_331 = vector.broadcast %add3A_330 : i32 to vector<16xi32>
        %add3A_332 = arith.addi %mul3A_128, %add3A_331 : vector<16xi32>
        %gather3A = tpu.vector_load_idx %arg11[%add3A_332] : memref<3840xi32, #tpu.memory_space<vmem>>[vector<16xi32>], vector<16xi32>,
        %gather3A_333 = tpu.vector_load_idx %arg12[%add3A_332] : memref<3840xf32, #tpu.memory_space<vmem>>[vector<16xi32>], vector<16xf32>,
        %sub3A_334 = vector.broadcast %mul3A_2 : i32 to vector<16xi32>
        %sub3A_335 = arith.subi %gather3A, %sub3A_334 : vector<16xi32>
        %ge3A = arith.constant 0 : i32
        %ge3A_336 = vector.broadcast %ge3A : i32 to vector<16xi32>
        %ge3A_337 = arith.cmpi sge, %sub3A_335, %ge3A_336 : vector<16xi32>
        %lt3A_338 = arith.constant 3125 : i32
        %lt3A_339 = vector.broadcast %lt3A_338 : i32 to vector<16xi32>
        %lt3A_340 = arith.cmpi slt, %sub3A_335, %lt3A_339 : vector<16xi32>
        %and3A = arith.andi %ge3A_337, %lt3A_340 : vector<16xi1>
        %jit3A = arith.constant 0 : i32
        %broadcast_in_dim3A_341 = vector.broadcast %jit3A : i32 to vector<16xi32>
        %select_n3A = arith.select %and3A, %sub3A_335, %broadcast_in_dim3A_341 : vector<16xi1>, vector<16xi32>
        %add3A_342 = vector.broadcast %sub3A_7 : i32 to vector<16xi32>
        %add3A_343 = arith.addi %select_n3A, %add3A_342 : vector<16xi32>
        %gather3A_344 = tpu.vector_load_idx %arg13[%add3A_343] : memref<3136xf32, #tpu.memory_space<vmem>>[vector<16xi32>], vector<16xf32>,
        %jit3A_345 = arith.constant 0.000000e+00 : f32
        %broadcast_in_dim3A_346 = vector.broadcast %jit3A_345 : f32 to vector<16xf32>
        %select_n3A_347 = arith.select %and3A, %gather3A_333, %broadcast_in_dim3A_346 : vector<16xi1>, vector<16xf32>
        %mul3A_348 = arith.mulf %select_n3A_347, %gather3A_344 : vector<16xf32>
        %mul3A_349 = arith.constant 11 : i32
        %mul3A_350 = vector.broadcast %mul3A_349 : i32 to vector<16xi32>
        %mul3A_351 = arith.muli %select_n3A, %mul3A_350 : vector<16xi32>
        %add3A_352 = vector.broadcast %add3A_329 : i32 to vector<16xi32>
        %add3A_353 = arith.addi %mul3A_128, %add3A_352 : vector<16xi32>
        %gather3A_354 = tpu.vector_load_idx %arg10[%add3A_235, %add3A_353] : memref<48x1280xf32, #tpu.memory_space<vmem>>[vector<16xi32>, vector<16xi32>], vector<16xf32>,
        %gather3A_355 = tpu.vector_load_idx %arg10[%add3A_243, %add3A_353] : memref<48x1280xf32, #tpu.memory_space<vmem>>[vector<16xi32>, vector<16xi32>], vector<16xf32>,
        %gather3A_356 = tpu.vector_load_idx %arg10[%add3A_251, %add3A_353] : memref<48x1280xf32, #tpu.memory_space<vmem>>[vector<16xi32>, vector<16xi32>], vector<16xf32>,
        %gather3A_357 = tpu.vector_load_idx %arg10[%add3A_259, %add3A_353] : memref<48x1280xf32, #tpu.memory_space<vmem>>[vector<16xi32>, vector<16xi32>], vector<16xf32>,
        %gather3A_358 = tpu.vector_load_idx %arg10[%add3A_267, %add3A_353] : memref<48x1280xf32, #tpu.memory_space<vmem>>[vector<16xi32>, vector<16xi32>], vector<16xf32>,
        %gather3A_359 = tpu.vector_load_idx %arg10[%add3A_275, %add3A_353] : memref<48x1280xf32, #tpu.memory_space<vmem>>[vector<16xi32>, vector<16xi32>], vector<16xf32>,
        %gather3A_360 = tpu.vector_load_idx %arg10[%add3A_283, %add3A_353] : memref<48x1280xf32, #tpu.memory_space<vmem>>[vector<16xi32>, vector<16xi32>], vector<16xf32>,
        %gather3A_361 = tpu.vector_load_idx %arg10[%add3A_291, %add3A_353] : memref<48x1280xf32, #tpu.memory_space<vmem>>[vector<16xi32>, vector<16xi32>], vector<16xf32>,
        %gather3A_362 = tpu.vector_load_idx %arg10[%add3A_299, %add3A_353] : memref<48x1280xf32, #tpu.memory_space<vmem>>[vector<16xi32>, vector<16xi32>], vector<16xf32>,
        %gather3A_363 = tpu.vector_load_idx %arg10[%add3A_307, %add3A_353] : memref<48x1280xf32, #tpu.memory_space<vmem>>[vector<16xi32>, vector<16xi32>], vector<16xf32>,
        %gather3A_364 = tpu.vector_load_idx %arg10[%add3A_315, %add3A_353] : memref<48x1280xf32, #tpu.memory_space<vmem>>[vector<16xi32>, vector<16xi32>], vector<16xf32>,
        %mul3A_365 = arith.mulf %gather3A_354, %mul3A_348 : vector<16xf32>
        %mul3A_366 = arith.mulf %gather3A_355, %mul3A_348 : vector<16xf32>
        %mul3A_367 = arith.mulf %gather3A_356, %mul3A_348 : vector<16xf32>
        %mul3A_368 = arith.mulf %gather3A_357, %mul3A_348 : vector<16xf32>
        %mul3A_369 = arith.mulf %gather3A_358, %mul3A_348 : vector<16xf32>
        %mul3A_370 = arith.mulf %gather3A_359, %mul3A_348 : vector<16xf32>
        %mul3A_371 = arith.mulf %gather3A_360, %mul3A_348 : vector<16xf32>
        %mul3A_372 = arith.mulf %gather3A_361, %mul3A_348 : vector<16xf32>
        %mul3A_373 = arith.mulf %gather3A_362, %mul3A_348 : vector<16xf32>
        %mul3A_374 = arith.mulf %gather3A_363, %mul3A_348 : vector<16xf32>
        %mul3A_375 = arith.mulf %gather3A_364, %mul3A_348 : vector<16xf32>
        %add3A_376 = arith.constant 0 : i32
        %add3A_377 = vector.broadcast %add3A_376 : i32 to vector<16xi32>
        %add3A_378 = arith.addi %mul3A_351, %add3A_377 : vector<16xi32>
        tpu.vector_store_idx %arg9[%add3A_378], %mul3A_365 {add = true} : memref<34384xf32, #tpu.memory_space<vmem>>[vector<16xi32>], vector<16xf32>,
        %add3A_379 = arith.constant 1 : i32
        %add3A_380 = vector.broadcast %add3A_379 : i32 to vector<16xi32>
        %add3A_381 = arith.addi %mul3A_351, %add3A_380 : vector<16xi32>
        tpu.vector_store_idx %arg9[%add3A_381], %mul3A_366 {add = true} : memref<34384xf32, #tpu.memory_space<vmem>>[vector<16xi32>], vector<16xf32>,
        %add3A_382 = arith.constant 2 : i32
        %add3A_383 = vector.broadcast %add3A_382 : i32 to vector<16xi32>
        %add3A_384 = arith.addi %mul3A_351, %add3A_383 : vector<16xi32>
        tpu.vector_store_idx %arg9[%add3A_384], %mul3A_367 {add = true} : memref<34384xf32, #tpu.memory_space<vmem>>[vector<16xi32>], vector<16xf32>,
        %add3A_385 = arith.constant 3 : i32
        %add3A_386 = vector.broadcast %add3A_385 : i32 to vector<16xi32>
        %add3A_387 = arith.addi %mul3A_351, %add3A_386 : vector<16xi32>
        tpu.vector_store_idx %arg9[%add3A_387], %mul3A_368 {add = true} : memref<34384xf32, #tpu.memory_space<vmem>>[vector<16xi32>], vector<16xf32>,
        %add3A_388 = arith.constant 4 : i32
        %add3A_389 = vector.broadcast %add3A_388 : i32 to vector<16xi32>
        %add3A_390 = arith.addi %mul3A_351, %add3A_389 : vector<16xi32>
        tpu.vector_store_idx %arg9[%add3A_390], %mul3A_369 {add = true} : memref<34384xf32, #tpu.memory_space<vmem>>[vector<16xi32>], vector<16xf32>,
        %add3A_391 = arith.constant 5 : i32
        %add3A_392 = vector.broadcast %add3A_391 : i32 to vector<16xi32>
        %add3A_393 = arith.addi %mul3A_351, %add3A_392 : vector<16xi32>
        tpu.vector_store_idx %arg9[%add3A_393], %mul3A_370 {add = true} : memref<34384xf32, #tpu.memory_space<vmem>>[vector<16xi32>], vector<16xf32>,
        %add3A_394 = arith.constant 6 : i32
        %add3A_395 = vector.broadcast %add3A_394 : i32 to vector<16xi32>
        %add3A_396 = arith.addi %mul3A_351, %add3A_395 : vector<16xi32>
        tpu.vector_store_idx %arg9[%add3A_396], %mul3A_371 {add = true} : memref<34384xf32, #tpu.memory_space<vmem>>[vector<16xi32>], vector<16xf32>,
        %add3A_397 = arith.constant 7 : i32
        %add3A_398 = vector.broadcast %add3A_397 : i32 to vector<16xi32>
        %add3A_399 = arith.addi %mul3A_351, %add3A_398 : vector<16xi32>
        tpu.vector_store_idx %arg9[%add3A_399], %mul3A_372 {add = true} : memref<34384xf32, #tpu.memory_space<vmem>>[vector<16xi32>], vector<16xf32>,
        %add3A_400 = arith.constant 8 : i32
        %add3A_401 = vector.broadcast %add3A_400 : i32 to vector<16xi32>
        %add3A_402 = arith.addi %mul3A_351, %add3A_401 : vector<16xi32>
        tpu.vector_store_idx %arg9[%add3A_402], %mul3A_373 {add = true} : memref<34384xf32, #tpu.memory_space<vmem>>[vector<16xi32>], vector<16xf32>,
        %add3A_403 = arith.constant 9 : i32
        %add3A_404 = vector.broadcast %add3A_403 : i32 to vector<16xi32>
        %add3A_405 = arith.addi %mul3A_351, %add3A_404 : vector<16xi32>
        tpu.vector_store_idx %arg9[%add3A_405], %mul3A_374 {add = true} : memref<34384xf32, #tpu.memory_space<vmem>>[vector<16xi32>], vector<16xf32>,
        %add3A_406 = arith.constant 10 : i32
        %add3A_407 = vector.broadcast %add3A_406 : i32 to vector<16xi32>
        %add3A_408 = arith.addi %mul3A_351, %add3A_407 : vector<16xi32>
        tpu.vector_store_idx %arg9[%add3A_408], %mul3A_375 {add = true} : memref<34384xf32, #tpu.memory_space<vmem>>[vector<16xi32>], vector<16xf32>,
        %mul3A_409 = arith.constant 5 : i32
        %mul3A_410 = arith.muli %scan3A_324, %mul3A_409 : i32
        %add3A_411 = arith.constant 1 : i32
        %add3A_412 = arith.addi %mul3A_410, %add3A_411 : i32
        %add3A_413 = arith.addi %add3A_412, %mul3A_227 : i32
        %add3A_414 = vector.broadcast %add3A_413 : i32 to vector<16xi32>
        %add3A_415 = arith.addi %mul3A_128, %add3A_414 : vector<16xi32>
        %gather3A_416 = tpu.vector_load_idx %arg11[%add3A_415] : memref<3840xi32, #tpu.memory_space<vmem>>[vector<16xi32>], vector<16xi32>,
        %gather3A_417 = tpu.vector_load_idx %arg12[%add3A_415] : memref<3840xf32, #tpu.memory_space<vmem>>[vector<16xi32>], vector<16xf32>,
        %sub3A_418 = vector.broadcast %mul3A_2 : i32 to vector<16xi32>
        %sub3A_419 = arith.subi %gather3A_416, %sub3A_418 : vector<16xi32>
        %ge3A_420 = arith.constant 0 : i32
        %ge3A_421 = vector.broadcast %ge3A_420 : i32 to vector<16xi32>
        %ge3A_422 = arith.cmpi sge, %sub3A_419, %ge3A_421 : vector<16xi32>
        %lt3A_423 = arith.constant 3125 : i32
        %lt3A_424 = vector.broadcast %lt3A_423 : i32 to vector<16xi32>
        %lt3A_425 = arith.cmpi slt, %sub3A_419, %lt3A_424 : vector<16xi32>
        %and3A_426 = arith.andi %ge3A_422, %lt3A_425 : vector<16xi1>
        %jit3A_427 = arith.constant 0 : i32
        %broadcast_in_dim3A_428 = vector.broadcast %jit3A_427 : i32 to vector<16xi32>
        %select_n3A_429 = arith.select %and3A_426, %sub3A_419, %broadcast_in_dim3A_428 : vector<16xi1>, vector<16xi32>
        %add3A_430 = vector.broadcast %sub3A_7 : i32 to vector<16xi32>
        %add3A_431 = arith.addi %select_n3A_429, %add3A_430 : vector<16xi32>
        %gather3A_432 = tpu.vector_load_idx %arg13[%add3A_431] : memref<3136xf32, #tpu.memory_space<vmem>>[vector<16xi32>], vector<16xf32>,
        %jit3A_433 = arith.constant 0.000000e+00 : f32
        %broadcast_in_dim3A_434 = vector.broadcast %jit3A_433 : f32 to vector<16xf32>
        %select_n3A_435 = arith.select %and3A_426, %gather3A_417, %broadcast_in_dim3A_434 : vector<16xi1>, vector<16xf32>
        %mul3A_436 = arith.mulf %select_n3A_435, %gather3A_432 : vector<16xf32>
        %mul3A_437 = arith.constant 11 : i32
        %mul3A_438 = vector.broadcast %mul3A_437 : i32 to vector<16xi32>
        %mul3A_439 = arith.muli %select_n3A_429, %mul3A_438 : vector<16xi32>
        %add3A_440 = vector.broadcast %add3A_412 : i32 to vector<16xi32>
        %add3A_441 = arith.addi %mul3A_128, %add3A_440 : vector<16xi32>
        %gather3A_442 = tpu.vector_load_idx %arg10[%add3A_235, %add3A_441] : memref<48x1280xf32, #tpu.memory_space<vmem>>[vector<16xi32>, vector<16xi32>], vector<16xf32>,
        %gather3A_443 = tpu.vector_load_idx %arg10[%add3A_243, %add3A_441] : memref<48x1280xf32, #tpu.memory_space<vmem>>[vector<16xi32>, vector<16xi32>], vector<16xf32>,
        %gather3A_444 = tpu.vector_load_idx %arg10[%add3A_251, %add3A_441] : memref<48x1280xf32, #tpu.memory_space<vmem>>[vector<16xi32>, vector<16xi32>], vector<16xf32>,
        %gather3A_445 = tpu.vector_load_idx %arg10[%add3A_259, %add3A_441] : memref<48x1280xf32, #tpu.memory_space<vmem>>[vector<16xi32>, vector<16xi32>], vector<16xf32>,
        %gather3A_446 = tpu.vector_load_idx %arg10[%add3A_267, %add3A_441] : memref<48x1280xf32, #tpu.memory_space<vmem>>[vector<16xi32>, vector<16xi32>], vector<16xf32>,
        %gather3A_447 = tpu.vector_load_idx %arg10[%add3A_275, %add3A_441] : memref<48x1280xf32, #tpu.memory_space<vmem>>[vector<16xi32>, vector<16xi32>], vector<16xf32>,
        %gather3A_448 = tpu.vector_load_idx %arg10[%add3A_283, %add3A_441] : memref<48x1280xf32, #tpu.memory_space<vmem>>[vector<16xi32>, vector<16xi32>], vector<16xf32>,
        %gather3A_449 = tpu.vector_load_idx %arg10[%add3A_291, %add3A_441] : memref<48x1280xf32, #tpu.memory_space<vmem>>[vector<16xi32>, vector<16xi32>], vector<16xf32>,
        %gather3A_450 = tpu.vector_load_idx %arg10[%add3A_299, %add3A_441] : memref<48x1280xf32, #tpu.memory_space<vmem>>[vector<16xi32>, vector<16xi32>], vector<16xf32>,
        %gather3A_451 = tpu.vector_load_idx %arg10[%add3A_307, %add3A_441] : memref<48x1280xf32, #tpu.memory_space<vmem>>[vector<16xi32>, vector<16xi32>], vector<16xf32>,
        %gather3A_452 = tpu.vector_load_idx %arg10[%add3A_315, %add3A_441] : memref<48x1280xf32, #tpu.memory_space<vmem>>[vector<16xi32>, vector<16xi32>], vector<16xf32>,
        %mul3A_453 = arith.mulf %gather3A_442, %mul3A_436 : vector<16xf32>
        %mul3A_454 = arith.mulf %gather3A_443, %mul3A_436 : vector<16xf32>
        %mul3A_455 = arith.mulf %gather3A_444, %mul3A_436 : vector<16xf32>
        %mul3A_456 = arith.mulf %gather3A_445, %mul3A_436 : vector<16xf32>
        %mul3A_457 = arith.mulf %gather3A_446, %mul3A_436 : vector<16xf32>
        %mul3A_458 = arith.mulf %gather3A_447, %mul3A_436 : vector<16xf32>
        %mul3A_459 = arith.mulf %gather3A_448, %mul3A_436 : vector<16xf32>
        %mul3A_460 = arith.mulf %gather3A_449, %mul3A_436 : vector<16xf32>
        %mul3A_461 = arith.mulf %gather3A_450, %mul3A_436 : vector<16xf32>
        %mul3A_462 = arith.mulf %gather3A_451, %mul3A_436 : vector<16xf32>
        %mul3A_463 = arith.mulf %gather3A_452, %mul3A_436 : vector<16xf32>
        %add3A_464 = arith.constant 0 : i32
        %add3A_465 = vector.broadcast %add3A_464 : i32 to vector<16xi32>
        %add3A_466 = arith.addi %mul3A_439, %add3A_465 : vector<16xi32>
        tpu.vector_store_idx %arg9[%add3A_466], %mul3A_453 {add = true} : memref<34384xf32, #tpu.memory_space<vmem>>[vector<16xi32>], vector<16xf32>,
        %add3A_467 = arith.constant 1 : i32
        %add3A_468 = vector.broadcast %add3A_467 : i32 to vector<16xi32>
        %add3A_469 = arith.addi %mul3A_439, %add3A_468 : vector<16xi32>
        tpu.vector_store_idx %arg9[%add3A_469], %mul3A_454 {add = true} : memref<34384xf32, #tpu.memory_space<vmem>>[vector<16xi32>], vector<16xf32>,
        %add3A_470 = arith.constant 2 : i32
        %add3A_471 = vector.broadcast %add3A_470 : i32 to vector<16xi32>
        %add3A_472 = arith.addi %mul3A_439, %add3A_471 : vector<16xi32>
        tpu.vector_store_idx %arg9[%add3A_472], %mul3A_455 {add = true} : memref<34384xf32, #tpu.memory_space<vmem>>[vector<16xi32>], vector<16xf32>,
        %add3A_473 = arith.constant 3 : i32
        %add3A_474 = vector.broadcast %add3A_473 : i32 to vector<16xi32>
        %add3A_475 = arith.addi %mul3A_439, %add3A_474 : vector<16xi32>
        tpu.vector_store_idx %arg9[%add3A_475], %mul3A_456 {add = true} : memref<34384xf32, #tpu.memory_space<vmem>>[vector<16xi32>], vector<16xf32>,
        %add3A_476 = arith.constant 4 : i32
        %add3A_477 = vector.broadcast %add3A_476 : i32 to vector<16xi32>
        %add3A_478 = arith.addi %mul3A_439, %add3A_477 : vector<16xi32>
        tpu.vector_store_idx %arg9[%add3A_478], %mul3A_457 {add = true} : memref<34384xf32, #tpu.memory_space<vmem>>[vector<16xi32>], vector<16xf32>,
        %add3A_479 = arith.constant 5 : i32
        %add3A_480 = vector.broadcast %add3A_479 : i32 to vector<16xi32>
        %add3A_481 = arith.addi %mul3A_439, %add3A_480 : vector<16xi32>
        tpu.vector_store_idx %arg9[%add3A_481], %mul3A_458 {add = true} : memref<34384xf32, #tpu.memory_space<vmem>>[vector<16xi32>], vector<16xf32>,
        %add3A_482 = arith.constant 6 : i32
        %add3A_483 = vector.broadcast %add3A_482 : i32 to vector<16xi32>
        %add3A_484 = arith.addi %mul3A_439, %add3A_483 : vector<16xi32>
        tpu.vector_store_idx %arg9[%add3A_484], %mul3A_459 {add = true} : memref<34384xf32, #tpu.memory_space<vmem>>[vector<16xi32>], vector<16xf32>,
        %add3A_485 = arith.constant 7 : i32
        %add3A_486 = vector.broadcast %add3A_485 : i32 to vector<16xi32>
        %add3A_487 = arith.addi %mul3A_439, %add3A_486 : vector<16xi32>
        tpu.vector_store_idx %arg9[%add3A_487], %mul3A_460 {add = true} : memref<34384xf32, #tpu.memory_space<vmem>>[vector<16xi32>], vector<16xf32>,
        %add3A_488 = arith.constant 8 : i32
        %add3A_489 = vector.broadcast %add3A_488 : i32 to vector<16xi32>
        %add3A_490 = arith.addi %mul3A_439, %add3A_489 : vector<16xi32>
        tpu.vector_store_idx %arg9[%add3A_490], %mul3A_461 {add = true} : memref<34384xf32, #tpu.memory_space<vmem>>[vector<16xi32>], vector<16xf32>,
        %add3A_491 = arith.constant 9 : i32
        %add3A_492 = vector.broadcast %add3A_491 : i32 to vector<16xi32>
        %add3A_493 = arith.addi %mul3A_439, %add3A_492 : vector<16xi32>
        tpu.vector_store_idx %arg9[%add3A_493], %mul3A_462 {add = true} : memref<34384xf32, #tpu.memory_space<vmem>>[vector<16xi32>], vector<16xf32>,
        %add3A_494 = arith.constant 10 : i32
        %add3A_495 = vector.broadcast %add3A_494 : i32 to vector<16xi32>
        %add3A_496 = arith.addi %mul3A_439, %add3A_495 : vector<16xi32>
        tpu.vector_store_idx %arg9[%add3A_496], %mul3A_463 {add = true} : memref<34384xf32, #tpu.memory_space<vmem>>[vector<16xi32>], vector<16xf32>,
        %mul3A_497 = arith.constant 5 : i32
        %mul3A_498 = arith.muli %scan3A_324, %mul3A_497 : i32
        %add3A_499 = arith.constant 2 : i32
        %add3A_500 = arith.addi %mul3A_498, %add3A_499 : i32
        %add3A_501 = arith.addi %add3A_500, %mul3A_227 : i32
        %add3A_502 = vector.broadcast %add3A_501 : i32 to vector<16xi32>
        %add3A_503 = arith.addi %mul3A_128, %add3A_502 : vector<16xi32>
        %gather3A_504 = tpu.vector_load_idx %arg11[%add3A_503] : memref<3840xi32, #tpu.memory_space<vmem>>[vector<16xi32>], vector<16xi32>,
        %gather3A_505 = tpu.vector_load_idx %arg12[%add3A_503] : memref<3840xf32, #tpu.memory_space<vmem>>[vector<16xi32>], vector<16xf32>,
        %sub3A_506 = vector.broadcast %mul3A_2 : i32 to vector<16xi32>
        %sub3A_507 = arith.subi %gather3A_504, %sub3A_506 : vector<16xi32>
        %ge3A_508 = arith.constant 0 : i32
        %ge3A_509 = vector.broadcast %ge3A_508 : i32 to vector<16xi32>
        %ge3A_510 = arith.cmpi sge, %sub3A_507, %ge3A_509 : vector<16xi32>
        %lt3A_511 = arith.constant 3125 : i32
        %lt3A_512 = vector.broadcast %lt3A_511 : i32 to vector<16xi32>
        %lt3A_513 = arith.cmpi slt, %sub3A_507, %lt3A_512 : vector<16xi32>
        %and3A_514 = arith.andi %ge3A_510, %lt3A_513 : vector<16xi1>
        %jit3A_515 = arith.constant 0 : i32
        %broadcast_in_dim3A_516 = vector.broadcast %jit3A_515 : i32 to vector<16xi32>
        %select_n3A_517 = arith.select %and3A_514, %sub3A_507, %broadcast_in_dim3A_516 : vector<16xi1>, vector<16xi32>
        %add3A_518 = vector.broadcast %sub3A_7 : i32 to vector<16xi32>
        %add3A_519 = arith.addi %select_n3A_517, %add3A_518 : vector<16xi32>
        %gather3A_520 = tpu.vector_load_idx %arg13[%add3A_519] : memref<3136xf32, #tpu.memory_space<vmem>>[vector<16xi32>], vector<16xf32>,
        %jit3A_521 = arith.constant 0.000000e+00 : f32
        %broadcast_in_dim3A_522 = vector.broadcast %jit3A_521 : f32 to vector<16xf32>
        %select_n3A_523 = arith.select %and3A_514, %gather3A_505, %broadcast_in_dim3A_522 : vector<16xi1>, vector<16xf32>
        %mul3A_524 = arith.mulf %select_n3A_523, %gather3A_520 : vector<16xf32>
        %mul3A_525 = arith.constant 11 : i32
        %mul3A_526 = vector.broadcast %mul3A_525 : i32 to vector<16xi32>
        %mul3A_527 = arith.muli %select_n3A_517, %mul3A_526 : vector<16xi32>
        %add3A_528 = vector.broadcast %add3A_500 : i32 to vector<16xi32>
        %add3A_529 = arith.addi %mul3A_128, %add3A_528 : vector<16xi32>
        %gather3A_530 = tpu.vector_load_idx %arg10[%add3A_235, %add3A_529] : memref<48x1280xf32, #tpu.memory_space<vmem>>[vector<16xi32>, vector<16xi32>], vector<16xf32>,
        %gather3A_531 = tpu.vector_load_idx %arg10[%add3A_243, %add3A_529] : memref<48x1280xf32, #tpu.memory_space<vmem>>[vector<16xi32>, vector<16xi32>], vector<16xf32>,
        %gather3A_532 = tpu.vector_load_idx %arg10[%add3A_251, %add3A_529] : memref<48x1280xf32, #tpu.memory_space<vmem>>[vector<16xi32>, vector<16xi32>], vector<16xf32>,
        %gather3A_533 = tpu.vector_load_idx %arg10[%add3A_259, %add3A_529] : memref<48x1280xf32, #tpu.memory_space<vmem>>[vector<16xi32>, vector<16xi32>], vector<16xf32>,
        %gather3A_534 = tpu.vector_load_idx %arg10[%add3A_267, %add3A_529] : memref<48x1280xf32, #tpu.memory_space<vmem>>[vector<16xi32>, vector<16xi32>], vector<16xf32>,
        %gather3A_535 = tpu.vector_load_idx %arg10[%add3A_275, %add3A_529] : memref<48x1280xf32, #tpu.memory_space<vmem>>[vector<16xi32>, vector<16xi32>], vector<16xf32>,
        %gather3A_536 = tpu.vector_load_idx %arg10[%add3A_283, %add3A_529] : memref<48x1280xf32, #tpu.memory_space<vmem>>[vector<16xi32>, vector<16xi32>], vector<16xf32>,
        %gather3A_537 = tpu.vector_load_idx %arg10[%add3A_291, %add3A_529] : memref<48x1280xf32, #tpu.memory_space<vmem>>[vector<16xi32>, vector<16xi32>], vector<16xf32>,
        %gather3A_538 = tpu.vector_load_idx %arg10[%add3A_299, %add3A_529] : memref<48x1280xf32, #tpu.memory_space<vmem>>[vector<16xi32>, vector<16xi32>], vector<16xf32>,
        %gather3A_539 = tpu.vector_load_idx %arg10[%add3A_307, %add3A_529] : memref<48x1280xf32, #tpu.memory_space<vmem>>[vector<16xi32>, vector<16xi32>], vector<16xf32>,
        %gather3A_540 = tpu.vector_load_idx %arg10[%add3A_315, %add3A_529] : memref<48x1280xf32, #tpu.memory_space<vmem>>[vector<16xi32>, vector<16xi32>], vector<16xf32>,
        %mul3A_541 = arith.mulf %gather3A_530, %mul3A_524 : vector<16xf32>
        %mul3A_542 = arith.mulf %gather3A_531, %mul3A_524 : vector<16xf32>
        %mul3A_543 = arith.mulf %gather3A_532, %mul3A_524 : vector<16xf32>
        %mul3A_544 = arith.mulf %gather3A_533, %mul3A_524 : vector<16xf32>
        %mul3A_545 = arith.mulf %gather3A_534, %mul3A_524 : vector<16xf32>
        %mul3A_546 = arith.mulf %gather3A_535, %mul3A_524 : vector<16xf32>
        %mul3A_547 = arith.mulf %gather3A_536, %mul3A_524 : vector<16xf32>
        %mul3A_548 = arith.mulf %gather3A_537, %mul3A_524 : vector<16xf32>
        %mul3A_549 = arith.mulf %gather3A_538, %mul3A_524 : vector<16xf32>
        %mul3A_550 = arith.mulf %gather3A_539, %mul3A_524 : vector<16xf32>
        %mul3A_551 = arith.mulf %gather3A_540, %mul3A_524 : vector<16xf32>
        %add3A_552 = arith.constant 0 : i32
        %add3A_553 = vector.broadcast %add3A_552 : i32 to vector<16xi32>
        %add3A_554 = arith.addi %mul3A_527, %add3A_553 : vector<16xi32>
        tpu.vector_store_idx %arg9[%add3A_554], %mul3A_541 {add = true} : memref<34384xf32, #tpu.memory_space<vmem>>[vector<16xi32>], vector<16xf32>,
        %add3A_555 = arith.constant 1 : i32
        %add3A_556 = vector.broadcast %add3A_555 : i32 to vector<16xi32>
        %add3A_557 = arith.addi %mul3A_527, %add3A_556 : vector<16xi32>
        tpu.vector_store_idx %arg9[%add3A_557], %mul3A_542 {add = true} : memref<34384xf32, #tpu.memory_space<vmem>>[vector<16xi32>], vector<16xf32>,
        %add3A_558 = arith.constant 2 : i32
        %add3A_559 = vector.broadcast %add3A_558 : i32 to vector<16xi32>
        %add3A_560 = arith.addi %mul3A_527, %add3A_559 : vector<16xi32>
        tpu.vector_store_idx %arg9[%add3A_560], %mul3A_543 {add = true} : memref<34384xf32, #tpu.memory_space<vmem>>[vector<16xi32>], vector<16xf32>,
        %add3A_561 = arith.constant 3 : i32
        %add3A_562 = vector.broadcast %add3A_561 : i32 to vector<16xi32>
        %add3A_563 = arith.addi %mul3A_527, %add3A_562 : vector<16xi32>
        tpu.vector_store_idx %arg9[%add3A_563], %mul3A_544 {add = true} : memref<34384xf32, #tpu.memory_space<vmem>>[vector<16xi32>], vector<16xf32>,
        %add3A_564 = arith.constant 4 : i32
        %add3A_565 = vector.broadcast %add3A_564 : i32 to vector<16xi32>
        %add3A_566 = arith.addi %mul3A_527, %add3A_565 : vector<16xi32>
        tpu.vector_store_idx %arg9[%add3A_566], %mul3A_545 {add = true} : memref<34384xf32, #tpu.memory_space<vmem>>[vector<16xi32>], vector<16xf32>,
        %add3A_567 = arith.constant 5 : i32
        %add3A_568 = vector.broadcast %add3A_567 : i32 to vector<16xi32>
        %add3A_569 = arith.addi %mul3A_527, %add3A_568 : vector<16xi32>
        tpu.vector_store_idx %arg9[%add3A_569], %mul3A_546 {add = true} : memref<34384xf32, #tpu.memory_space<vmem>>[vector<16xi32>], vector<16xf32>,
        %add3A_570 = arith.constant 6 : i32
        %add3A_571 = vector.broadcast %add3A_570 : i32 to vector<16xi32>
        %add3A_572 = arith.addi %mul3A_527, %add3A_571 : vector<16xi32>
        tpu.vector_store_idx %arg9[%add3A_572], %mul3A_547 {add = true} : memref<34384xf32, #tpu.memory_space<vmem>>[vector<16xi32>], vector<16xf32>,
        %add3A_573 = arith.constant 7 : i32
        %add3A_574 = vector.broadcast %add3A_573 : i32 to vector<16xi32>
        %add3A_575 = arith.addi %mul3A_527, %add3A_574 : vector<16xi32>
        tpu.vector_store_idx %arg9[%add3A_575], %mul3A_548 {add = true} : memref<34384xf32, #tpu.memory_space<vmem>>[vector<16xi32>], vector<16xf32>,
        %add3A_576 = arith.constant 8 : i32
        %add3A_577 = vector.broadcast %add3A_576 : i32 to vector<16xi32>
        %add3A_578 = arith.addi %mul3A_527, %add3A_577 : vector<16xi32>
        tpu.vector_store_idx %arg9[%add3A_578], %mul3A_549 {add = true} : memref<34384xf32, #tpu.memory_space<vmem>>[vector<16xi32>], vector<16xf32>,
        %add3A_579 = arith.constant 9 : i32
        %add3A_580 = vector.broadcast %add3A_579 : i32 to vector<16xi32>
        %add3A_581 = arith.addi %mul3A_527, %add3A_580 : vector<16xi32>
        tpu.vector_store_idx %arg9[%add3A_581], %mul3A_550 {add = true} : memref<34384xf32, #tpu.memory_space<vmem>>[vector<16xi32>], vector<16xf32>,
        %add3A_582 = arith.constant 10 : i32
        %add3A_583 = vector.broadcast %add3A_582 : i32 to vector<16xi32>
        %add3A_584 = arith.addi %mul3A_527, %add3A_583 : vector<16xi32>
        tpu.vector_store_idx %arg9[%add3A_584], %mul3A_551 {add = true} : memref<34384xf32, #tpu.memory_space<vmem>>[vector<16xi32>], vector<16xf32>,
        %mul3A_585 = arith.constant 5 : i32
        %mul3A_586 = arith.muli %scan3A_324, %mul3A_585 : i32
        %add3A_587 = arith.constant 3 : i32
        %add3A_588 = arith.addi %mul3A_586, %add3A_587 : i32
        %add3A_589 = arith.addi %add3A_588, %mul3A_227 : i32
        %add3A_590 = vector.broadcast %add3A_589 : i32 to vector<16xi32>
        %add3A_591 = arith.addi %mul3A_128, %add3A_590 : vector<16xi32>
        %gather3A_592 = tpu.vector_load_idx %arg11[%add3A_591] : memref<3840xi32, #tpu.memory_space<vmem>>[vector<16xi32>], vector<16xi32>,
        %gather3A_593 = tpu.vector_load_idx %arg12[%add3A_591] : memref<3840xf32, #tpu.memory_space<vmem>>[vector<16xi32>], vector<16xf32>,
        %sub3A_594 = vector.broadcast %mul3A_2 : i32 to vector<16xi32>
        %sub3A_595 = arith.subi %gather3A_592, %sub3A_594 : vector<16xi32>
        %ge3A_596 = arith.constant 0 : i32
        %ge3A_597 = vector.broadcast %ge3A_596 : i32 to vector<16xi32>
        %ge3A_598 = arith.cmpi sge, %sub3A_595, %ge3A_597 : vector<16xi32>
        %lt3A_599 = arith.constant 3125 : i32
        %lt3A_600 = vector.broadcast %lt3A_599 : i32 to vector<16xi32>
        %lt3A_601 = arith.cmpi slt, %sub3A_595, %lt3A_600 : vector<16xi32>
        %and3A_602 = arith.andi %ge3A_598, %lt3A_601 : vector<16xi1>
        %jit3A_603 = arith.constant 0 : i32
        %broadcast_in_dim3A_604 = vector.broadcast %jit3A_603 : i32 to vector<16xi32>
        %select_n3A_605 = arith.select %and3A_602, %sub3A_595, %broadcast_in_dim3A_604 : vector<16xi1>, vector<16xi32>
        %add3A_606 = vector.broadcast %sub3A_7 : i32 to vector<16xi32>
        %add3A_607 = arith.addi %select_n3A_605, %add3A_606 : vector<16xi32>
        %gather3A_608 = tpu.vector_load_idx %arg13[%add3A_607] : memref<3136xf32, #tpu.memory_space<vmem>>[vector<16xi32>], vector<16xf32>,
        %jit3A_609 = arith.constant 0.000000e+00 : f32
        %broadcast_in_dim3A_610 = vector.broadcast %jit3A_609 : f32 to vector<16xf32>
        %select_n3A_611 = arith.select %and3A_602, %gather3A_593, %broadcast_in_dim3A_610 : vector<16xi1>, vector<16xf32>
        %mul3A_612 = arith.mulf %select_n3A_611, %gather3A_608 : vector<16xf32>
        %mul3A_613 = arith.constant 11 : i32
        %mul3A_614 = vector.broadcast %mul3A_613 : i32 to vector<16xi32>
        %mul3A_615 = arith.muli %select_n3A_605, %mul3A_614 : vector<16xi32>
        %add3A_616 = vector.broadcast %add3A_588 : i32 to vector<16xi32>
        %add3A_617 = arith.addi %mul3A_128, %add3A_616 : vector<16xi32>
        %gather3A_618 = tpu.vector_load_idx %arg10[%add3A_235, %add3A_617] : memref<48x1280xf32, #tpu.memory_space<vmem>>[vector<16xi32>, vector<16xi32>], vector<16xf32>,
        %gather3A_619 = tpu.vector_load_idx %arg10[%add3A_243, %add3A_617] : memref<48x1280xf32, #tpu.memory_space<vmem>>[vector<16xi32>, vector<16xi32>], vector<16xf32>,
        %gather3A_620 = tpu.vector_load_idx %arg10[%add3A_251, %add3A_617] : memref<48x1280xf32, #tpu.memory_space<vmem>>[vector<16xi32>, vector<16xi32>], vector<16xf32>,
        %gather3A_621 = tpu.vector_load_idx %arg10[%add3A_259, %add3A_617] : memref<48x1280xf32, #tpu.memory_space<vmem>>[vector<16xi32>, vector<16xi32>], vector<16xf32>,
        %gather3A_622 = tpu.vector_load_idx %arg10[%add3A_267, %add3A_617] : memref<48x1280xf32, #tpu.memory_space<vmem>>[vector<16xi32>, vector<16xi32>], vector<16xf32>,
        %gather3A_623 = tpu.vector_load_idx %arg10[%add3A_275, %add3A_617] : memref<48x1280xf32, #tpu.memory_space<vmem>>[vector<16xi32>, vector<16xi32>], vector<16xf32>,
        %gather3A_624 = tpu.vector_load_idx %arg10[%add3A_283, %add3A_617] : memref<48x1280xf32, #tpu.memory_space<vmem>>[vector<16xi32>, vector<16xi32>], vector<16xf32>,
        %gather3A_625 = tpu.vector_load_idx %arg10[%add3A_291, %add3A_617] : memref<48x1280xf32, #tpu.memory_space<vmem>>[vector<16xi32>, vector<16xi32>], vector<16xf32>,
        %gather3A_626 = tpu.vector_load_idx %arg10[%add3A_299, %add3A_617] : memref<48x1280xf32, #tpu.memory_space<vmem>>[vector<16xi32>, vector<16xi32>], vector<16xf32>,
        %gather3A_627 = tpu.vector_load_idx %arg10[%add3A_307, %add3A_617] : memref<48x1280xf32, #tpu.memory_space<vmem>>[vector<16xi32>, vector<16xi32>], vector<16xf32>,
        %gather3A_628 = tpu.vector_load_idx %arg10[%add3A_315, %add3A_617] : memref<48x1280xf32, #tpu.memory_space<vmem>>[vector<16xi32>, vector<16xi32>], vector<16xf32>,
        %mul3A_629 = arith.mulf %gather3A_618, %mul3A_612 : vector<16xf32>
        %mul3A_630 = arith.mulf %gather3A_619, %mul3A_612 : vector<16xf32>
        %mul3A_631 = arith.mulf %gather3A_620, %mul3A_612 : vector<16xf32>
        %mul3A_632 = arith.mulf %gather3A_621, %mul3A_612 : vector<16xf32>
        %mul3A_633 = arith.mulf %gather3A_622, %mul3A_612 : vector<16xf32>
        %mul3A_634 = arith.mulf %gather3A_623, %mul3A_612 : vector<16xf32>
        %mul3A_635 = arith.mulf %gather3A_624, %mul3A_612 : vector<16xf32>
        %mul3A_636 = arith.mulf %gather3A_625, %mul3A_612 : vector<16xf32>
        %mul3A_637 = arith.mulf %gather3A_626, %mul3A_612 : vector<16xf32>
        %mul3A_638 = arith.mulf %gather3A_627, %mul3A_612 : vector<16xf32>
        %mul3A_639 = arith.mulf %gather3A_628, %mul3A_612 : vector<16xf32>
        %add3A_640 = arith.constant 0 : i32
        %add3A_641 = vector.broadcast %add3A_640 : i32 to vector<16xi32>
        %add3A_642 = arith.addi %mul3A_615, %add3A_641 : vector<16xi32>
        tpu.vector_store_idx %arg9[%add3A_642], %mul3A_629 {add = true} : memref<34384xf32, #tpu.memory_space<vmem>>[vector<16xi32>], vector<16xf32>,
        %add3A_643 = arith.constant 1 : i32
        %add3A_644 = vector.broadcast %add3A_643 : i32 to vector<16xi32>
        %add3A_645 = arith.addi %mul3A_615, %add3A_644 : vector<16xi32>
        tpu.vector_store_idx %arg9[%add3A_645], %mul3A_630 {add = true} : memref<34384xf32, #tpu.memory_space<vmem>>[vector<16xi32>], vector<16xf32>,
        %add3A_646 = arith.constant 2 : i32
        %add3A_647 = vector.broadcast %add3A_646 : i32 to vector<16xi32>
        %add3A_648 = arith.addi %mul3A_615, %add3A_647 : vector<16xi32>
        tpu.vector_store_idx %arg9[%add3A_648], %mul3A_631 {add = true} : memref<34384xf32, #tpu.memory_space<vmem>>[vector<16xi32>], vector<16xf32>,
        %add3A_649 = arith.constant 3 : i32
        %add3A_650 = vector.broadcast %add3A_649 : i32 to vector<16xi32>
        %add3A_651 = arith.addi %mul3A_615, %add3A_650 : vector<16xi32>
        tpu.vector_store_idx %arg9[%add3A_651], %mul3A_632 {add = true} : memref<34384xf32, #tpu.memory_space<vmem>>[vector<16xi32>], vector<16xf32>,
        %add3A_652 = arith.constant 4 : i32
        %add3A_653 = vector.broadcast %add3A_652 : i32 to vector<16xi32>
        %add3A_654 = arith.addi %mul3A_615, %add3A_653 : vector<16xi32>
        tpu.vector_store_idx %arg9[%add3A_654], %mul3A_633 {add = true} : memref<34384xf32, #tpu.memory_space<vmem>>[vector<16xi32>], vector<16xf32>,
        %add3A_655 = arith.constant 5 : i32
        %add3A_656 = vector.broadcast %add3A_655 : i32 to vector<16xi32>
        %add3A_657 = arith.addi %mul3A_615, %add3A_656 : vector<16xi32>
        tpu.vector_store_idx %arg9[%add3A_657], %mul3A_634 {add = true} : memref<34384xf32, #tpu.memory_space<vmem>>[vector<16xi32>], vector<16xf32>,
        %add3A_658 = arith.constant 6 : i32
        %add3A_659 = vector.broadcast %add3A_658 : i32 to vector<16xi32>
        %add3A_660 = arith.addi %mul3A_615, %add3A_659 : vector<16xi32>
        tpu.vector_store_idx %arg9[%add3A_660], %mul3A_635 {add = true} : memref<34384xf32, #tpu.memory_space<vmem>>[vector<16xi32>], vector<16xf32>,
        %add3A_661 = arith.constant 7 : i32
        %add3A_662 = vector.broadcast %add3A_661 : i32 to vector<16xi32>
        %add3A_663 = arith.addi %mul3A_615, %add3A_662 : vector<16xi32>
        tpu.vector_store_idx %arg9[%add3A_663], %mul3A_636 {add = true} : memref<34384xf32, #tpu.memory_space<vmem>>[vector<16xi32>], vector<16xf32>,
        %add3A_664 = arith.constant 8 : i32
        %add3A_665 = vector.broadcast %add3A_664 : i32 to vector<16xi32>
        %add3A_666 = arith.addi %mul3A_615, %add3A_665 : vector<16xi32>
        tpu.vector_store_idx %arg9[%add3A_666], %mul3A_637 {add = true} : memref<34384xf32, #tpu.memory_space<vmem>>[vector<16xi32>], vector<16xf32>,
        %add3A_667 = arith.constant 9 : i32
        %add3A_668 = vector.broadcast %add3A_667 : i32 to vector<16xi32>
        %add3A_669 = arith.addi %mul3A_615, %add3A_668 : vector<16xi32>
        tpu.vector_store_idx %arg9[%add3A_669], %mul3A_638 {add = true} : memref<34384xf32, #tpu.memory_space<vmem>>[vector<16xi32>], vector<16xf32>,
        %add3A_670 = arith.constant 10 : i32
        %add3A_671 = vector.broadcast %add3A_670 : i32 to vector<16xi32>
        %add3A_672 = arith.addi %mul3A_615, %add3A_671 : vector<16xi32>
        tpu.vector_store_idx %arg9[%add3A_672], %mul3A_639 {add = true} : memref<34384xf32, #tpu.memory_space<vmem>>[vector<16xi32>], vector<16xf32>,
        %mul3A_673 = arith.constant 5 : i32
        %mul3A_674 = arith.muli %scan3A_324, %mul3A_673 : i32
        %add3A_675 = arith.constant 4 : i32
        %add3A_676 = arith.addi %mul3A_674, %add3A_675 : i32
        %add3A_677 = arith.addi %add3A_676, %mul3A_227 : i32
        %add3A_678 = vector.broadcast %add3A_677 : i32 to vector<16xi32>
        %add3A_679 = arith.addi %mul3A_128, %add3A_678 : vector<16xi32>
        %gather3A_680 = tpu.vector_load_idx %arg11[%add3A_679] : memref<3840xi32, #tpu.memory_space<vmem>>[vector<16xi32>], vector<16xi32>,
        %gather3A_681 = tpu.vector_load_idx %arg12[%add3A_679] : memref<3840xf32, #tpu.memory_space<vmem>>[vector<16xi32>], vector<16xf32>,
        %sub3A_682 = vector.broadcast %mul3A_2 : i32 to vector<16xi32>
        %sub3A_683 = arith.subi %gather3A_680, %sub3A_682 : vector<16xi32>
        %ge3A_684 = arith.constant 0 : i32
        %ge3A_685 = vector.broadcast %ge3A_684 : i32 to vector<16xi32>
        %ge3A_686 = arith.cmpi sge, %sub3A_683, %ge3A_685 : vector<16xi32>
        %lt3A_687 = arith.constant 3125 : i32
        %lt3A_688 = vector.broadcast %lt3A_687 : i32 to vector<16xi32>
        %lt3A_689 = arith.cmpi slt, %sub3A_683, %lt3A_688 : vector<16xi32>
        %and3A_690 = arith.andi %ge3A_686, %lt3A_689 : vector<16xi1>
        %jit3A_691 = arith.constant 0 : i32
        %broadcast_in_dim3A_692 = vector.broadcast %jit3A_691 : i32 to vector<16xi32>
        %select_n3A_693 = arith.select %and3A_690, %sub3A_683, %broadcast_in_dim3A_692 : vector<16xi1>, vector<16xi32>
        %add3A_694 = vector.broadcast %sub3A_7 : i32 to vector<16xi32>
        %add3A_695 = arith.addi %select_n3A_693, %add3A_694 : vector<16xi32>
        %gather3A_696 = tpu.vector_load_idx %arg13[%add3A_695] : memref<3136xf32, #tpu.memory_space<vmem>>[vector<16xi32>], vector<16xf32>,
        %jit3A_697 = arith.constant 0.000000e+00 : f32
        %broadcast_in_dim3A_698 = vector.broadcast %jit3A_697 : f32 to vector<16xf32>
        %select_n3A_699 = arith.select %and3A_690, %gather3A_681, %broadcast_in_dim3A_698 : vector<16xi1>, vector<16xf32>
        %mul3A_700 = arith.mulf %select_n3A_699, %gather3A_696 : vector<16xf32>
        %mul3A_701 = arith.constant 11 : i32
        %mul3A_702 = vector.broadcast %mul3A_701 : i32 to vector<16xi32>
        %mul3A_703 = arith.muli %select_n3A_693, %mul3A_702 : vector<16xi32>
        %add3A_704 = vector.broadcast %add3A_676 : i32 to vector<16xi32>
        %add3A_705 = arith.addi %mul3A_128, %add3A_704 : vector<16xi32>
        %gather3A_706 = tpu.vector_load_idx %arg10[%add3A_235, %add3A_705] : memref<48x1280xf32, #tpu.memory_space<vmem>>[vector<16xi32>, vector<16xi32>], vector<16xf32>,
        %gather3A_707 = tpu.vector_load_idx %arg10[%add3A_243, %add3A_705] : memref<48x1280xf32, #tpu.memory_space<vmem>>[vector<16xi32>, vector<16xi32>], vector<16xf32>,
        %gather3A_708 = tpu.vector_load_idx %arg10[%add3A_251, %add3A_705] : memref<48x1280xf32, #tpu.memory_space<vmem>>[vector<16xi32>, vector<16xi32>], vector<16xf32>,
        %gather3A_709 = tpu.vector_load_idx %arg10[%add3A_259, %add3A_705] : memref<48x1280xf32, #tpu.memory_space<vmem>>[vector<16xi32>, vector<16xi32>], vector<16xf32>,
        %gather3A_710 = tpu.vector_load_idx %arg10[%add3A_267, %add3A_705] : memref<48x1280xf32, #tpu.memory_space<vmem>>[vector<16xi32>, vector<16xi32>], vector<16xf32>,
        %gather3A_711 = tpu.vector_load_idx %arg10[%add3A_275, %add3A_705] : memref<48x1280xf32, #tpu.memory_space<vmem>>[vector<16xi32>, vector<16xi32>], vector<16xf32>,
        %gather3A_712 = tpu.vector_load_idx %arg10[%add3A_283, %add3A_705] : memref<48x1280xf32, #tpu.memory_space<vmem>>[vector<16xi32>, vector<16xi32>], vector<16xf32>,
        %gather3A_713 = tpu.vector_load_idx %arg10[%add3A_291, %add3A_705] : memref<48x1280xf32, #tpu.memory_space<vmem>>[vector<16xi32>, vector<16xi32>], vector<16xf32>,
        %gather3A_714 = tpu.vector_load_idx %arg10[%add3A_299, %add3A_705] : memref<48x1280xf32, #tpu.memory_space<vmem>>[vector<16xi32>, vector<16xi32>], vector<16xf32>,
        %gather3A_715 = tpu.vector_load_idx %arg10[%add3A_307, %add3A_705] : memref<48x1280xf32, #tpu.memory_space<vmem>>[vector<16xi32>, vector<16xi32>], vector<16xf32>,
        %gather3A_716 = tpu.vector_load_idx %arg10[%add3A_315, %add3A_705] : memref<48x1280xf32, #tpu.memory_space<vmem>>[vector<16xi32>, vector<16xi32>], vector<16xf32>,
        %mul3A_717 = arith.mulf %gather3A_706, %mul3A_700 : vector<16xf32>
        %mul3A_718 = arith.mulf %gather3A_707, %mul3A_700 : vector<16xf32>
        %mul3A_719 = arith.mulf %gather3A_708, %mul3A_700 : vector<16xf32>
        %mul3A_720 = arith.mulf %gather3A_709, %mul3A_700 : vector<16xf32>
        %mul3A_721 = arith.mulf %gather3A_710, %mul3A_700 : vector<16xf32>
        %mul3A_722 = arith.mulf %gather3A_711, %mul3A_700 : vector<16xf32>
        %mul3A_723 = arith.mulf %gather3A_712, %mul3A_700 : vector<16xf32>
        %mul3A_724 = arith.mulf %gather3A_713, %mul3A_700 : vector<16xf32>
        %mul3A_725 = arith.mulf %gather3A_714, %mul3A_700 : vector<16xf32>
        %mul3A_726 = arith.mulf %gather3A_715, %mul3A_700 : vector<16xf32>
        %mul3A_727 = arith.mulf %gather3A_716, %mul3A_700 : vector<16xf32>
        %add3A_728 = arith.constant 0 : i32
        %add3A_729 = vector.broadcast %add3A_728 : i32 to vector<16xi32>
        %add3A_730 = arith.addi %mul3A_703, %add3A_729 : vector<16xi32>
        tpu.vector_store_idx %arg9[%add3A_730], %mul3A_717 {add = true} : memref<34384xf32, #tpu.memory_space<vmem>>[vector<16xi32>], vector<16xf32>,
        %add3A_731 = arith.constant 1 : i32
        %add3A_732 = vector.broadcast %add3A_731 : i32 to vector<16xi32>
        %add3A_733 = arith.addi %mul3A_703, %add3A_732 : vector<16xi32>
        tpu.vector_store_idx %arg9[%add3A_733], %mul3A_718 {add = true} : memref<34384xf32, #tpu.memory_space<vmem>>[vector<16xi32>], vector<16xf32>,
        %add3A_734 = arith.constant 2 : i32
        %add3A_735 = vector.broadcast %add3A_734 : i32 to vector<16xi32>
        %add3A_736 = arith.addi %mul3A_703, %add3A_735 : vector<16xi32>
        tpu.vector_store_idx %arg9[%add3A_736], %mul3A_719 {add = true} : memref<34384xf32, #tpu.memory_space<vmem>>[vector<16xi32>], vector<16xf32>,
        %add3A_737 = arith.constant 3 : i32
        %add3A_738 = vector.broadcast %add3A_737 : i32 to vector<16xi32>
        %add3A_739 = arith.addi %mul3A_703, %add3A_738 : vector<16xi32>
        tpu.vector_store_idx %arg9[%add3A_739], %mul3A_720 {add = true} : memref<34384xf32, #tpu.memory_space<vmem>>[vector<16xi32>], vector<16xf32>,
        %add3A_740 = arith.constant 4 : i32
        %add3A_741 = vector.broadcast %add3A_740 : i32 to vector<16xi32>
        %add3A_742 = arith.addi %mul3A_703, %add3A_741 : vector<16xi32>
        tpu.vector_store_idx %arg9[%add3A_742], %mul3A_721 {add = true} : memref<34384xf32, #tpu.memory_space<vmem>>[vector<16xi32>], vector<16xf32>,
        %add3A_743 = arith.constant 5 : i32
        %add3A_744 = vector.broadcast %add3A_743 : i32 to vector<16xi32>
        %add3A_745 = arith.addi %mul3A_703, %add3A_744 : vector<16xi32>
        tpu.vector_store_idx %arg9[%add3A_745], %mul3A_722 {add = true} : memref<34384xf32, #tpu.memory_space<vmem>>[vector<16xi32>], vector<16xf32>,
        %add3A_746 = arith.constant 6 : i32
        %add3A_747 = vector.broadcast %add3A_746 : i32 to vector<16xi32>
        %add3A_748 = arith.addi %mul3A_703, %add3A_747 : vector<16xi32>
        tpu.vector_store_idx %arg9[%add3A_748], %mul3A_723 {add = true} : memref<34384xf32, #tpu.memory_space<vmem>>[vector<16xi32>], vector<16xf32>,
        %add3A_749 = arith.constant 7 : i32
        %add3A_750 = vector.broadcast %add3A_749 : i32 to vector<16xi32>
        %add3A_751 = arith.addi %mul3A_703, %add3A_750 : vector<16xi32>
        tpu.vector_store_idx %arg9[%add3A_751], %mul3A_724 {add = true} : memref<34384xf32, #tpu.memory_space<vmem>>[vector<16xi32>], vector<16xf32>,
        %add3A_752 = arith.constant 8 : i32
        %add3A_753 = vector.broadcast %add3A_752 : i32 to vector<16xi32>
        %add3A_754 = arith.addi %mul3A_703, %add3A_753 : vector<16xi32>
        tpu.vector_store_idx %arg9[%add3A_754], %mul3A_725 {add = true} : memref<34384xf32, #tpu.memory_space<vmem>>[vector<16xi32>], vector<16xf32>,
        %add3A_755 = arith.constant 9 : i32
        %add3A_756 = vector.broadcast %add3A_755 : i32 to vector<16xi32>
        %add3A_757 = arith.addi %mul3A_703, %add3A_756 : vector<16xi32>
        tpu.vector_store_idx %arg9[%add3A_757], %mul3A_726 {add = true} : memref<34384xf32, #tpu.memory_space<vmem>>[vector<16xi32>], vector<16xf32>,
        %add3A_758 = arith.constant 10 : i32
        %add3A_759 = vector.broadcast %add3A_758 : i32 to vector<16xi32>
        %add3A_760 = arith.addi %mul3A_703, %add3A_759 : vector<16xi32>
        tpu.vector_store_idx %arg9[%add3A_760], %mul3A_727 {add = true} : memref<34384xf32, #tpu.memory_space<vmem>>[vector<16xi32>], vector<16xf32>,
        %scan3A_761 = arith.constant 0 : i32
        scf.yield %scan3A_761 : i32
      }
      %scan3A_322 = arith.constant 16 : i32
      %while3A_323 = arith.constant 0 : i32
      scf.yield %while3A_323 : i32
    }
    "tpu.region"() ({
      %run_scoped3A = tpu.sem_alloc : memref<!tpu.dma_semaphore, #tpu.memory_space<semaphore_mem>>
      %dma_start3A_146 = arith.constant 0 : i32
      %dma_start3A_147 = tpu.memref_slice %arg8[%add3A, %dma_start3A_146] : memref<32x34384xf32, #tpu.memory_space<hbm>> -> memref<1x34384xf32, #tpu.memory_space<hbm>>
      %dma_start3A_148 = tpu.memref_squeeze %dma_start3A_147 : memref<1x34384xf32, #tpu.memory_space<hbm>> -> memref<34384xf32, #tpu.memory_space<hbm>>
      %dma_start3A_149 = arith.constant 0 : i32
      %dma_start3A_150 = tpu.memref_slice %arg8[%add3A, %dma_start3A_149] : memref<32x34384xf32, #tpu.memory_space<hbm>> -> memref<1x34384xf32, #tpu.memory_space<hbm>>
      %dma_start3A_151 = tpu.memref_squeeze %dma_start3A_150 : memref<1x34384xf32, #tpu.memory_space<hbm>> -> memref<34384xf32, #tpu.memory_space<hbm>>
      tpu.enqueue_dma source(%arg9 : memref<34384xf32, #tpu.memory_space<vmem>>) target(%dma_start3A_151 : memref<34384xf32, #tpu.memory_space<hbm>>) target_semaphore(%run_scoped3A : memref<!tpu.dma_semaphore, #tpu.memory_space<semaphore_mem>>)
      %dma_wait3A_152 = arith.constant 0 : i32
      %dma_wait3A_153 = tpu.memref_slice %arg8[%add3A, %dma_wait3A_152] : memref<32x34384xf32, #tpu.memory_space<hbm>> -> memref<1x34384xf32, #tpu.memory_space<hbm>>
      %dma_wait3A_154 = tpu.memref_squeeze %dma_wait3A_153 : memref<1x34384xf32, #tpu.memory_space<hbm>> -> memref<34384xf32, #tpu.memory_space<hbm>>
      %dma_wait3A_155 = arith.constant 0 : i32
      %dma_wait3A_156 = tpu.memref_slice %arg8[%add3A, %dma_wait3A_155] : memref<32x34384xf32, #tpu.memory_space<hbm>> -> memref<1x34384xf32, #tpu.memory_space<hbm>>
      %dma_wait3A_157 = tpu.memref_squeeze %dma_wait3A_156 : memref<1x34384xf32, #tpu.memory_space<hbm>> -> memref<34384xf32, #tpu.memory_space<hbm>>
      tpu.wait_dma2 semaphore(%run_scoped3A : memref<!tpu.dma_semaphore, #tpu.memory_space<semaphore_mem>>) src(%arg9 : memref<34384xf32, #tpu.memory_space<vmem>>) dst(%dma_wait3A_157 : memref<34384xf32, #tpu.memory_space<hbm>>)
      tpu.yield
    }) : () -> ()
    return
  }
}

</mosaic_0001>

<sc_bundles>
// kernel: kernel.3.cloned.1.call-start
scs
__scs_entry_jumppad:
0x0: {  	(pc) =	sbr.rel $0x88, $3  }
0x1: {  	(tag) =	ssettag $0x0;
	lr =	simm.s32 $0x1  }
0x2: {  	[smem:$0x3F9D] =	sst lr;
	_ =	strace $0xD0000000  }
0x3: {  	_ = 	snop  }
0x4: {  	_ = 	snop  }
0x5: {  	_ = 	snop  }
0x6: {  	_ = 	snop  }
0x7: {  	_ = 	snop  }
__scs_overlays_trampoline_lowered:
0x8: {  	[smem:$0x3FAC] =	sst s0  }
0x9: {  	[smem:$0x3FAD] =	sst s1  }
0xa: {  	[smem:$0x3FAE] =	sst s2  }
0xb: {  	[smem:$0x3FAF] =	sst s3  }
0xc: {  	[smem:$0x3FB0] =	sst s4  }
0xd: {  	[smem:$0x3FB1] =	sst s5  }
0xe: {  	[smem:$0x3FB2] =	sst s6  }
0xf: {  	[smem:$0x3FB3] =	sst s7  }
0x10: {  	[smem:$0x3FB4] =	sst s8  }
0x11: {  	[smem:$0x3FB5] =	sst s9;
	s0 =	simm.s32 @!p0 $0x0  }
0x12: {  	s1 =	sld [smem:$0x3F9B];
	s0 =	simm.s32 @p0 $0x1  }
0x13: {  	[smem:$0x3FB6] =	sst s0;
	s0 =	simm.s32 @!p1 $0x0  }
0x14: {  	s2 =	sld [smem:$0x3F9A];
	s0 =	simm.s32 @p1 $0x1  }
0x15: {  	[smem:$0x3FB7] =	sst s0;
	s0 =	simm.s32 @!p2 $0x0  }
0x16: {  	s3 =	sld [smem:$0x3FDB];
	s0 =	simm.s32 @p2 $0x1  }
0x17: {  	s4 =	simm.s32 $0x1BF5;
	[smem:$0x3FB9] =	sst s0  }
0x18: {  	s0 =	sld [smem:$0x3F9C];
	_ =	swait.ge [sflag:s4], $0x0  }
0x19: {  	s7 =	sld [smem:$0x3F9D]  }
0x1a: {  	s8 =	sadd.s32 $0xFFFFE003, lr  }
0x1b: {  	s9 =	sadd.s32 $0xFFFFFEF7, lr;
	s5 =	simm.s32 $0xFFFFFFFF;
	p2 =	slt.u32 s8, $0xFFFFF086  }
0x1c: {  	p1 =	slt.u32 s9, $0xF7A;
	s5 =	simm.s32 @!p2 $0x0  }
0x1d: {  	s5 =	simm.s32 @p1 $0x1;
	p0 =	seq.s32 s7, s2  }
0x1e: {  	s7 =	smul.u32 @!p0 $0xF7A, s2;
	p2 =	seq.s32 @!p0 s5, $0x0  }
0x1f: {  	s9 =	smul.u32 $0xF7A, s1;
	s8 =	simm.s32 @!p0 $0x1BF5;
	p2 =	por !p2, p0  }
0x20: {  	[sflag:s8] =	ssyncset.s32 @!p0 $0xFFFFF086;
	s6 =	sadd.s32 @!p0 s3, s7;
	s7 =	simm.s32 @!p0 $0x108  }
0x21: {  	s3 =	sadd.s32 s3, s9;
	s6 =	sadd.s32 @!p0 $0x88, s6;
	s7 =	simm.s32 @p2 $0x1082  }
0x22: {  	[simem:s7], [sflag:s8] =	dma.local @!p0 [hbm:s6], $0xF7A  }
0x23: {  	s9 =	sor.u32 $0xD0000000, s2;
	s6 =	simm.s32 $0x108;
	_ =	swait.ge @!p0 [sflag:s8], $0x0  }
0x24: {  	s3 =	sadd.s32 $0x88, s3;
	s6 =	simm.s32 @!p1 $0x1082;
	[sflag:s4] =	ssyncset.s32 $0xFFFFF086  }
0x25: {  	[simem:s6], [sflag:s4] =	dma.local [hbm:s3], $0xF7A  }
0x26: {  	[smem:$0x3F9D] =	sst s1;
	(tag) =	ssettag s2;
	_ =	strace s9  }
0x27: {  	s1 =	sld [smem:$0x3FAD]  }
0x28: {  	s2 =	sld [smem:$0x3FAE]  }
0x29: {  	s4 =	sld [smem:$0x3FB0]  }
0x2a: {  	p0 =	seq.s32 s5, $0x0;
	s5 =	sld [smem:$0x3FB1]  }
0x2b: {  	s6 =	sld [smem:$0x3FB2]  }
0x2c: {  	s7 =	sld [smem:$0x3FB3]  }
0x2d: {  	s3 =	simm.s32 $0x108;
	s8 =	sld [smem:$0x3FB4]  }
0x2e: {  	s3 =	simm.s32 @!p0 $0x1082;
	s9 =	sld [smem:$0x3FB5]  }
0x2f: {  	lr =	sadd.s32 s0, s3;
	s0 =	sld [smem:$0x3FAC]  }
0x30: {  	s3 =	sld [smem:$0x3FAF]  }
0x31: {  	[smem:$0x3FB8] =	sst s10  }
0x32: {  	s10 =	sld [smem:$0x3FB6];
	_ =	sdelay $0x3  }
0x33: {  	p0 =	seq.s32 s10, $0x1;
	s10 =	sld [smem:$0x3FB8];
	_ =	sdelay $0x3  }
0x34: {  	[smem:$0x3FB8] =	sst s10  }
0x35: {  	s10 =	sld [smem:$0x3FB7];
	_ =	sdelay $0x3  }
0x36: {  	p1 =	seq.s32 s10, $0x1;
	s10 =	sld [smem:$0x3FB8];
	_ =	sdelay $0x3  }
0x37: {  	[smem:$0x3FB8] =	sst s10  }
0x38: {  	s10 =	sld [smem:$0x3FB9]  }
0x39: {  	_ = 	snop;
	(pc) =	sbr.ind lr, $3  }
0x3a: {  	_ = 	snop  }
0x3b: {  	_ = 	snop  }
0x3c: {  	p2 =	seq.s32 s10, $0x1;
	s10 =	sld [smem:$0x3FB8]  }
0x3d: {  	_ =	shalt  }
0x3e: {  	_ =	shalt  }
0x3f: {  	_ =	shalt  }
0x40: {  	_ =	shalt  }
0x41: {  	_ =	shalt  }
0x42: {  	_ =	shalt  }
0x43: {  	_ =	shalt  }
0x44: {  	_ =	shalt  }
0x45: {  	_ =	shalt  }
0x46: {  	_ =	shalt  }
0x47: {  	_ =	shalt  }
0x48: {  	_ =	shalt  }
0x49: {  	_ =	shalt  }
0x4a: {  	_ =	shalt  }
0x4b: {  	_ =	shalt  }
0x4c: {  	_ =	shalt  }
0x4d: {  	_ =	shalt  }
0x4e: {  	_ =	shalt  }
0x4f: {  	_ =	shalt  }
0x50: {  	_ =	shalt  }
0x51: {  	_ =	shalt  }
0x52: {  	_ =	shalt  }
0x53: {  	_ =	shalt  }
0x54: {  	_ =	shalt  }
0x55: {  	_ =	shalt  }
0x56: {  	_ =	shalt  }
0x57: {  	_ =	shalt  }
0x58: {  	_ =	shalt  }
0x59: {  	_ =	shalt  }
0x5a: {  	_ =	shalt  }
0x5b: {  	_ =	shalt  }
0x5c: {  	_ =	shalt  }
0x5d: {  	_ =	shalt  }
0x5e: {  	_ =	shalt  }
0x5f: {  	_ =	shalt  }
0x60: {  	_ =	shalt  }
0x61: {  	_ =	shalt  }
0x62: {  	_ =	shalt  }
0x63: {  	_ =	shalt  }
0x64: {  	_ =	shalt  }
0x65: {  	_ =	shalt  }
0x66: {  	_ =	shalt  }
0x67: {  	_ =	shalt  }
0x68: {  	_ =	shalt  }
0x69: {  	_ =	shalt  }
0x6a: {  	_ =	shalt  }
0x6b: {  	_ =	shalt  }
0x6c: {  	_ =	shalt  }
0x6d: {  	_ =	shalt  }
0x6e: {  	_ =	shalt  }
0x6f: {  	_ =	shalt  }
0x70: {  	_ =	shalt  }
0x71: {  	_ =	shalt  }
0x72: {  	_ =	shalt  }
0x73: {  	_ =	shalt  }
0x74: {  	_ =	shalt  }
0x75: {  	_ =	shalt  }
0x76: {  	_ =	shalt  }
0x77: {  	_ =	shalt  }
0x78: {  	_ =	shalt  }
0x79: {  	_ =	shalt  }
0x7a: {  	_ =	shalt  }
0x7b: {  	_ =	shalt  }
0x7c: {  	_ =	shalt  }
0x7d: {  	_ =	shalt  }
0x7e: {  	_ =	shalt  }
0x7f: {  	_ =	shalt  }
0x80: {  	_ =	shalt  }
0x81: {  	_ =	shalt  }
0x82: {  	_ =	shalt  }
0x83: {  	_ =	shalt  }
0x84: {  	_ =	shalt  }
0x85: {  	_ =	shalt  }
0x86: {  	_ =	shalt  }
0x87: {  	_ =	shalt  }
.Lfunc_end0:
.L_simem_size_0:
called_computation_lowered:
.L_overlay_start_0:
0x88: {  	s2 =	sld [smem:$0x3FD9]  }
0x89: {  	s3 =	sld [smem:$0x3FFE];
	_ =	sdelay $0x1  }
0x8a: {  	s1 =	srdreg.scid  }
0x8b: {  	s0 =	sand.u32 $0x1, s1  }
0x8c: {  	s17 =	sshll.u32 s0, $0xA;
	s2 =	sadd.s32 s3, s2  }
0x8d: {  	s2 =	sadd.s32 s2, s17  }
0x8e: {  	[smem:$0x3FC4] =	sst s2  }
0x8f: {  	_ = 	snop  }
0x90: {  	s2 =	sld [smem:$0x3FC9]  }
0x91: {  	s18 =	sld [smem:$0x3FC8]  }
0x92: {  	s4 =	sld [smem:$0x3FC7]  }
0x93: {  	s5 =	sld [smem:$0x3FC6]  }
0x94: {  	s6 =	sld [smem:$0x3FD0];
	(tm) =	ssettm $0x1  }
0x95: {  	s7 =	sld [smem:$0x3FFB];
	_ =	sdelay $0x3  }
0x96: {  	_ =	strace s7  }
0x97: {  	s7 =	sld [smem:$0x3FFC];
	_ =	sdelay $0x3  }
0x98: {  	_ =	strace s7  }
0x99: {  	s7 =	sld [smem:$0x3FFD];
	_ =	sdelay $0x3  }
0x9a: {  	_ =	strace s7  }
0x9b: {  	_ =	strace $0x8FFFFFFF  }
0x9c: {  	s19 =	sld [smem:$0x3FDB];
	_ =	sdelay $0x1  }
0x9d: {  	s8 =	simm.s32 $_scs_section_size  }
0x9e: {  	s9 =	simm.s32 $_size__tile_overlayer_lowered;
	s10 =	simm.s32 $_tile_overlayer_lowered  }
0x9f: {  	s22 =	simm.s32 $0x1BFF;
	s21 =	sshll.u32 s10, $0x1;
	s7 =	sadd.s32 s8, s19  }
0xa0: {  	s11 =	simm.s32 $0x0;
	s20 =	sshll.u32 s9, $0x1;
	s9 =	sadd.s32 s21, s7  }
0xa1: {  	[timem:s11], [sflag:s22] =	dma.local [hbm:s9], s20  }
0xa2: {  	_ =	swait.ge [sflag:s22], s20  }
0xa3: {  	s8 =	ssub.s32 $0x0, s20;
	[sflag:s22] =	ssyncset.done $0x0  }
0xa4: {  	[sflag:s22] =	ssyncadd.s32 s8;
	_ =	sdelay $0x1  }
0xa5: {  	s23 =	simm.s32 $0x1B8B  }
0xa6: {  	_ =	swait.ge [sflag:s23], $0x1  }
0xa7: {  	[sflag:s23] =	ssyncset.done $0x0  }
0xa8: {  	s25 =	simm.s32 $0x1B8E;
	s24 =	sld [smem:$0x3FFE];
	[sflag:s23] =	ssyncadd.s32 $0xFFFFFFFF  }
0xa9: {  	s26 =	simm.s32 $execute0_lowered;
	[smem:$0x3FD2] =	sst s25  }
0xaa: {  	s9 =	sshll.u32 s26, $0x1;
	_ =	strace $0x80000046;
	[dreg:$0x1] =	wrdreg $0xFFFFFFFF  }
0xab: {  	s28 =	simm.s32 $_size_execute0_lowered;
	s7 =	sadd.s32 s7, s9;
	[dreg:$0x0] =	wrdreg $0x0  }
0xac: {  	s9 =	sshll.u32 s28, $0x1;
	[dreg:$0x2] =	wrdreg s7  }
0xad: {  	[dreg:$0x3] =	wrdreg s9  }
0xae: {  	[dreg:$0x4] =	wrdreg $0xC0  }
0xaf: {  	_ =	task [dreg:s11], $0x5FFFF  }
0xb0: {  	[dreg:$0x1] =	wrdreg $0xFFFFFFFF  }
0xb1: {  	[dreg:$0x0] =	wrdreg $0x60  }
0xb2: {  	[dreg:$0x2] =	wrdreg s2  }
0xb3: {  	[dreg:$0x3] =	wrdreg s18  }
0xb4: {  	[dreg:$0x4] =	wrdreg s4  }
0xb5: {  	[dreg:$0x5] =	wrdreg s5  }
0xb6: {  	[dreg:$0x6] =	wrdreg s24  }
0xb7: {  	[dreg:$0x7] =	wrdreg s6  }
0xb8: {  	[dreg:$0x8] =	wrdreg $0x9  }
0xb9: {  	_ =	task.clear_ibuf [dreg:s11], $0x9FFFF;
	_ =	strace $0x90000046  }
0xba: {  	s29 =	simm.s32 $0x9;
	_ =	strace $0x80000048  }
0xbb: {  	_ =	swait.ge [sflag:s29], $0x1  }
0xbc: {  	[sflag:s29] =	ssyncadd.s32 $0xFFFFFFFF  }
0xbd: {  	_ =	strace $0x90000048  }
0xbe: {  	_ =	sfence  }
0xbf: {  	s30 =	sld [smem:$0x0];
	_ =	sdelay $0x2  }
0xc0: {  	s31 =	sshll.u32 s1, $0xD;
	s1 =	sshrl.u32 s1, $0x2  }
0xc1: {  	s3 =	sand.u32 $0x4000, s31;
	s1 =	sadd.s32 s1, s30  }
0xc2: {  	s0 =	sor.u32 s3, s0;
	s1 =	sshll.u32 s1, $0x11  }
0xc3: {  	s0 =	sor.u32 s1, s0  }
0xc4: {  	s0 =	sadd.s32 $0x8F2B, s0  }
0xc5: {  	[sflag:s0] =	ssyncadd.remote.s32 $0x1  }
0xc6: {  	_ =	sfence.sel $0xFFFF  }
0xc7: {  	[dreg:$0x0] =	wrdreg $0xFFFFFFFF;
	(pc) =	sbr.abs _section_cstart, $3  }
0xc8: {  	[dreg:$0x1] =	wrdreg $0xFFFFFFFF  }
0xc9: {  	_ =	task.clear_ibuf [dreg:s11], $0x2FFFF;
	_ =	strace $0x9FFFFFFF  }
0xca: {  	(tm) =	ssettm $0x7FFFFFFF  }
0xcb: {  	_ =	shalt  }
tec
execute0_lowered:
.L_overlay_start_1:
0x0: {  	(tag) =	ssettag $0x1  }
0x1: {  	s0 =	rddreg [dreg:$0x0]  }
0x2: {  	s2 =	rddreg [dreg:$0x1]  }
0x3: {  	s3 =	rddreg [dreg:$0x2]  }
0x4: {  	s8 =	rddreg [dreg:$0x3]  }
0x5: {  	s4 =	rddreg [dreg:$0x4]  }
0x6: {  	s9 =	rddreg [dreg:$0x5];
	s1 =	srdreg.scid;
	s6 =	simm.s32 $0x0  }
0x7: {  	s7 =	stileid.u32;
	s15 =	simm.s32 $0x2;
	s16 =	simm.s32 $0x1  }
0x8: {  	s17 =	simm.s32 $0x8680;
	s18 =	simm.s32 $0x17680;
	s19 =	simm.s32 $0x18580  }
0x9: {  	s30 =	simm.s32 $0x4;
	s31 =	simm.s32 $0x0;
	s1 =	sand.u32 $0x1, s1  }
0xa: {  	[smem:$0x7FF] =	sst s6;
	s4 =	sadd.s32 $0x200, s4;
	s5 =	sshll.u32 s1, $0x4  }
0xb: {  	s21 =	sshll.u32 s7, $0x7;
	_ =	strace $0x80000047;
	s5 =	sor.u32 s7, s5  }
0xc: {  	s10 =	ssub.s32 $0x2, s1;
	[dreg:$0x7] =	wrdreg s4;
	s1 =	smul.u32 $0xC35, s5  }
0xd: {  	s23 =	sand.u32 $0x380, s21;
	s11 =	sshrl.u32 s10, $0x1;
	s5 =	sshrl.u32 s5, $0x3  }
0xe: {  	s10 =	ssub.s32 s10, s11;
	s13 =	smul.u32 $0x43400, s5;
	s12 =	sand.u32 $0x1FFF8, s1  }
.Ltmp0:
0xf: {  	s29 =	smax.u32 s10, $0x1;
	s22 =	smin.u32 s12, $0x17A60;
	(pc) =	sbr.rel .LBB2_1-.Ltmp0, $4  }
0x10: {  	s24 =	sadd.s32 $0xC35, s1;
	s12 =	sor.u32 s23, s13;
	s14 =	sshrl.u32 s22, $0x3  }
0x11: {  	v5 =	vlaneseq.u32;
	[dreg:$0xa] =	wrdreg s29;
	s26 =	sshrl.u32 s12, $0x3;
	s25 =	sadd.s32 s8, s14  }
0x12: {  	v3 =	vimm.f32 $0.0e+00;
	v4 =	vimm.s32 $0x0;
	v5 =	vmul.u32 $0x50, v5;
	s20 =	ssub.s32 s1, s22;
	s28 =	sadd.s32 s9, s26;
	[dreg:$0x8] =	wrdreg s25  }
0x13: {  	v0 =	vmov s1;
	s13 =	simm.s32 $0x19480;
	v1 =	vmov s24;
	s14 =	simm.s32 $0x3;
	v2 =	vmov s20;
	[dreg:$0x9] =	wrdreg s28  }
.LBB2_17:
0x14: {  	s1 =	rddreg [dreg:$0x9];
	s4 =	simm.s32 $0x80;
	s5 =	simm.s32 $0x400  }
0x15: {  	[hbm4b:s1+s4] =	stream.strided.scatter [tilespmem:s6], [sflag:$0x4], $0x8680, s5, s4, $0x38;
	[tilespmem:$0x1B500] =	vst v63  }
0x16: {  	_ =	swait.ge [sflag:s30], $0x8680  }
0x17: {  	s31 =	sadd.s32 $0x1, s31;
	s29 =	rddreg [dreg:$0xa]  }
0x18: {  	p0 =	sne.s32 s31, s29  }
.Ltmp1:
0x19: {  	_ = 	snop;
	(pc) =	sbr.rel @!p0 .LBB2_18-.Ltmp1, $3  }
0x1a: {  	_ =	sdelay $0x1  }
0x1b: {  	[sflag:s30] =	ssyncset.done $0x0  }
0x1c: {  	[sflag:s30] =	ssyncadd.s32 $0xFFFF7980  }
.LBB2_1:
0x1d: {  	s1 =	rddreg [dreg:$0x7];
	s4 =	simm.s32 $0x1A100  }
0x1e: {  	[tilespmem:s4], [sflag:$0x1] =	stream.linear.gather [hbm4b:s1+s6], $0xA00, $0x38;
	[tilespmem:$0x1B500] =	vst v63  }
0x1f: {  	s26 =	rddreg [dreg:$0x4];
	s28 =	simm.s32 $0x1AB00  }
0x20: {  	[tilespmem:s28], [sflag:$0x2] =	stream.linear.gather [hbm4b:s26+s6], $0xA00, $0x38;
	[tilespmem:$0x1B500] =	vst v63  }
0x21: {  	s29 =	rddreg [dreg:$0x8]  }
0x22: {  	[tilespmem:s13], [sflag:$0x3] =	stream.linear.gather [hbm4b:s29+s6], $0xC40, $0x38;
	[tilespmem:$0x1B500] =	vst v63  }
0x23: {  	_ =	swait.ge [sflag:s14], $0xC40  }
0x24: {  	[sflag:s14] =	ssyncset.done $0x0  }
0x25: {  	[sflag:s14] =	ssyncadd.s32 $0xFFFFF3C0  }
0x26: {  	_ =	swait.ge [sflag:s15], $0xA00  }
0x27: {  	[sflag:s15] =	ssyncset.done $0x0  }
0x28: {  	[sflag:s15] =	ssyncadd.s32 $0xFFFFF600  }
0x29: {  	_ =	swait.ge [sflag:s16], $0xA00  }
0x2a: {  	[sflag:s16] =	ssyncset.done $0x0  }
0x2b: {  	s5 =	simm.s32 $0x0;
	s1 =	simm.s32 $0x40;
	[sflag:s16] =	ssyncadd.s32 $0xFFFFF600  }
.LBB2_2:
0x2c: {  	p0 =	sne.s32 s1, $0x21900;
	[tilespmem:s5+$0x0] =	vst v3;
	s5 =	smov.u32 s1;
	s1 =	sadd.s32 $0x40, s1  }
.Ltmp2:
0x2d: {  	(pc) =	sbr.rel @p0 .LBB2_2-.Ltmp2, $2  }
0x2e: {  	_ =	sdelay $0x2  }
0x2f: {  	s5 =	sshra.s32 s5, $0x2  }
0x30: {  	[tilespmem:s5+$0x0] =	vst v3;
	s1 =	simm.s32 $0x0;
	s5 =	simm.s32 $0x40  }
.LBB2_4:
0x31: {  	p0 =	sne.s32 s5, $0x30C0;
	v6 =	vld [tilespmem:s1+$0x19480];
	_ =	sdelay $0x4  }
0x32: {  	(erf) = vrcp.f32 v6;
	_ =	sdelay $0x5  }
.Ltmp3:
0x33: {  	(pc) =	sbr.rel @p0 .LBB2_4-.Ltmp3, $3  }
0x34: {  	_ =	sdelay $0x1  }
0x35: {  	v6 =	vpop (erf)  }
0x36: {  	[tilespmem:s1+$0x19480] =	vst v6;
	s1 =	sshra.s32 s5, $0x2;
	s5 =	sadd.s32 $0x40, s5  }
0x37: {  	v6 =	vld [tilespmem:s1+$0x19480];
	_ =	sdelay $0x4  }
0x38: {  	(erf) = vrcp.f32 v6;
	_ =	sdelay $0x8  }
0x39: {  	v6 =	vpop (erf)  }
0x3a: {  	s5 =	simm.s32 $0x0;
	[tilespmem:s1+$0x19480] =	vst v6  }
0x3b: {  	v7 =	vld [tilespmem:s5+$0x1A100]  }
0x3c: {  	v8 =	vimm.s32 $0x0;
	v6 =	vimm.s32 $0x0;
	s1 =	simm.s32 $0x40;
	v9 =	vld [tilespmem:s5+$0x1AB00]  }
.LBB2_6:
0x3d: {  	_ = 	snop  }
0x3e: {  	p0 =	sne.s32 s1, $0x2700  }
.Ltmp4:
0x3f: {  	_ = 	snop;
	(pc) =	sbr.rel @p0 .LBB2_6-.Ltmp4, $4  }
0x40: {  	_ = 	snop  }
0x41: {  	s5 =	sshra.s32 s1, $0x2;
	vm0 =	vlt.s32 v7, v1;
	vm1 =	vlt.s32 v9, v0  }
0x42: {  	v7 =	vld [tilespmem:s5+$0x1A100];
	v10 =	vsel vm0, $0x1, v4;
	v11 =	vsel vm1, $0x1, v4  }
0x43: {  	s1 =	sadd.s32 $0x40, s1;
	v9 =	vld [tilespmem:s5+$0x1AB00];
	v6 =	vadd.s32 v10, v6;
	v8 =	vadd.s32 v11, v8  }
0x44: {  	_ =	sdelay $0x3  }
0x45: {  	vm0 =	vlt.s32 v9, v0  }
0x46: {  	v9 =	vsel vm0, $0x1, v4  }
0x47: {  	v8 =	vadd.s32 v9, v8  }
0x48: {  	(v2sf) =	vpush v8, $0x0  }
0x49: {  	(v2sf) =	vpush v8, $0x1  }
0x4a: {  	(v2sf) =	vpush v8, $0x2  }
0x4b: {  	(v2sf) =	vpush v8, $0x3  }
0x4c: {  	(v2sf) =	vpush v8, $0x4  }
0x4d: {  	(v2sf) =	vpush v8, $0x5  }
0x4e: {  	(v2sf) =	vpush v8, $0x6  }
0x4f: {  	(v2sf) =	vpush v8, $0x7  }
0x50: {  	(v2sf) =	vpush v8, $0x8  }
0x51: {  	(v2sf) =	vpush v8, $0x9  }
0x52: {  	(v2sf) =	vpush v8, $0xA  }
0x53: {  	(v2sf) =	vpush v8, $0xB  }
0x54: {  	(v2sf) =	vpush v8, $0xC  }
0x55: {  	vm15 =	vlt.s32 v7, v1;
	(v2sf) =	vpush v8, $0xD  }
0x56: {  	v7 =	vsel vm15, $0x1, v4;
	(v2sf) =	vpush v8, $0xE  }
0x57: {  	v6 =	vadd.s32 v7, v6;
	s1 =	spop (v2sf);
	(v2sf) =	vpush v8, $0xF  }
0x58: {  	s5 =	spop (v2sf);
	(v2sf) =	vpush v6, $0x0  }
0x59: {  	s20 =	spop (v2sf);
	(v2sf) =	vpush v6, $0x1  }
0x5a: {  	s21 =	spop (v2sf);
	(v2sf) =	vpush v6, $0x2  }
0x5b: {  	s22 =	spop (v2sf);
	(v2sf) =	vpush v6, $0x3  }
0x5c: {  	s23 =	spop (v2sf);
	(v2sf) =	vpush v6, $0x4  }
0x5d: {  	s24 =	spop (v2sf);
	(v2sf) =	vpush v6, $0x5  }
0x5e: {  	s25 =	spop (v2sf);
	(v2sf) =	vpush v6, $0x6  }
0x5f: {  	s26 =	spop (v2sf);
	(v2sf) =	vpush v6, $0x7  }
0x60: {  	s11 =	spop (v2sf);
	(v2sf) =	vpush v6, $0x8  }
0x61: {  	s12 =	spop (v2sf);
	(v2sf) =	vpush v6, $0x9  }
0x62: {  	s4 =	spop (v2sf);
	(v2sf) =	vpush v6, $0xA  }
0x63: {  	s28 =	spop (v2sf);
	(v2sf) =	vpush v6, $0xB  }
0x64: {  	s29 =	spop (v2sf);
	(v2sf) =	vpush v6, $0xC  }
0x65: {  	s7 =	spop (v2sf);
	(v2sf) =	vpush v6, $0xD  }
0x66: {  	s8 =	spop (v2sf);
	(v2sf) =	vpush v6, $0xE  }
0x67: {  	s9 =	spop (v2sf);
	(v2sf) =	vpush v6, $0xF  }
0x68: {  	s10 =	spop (v2sf)  }
0x69: {  	s1 =	sadd.s32 s5, s1;
	s9 =	sadd.s32 s10, s9;
	s10 =	spop (v2sf)  }
0x6a: {  	s1 =	sadd.s32 s20, s1;
	s5 =	sadd.s32 s10, s9;
	s20 =	spop (v2sf)  }
0x6b: {  	s1 =	sadd.s32 s21, s1;
	s5 =	sadd.s32 s20, s5;
	s21 =	spop (v2sf)  }
0x6c: {  	s1 =	sadd.s32 s22, s1;
	s5 =	sadd.s32 s21, s5;
	s22 =	spop (v2sf)  }
0x6d: {  	s1 =	sadd.s32 s23, s1;
	s5 =	sadd.s32 s22, s5;
	s23 =	spop (v2sf)  }
0x6e: {  	s1 =	sadd.s32 s24, s1;
	s5 =	sadd.s32 s23, s5;
	s10 =	spop (v2sf)  }
0x6f: {  	s1 =	sadd.s32 s25, s1;
	s5 =	sadd.s32 s10, s5;
	s20 =	spop (v2sf)  }
0x70: {  	s1 =	sadd.s32 s26, s1;
	s5 =	sadd.s32 s20, s5;
	s21 =	spop (v2sf)  }
0x71: {  	s1 =	sadd.s32 s11, s1;
	s5 =	sadd.s32 s21, s5;
	s22 =	spop (v2sf)  }
0x72: {  	s1 =	sadd.s32 s12, s1;
	s5 =	sadd.s32 s22, s5;
	s23 =	spop (v2sf)  }
0x73: {  	s1 =	sadd.s32 s4, s1;
	s24 =	sadd.s32 s23, s5;
	s25 =	spop (v2sf)  }
0x74: {  	s1 =	sadd.s32 s28, s1;
	s4 =	sadd.s32 s25, s24;
	s26 =	spop (v2sf)  }
0x75: {  	s1 =	sadd.s32 s29, s1;
	s4 =	sadd.s32 s26, s4;
	s28 =	spop (v2sf)  }
0x76: {  	s1 =	sadd.s32 s7, s1;
	s4 =	sadd.s32 s28, s4;
	s29 =	spop (v2sf)  }
0x77: {  	s20 =	sadd.s32 s8, s1;
	s5 =	sadd.s32 s29, s4  }
0x78: {  	p0 =	sle.s32 s5, s20  }
.Ltmp5:
0x79: {  	_ = 	snop;
	(pc) =	sbr.rel @p0 .LBB2_9-.Ltmp5, $1  }
0x7a: {  	_ =	sdelay $0x3  }
0x7b: {  	s1 =	smul.u32 $0x2800, s20;
	_ =	sdelay $0x1  }
0x7c: {  	s4 =	sshrl.u32 s1, $0x3  }
0x7d: {  	s25 =	sadd.s32 $0x186A000, s1;
	s4 =	sadd.s32 s0, s4  }
0x7e: {  	[tilespmem:s17], [sflag:$0x1] =	stream.linear.gather [hbm4b:s4+s6], $0x2800, $0x38;
	[tilespmem:$0x1B500] =	vst v63  }
0x7f: {  	s4 =	sshrl.u32 s25, $0x3  }
0x80: {  	s7 =	simm.s32 $0xAE80;
	s4 =	sadd.s32 s0, s4  }
0x81: {  	[tilespmem:s7], [sflag:$0x1] =	stream.linear.gather [hbm4b:s4+s6], $0x80, $0x38;
	[tilespmem:$0x1B500] =	vst v63  }
0x82: {  	s8 =	simm.s32 $0xB280;
	s26 =	sadd.s32 $0x80, s4  }
0x83: {  	[tilespmem:s8], [sflag:$0x1] =	stream.linear.gather [hbm4b:s26+s6], $0x80, $0x38;
	[tilespmem:$0x1B500] =	vst v63  }
0x84: {  	s29 =	simm.s32 $0xB680;
	s28 =	sadd.s32 $0x100, s4  }
0x85: {  	[tilespmem:s29], [sflag:$0x1] =	stream.linear.gather [hbm4b:s28+s6], $0x80, $0x38;
	[tilespmem:$0x1B500] =	vst v63  }
0x86: {  	s9 =	simm.s32 $0xBA80;
	s8 =	sadd.s32 $0x180, s4  }
0x87: {  	[tilespmem:s9], [sflag:$0x1] =	stream.linear.gather [hbm4b:s8+s6], $0x80, $0x38;
	[tilespmem:$0x1B500] =	vst v63  }
0x88: {  	s11 =	simm.s32 $0xBE80;
	s10 =	sadd.s32 $0x200, s4  }
0x89: {  	[tilespmem:s11], [sflag:$0x1] =	stream.linear.gather [hbm4b:s10+s6], $0x80, $0x38;
	[tilespmem:$0x1B500] =	vst v63  }
0x8a: {  	s21 =	simm.s32 $0xC280;
	s12 =	sadd.s32 $0x280, s4  }
0x8b: {  	[tilespmem:s21], [sflag:$0x1] =	stream.linear.gather [hbm4b:s12+s6], $0x80, $0x38;
	[tilespmem:$0x1B500] =	vst v63  }
0x8c: {  	s23 =	simm.s32 $0xC680;
	s22 =	sadd.s32 $0x300, s4  }
0x8d: {  	[tilespmem:s23], [sflag:$0x1] =	stream.linear.gather [hbm4b:s22+s6], $0x80, $0x38;
	[tilespmem:$0x1B500] =	vst v63  }
0x8e: {  	s25 =	simm.s32 $0xCA80;
	s24 =	sadd.s32 $0x380, s4  }
0x8f: {  	[tilespmem:s25], [sflag:$0x1] =	stream.linear.gather [hbm4b:s24+s6], $0x80, $0x38;
	[tilespmem:$0x1B500] =	vst v63  }
0x90: {  	s26 =	sadd.s32 $0x400, s4;
	s28 =	simm.s32 $0xCE80  }
0x91: {  	[tilespmem:s28], [sflag:$0x1] =	stream.linear.gather [hbm4b:s26+s6], $0x80, $0x38;
	[tilespmem:$0x1B500] =	vst v63  }
0x92: {  	s7 =	sadd.s32 $0x186A080, s1;
	s4 =	sadd.s32 $0x480, s4;
	s29 =	simm.s32 $0xD280  }
0x93: {  	[tilespmem:s29], [sflag:$0x1] =	stream.linear.gather [hbm4b:s4+s6], $0x80, $0x38;
	[tilespmem:$0x1B500] =	vst v63  }
0x94: {  	s4 =	sshrl.u32 s7, $0x3  }
0x95: {  	s8 =	simm.s32 $0xAF00;
	s4 =	sadd.s32 s0, s4  }
0x96: {  	[tilespmem:s8], [sflag:$0x1] =	stream.linear.gather [hbm4b:s4+s6], $0x80, $0x38;
	[tilespmem:$0x1B500] =	vst v63  }
0x97: {  	s10 =	simm.s32 $0xB300;
	s9 =	sadd.s32 $0x80, s4  }
0x98: {  	[tilespmem:s10], [sflag:$0x1] =	stream.linear.gather [hbm4b:s9+s6], $0x80, $0x38;
	[tilespmem:$0x1B500] =	vst v63  }
0x99: {  	s12 =	simm.s32 $0xB700;
	s11 =	sadd.s32 $0x100, s4  }
0x9a: {  	[tilespmem:s12], [sflag:$0x1] =	stream.linear.gather [hbm4b:s11+s6], $0x80, $0x38;
	[tilespmem:$0x1B500] =	vst v63  }
0x9b: {  	s22 =	simm.s32 $0xBB00;
	s21 =	sadd.s32 $0x180, s4  }
0x9c: {  	[tilespmem:s22], [sflag:$0x1] =	stream.linear.gather [hbm4b:s21+s6], $0x80, $0x38;
	[tilespmem:$0x1B500] =	vst v63  }
0x9d: {  	s24 =	simm.s32 $0xBF00;
	s23 =	sadd.s32 $0x200, s4  }
0x9e: {  	[tilespmem:s24], [sflag:$0x1] =	stream.linear.gather [hbm4b:s23+s6], $0x80, $0x38;
	[tilespmem:$0x1B500] =	vst v63  }
0x9f: {  	s26 =	simm.s32 $0xC300;
	s25 =	sadd.s32 $0x280, s4  }
0xa0: {  	[tilespmem:s26], [sflag:$0x1] =	stream.linear.gather [hbm4b:s25+s6], $0x80, $0x38;
	[tilespmem:$0x1B500] =	vst v63  }
0xa1: {  	s29 =	simm.s32 $0xC700;
	s28 =	sadd.s32 $0x300, s4  }
0xa2: {  	[tilespmem:s29], [sflag:$0x1] =	stream.linear.gather [hbm4b:s28+s6], $0x80, $0x38;
	[tilespmem:$0x1B500] =	vst v63  }
0xa3: {  	s9 =	sadd.s32 $0x380, s4;
	s10 =	simm.s32 $0xCB00  }
0xa4: {  	[tilespmem:s10], [sflag:$0x1] =	stream.linear.gather [hbm4b:s9+s6], $0x80, $0x38;
	[tilespmem:$0x1B500] =	vst v63  }
0xa5: {  	s1 =	sadd.s32 $0x186A100, s1;
	s11 =	sadd.s32 $0x400, s4;
	s12 =	simm.s32 $0xCF00  }
0xa6: {  	[tilespmem:s12], [sflag:$0x1] =	stream.linear.gather [hbm4b:s11+s6], $0x80, $0x38;
	[tilespmem:$0x1B500] =	vst v63  }
0xa7: {  	s1 =	sshrl.u32 s1, $0x3;
	s4 =	sadd.s32 $0x480, s4;
	s21 =	simm.s32 $0xD300  }
0xa8: {  	[tilespmem:s21], [sflag:$0x1] =	stream.linear.gather [hbm4b:s4+s6], $0x80, $0x38;
	[tilespmem:$0x1B500] =	vst v63  }
0xa9: {  	s1 =	sadd.s32 s0, s1;
	s22 =	simm.s32 $0xAF80  }
0xaa: {  	[tilespmem:s22], [sflag:$0x1] =	stream.linear.gather [hbm4b:s1+s6], $0x80, $0x38;
	[tilespmem:$0x1B500] =	vst v63  }
0xab: {  	s23 =	sadd.s32 $0x80, s1;
	s24 =	simm.s32 $0xB380  }
0xac: {  	[tilespmem:s24], [sflag:$0x1] =	stream.linear.gather [hbm4b:s23+s6], $0x80, $0x38;
	[tilespmem:$0x1B500] =	vst v63  }
0xad: {  	s25 =	sadd.s32 $0x100, s1;
	s26 =	simm.s32 $0xB780  }
0xae: {  	[tilespmem:s26], [sflag:$0x1] =	stream.linear.gather [hbm4b:s25+s6], $0x80, $0x38;
	[tilespmem:$0x1B500] =	vst v63  }
0xaf: {  	s28 =	sadd.s32 $0x180, s1;
	s29 =	simm.s32 $0xBB80  }
0xb0: {  	[tilespmem:s29], [sflag:$0x1] =	stream.linear.gather [hbm4b:s28+s6], $0x80, $0x38;
	[tilespmem:$0x1B500] =	vst v63  }
0xb1: {  	s8 =	sadd.s32 $0x200, s1;
	s9 =	simm.s32 $0xBF80  }
0xb2: {  	[tilespmem:s9], [sflag:$0x1] =	stream.linear.gather [hbm4b:s8+s6], $0x80, $0x38;
	[tilespmem:$0x1B500] =	vst v63  }
0xb3: {  	s10 =	sadd.s32 $0x280, s1;
	s11 =	simm.s32 $0xC380  }
0xb4: {  	[tilespmem:s11], [sflag:$0x1] =	stream.linear.gather [hbm4b:s10+s6], $0x80, $0x38;
	[tilespmem:$0x1B500] =	vst v63  }
0xb5: {  	s12 =	sadd.s32 $0x300, s1;
	s21 =	simm.s32 $0xC780  }
0xb6: {  	[tilespmem:s21], [sflag:$0x1] =	stream.linear.gather [hbm4b:s12+s6], $0x80, $0x38;
	[tilespmem:$0x1B500] =	vst v63  }
0xb7: {  	s22 =	sadd.s32 $0x380, s1;
	s23 =	simm.s32 $0xCB80  }
0xb8: {  	[tilespmem:s23], [sflag:$0x1] =	stream.linear.gather [hbm4b:s22+s6], $0x80, $0x38;
	[tilespmem:$0x1B500] =	vst v63  }
0xb9: {  	s24 =	sadd.s32 $0x400, s1;
	s25 =	simm.s32 $0xCF80;
	s26 =	smul.u32 $0x500, s20  }
0xba: {  	[tilespmem:s25], [sflag:$0x1] =	stream.linear.gather [hbm4b:s24+s6], $0x80, $0x38;
	[tilespmem:$0x1B500] =	vst v63  }
0xbb: {  	s1 =	sadd.s32 $0x480, s1;
	s28 =	simm.s32 $0xD380;
	s29 =	sshrl.u32 s26, $0x3  }
0xbc: {  	[tilespmem:s28], [sflag:$0x1] =	stream.linear.gather [hbm4b:s1+s6], $0x80, $0x38;
	[tilespmem:$0x1B500] =	vst v63  }
0xbd: {  	s4 =	sadd.s32 s2, s29  }
0xbe: {  	[tilespmem:s18], [sflag:$0x2] =	stream.linear.gather [hbm4b:s4+s6], $0x500, $0x38;
	[tilespmem:$0x1B500] =	vst v63  }
0xbf: {  	s1 =	sadd.s32 s3, s29  }
0xc0: {  	[tilespmem:s19], [sflag:$0x3] =	stream.linear.gather [hbm4b:s1+s6], $0x500, $0x38;
	[tilespmem:$0x1B500] =	vst v63  }
.LBB2_9:
0xc1: {  	s1 =	sadd.s32 $0x1, s20  }
0xc2: {  	p1 =	sle.s32 s5, s1  }
.Ltmp6:
0xc3: {  	_ = 	snop;
	(pc) =	sbr.rel @p1 .LBB2_11-.Ltmp6, $1  }
0xc4: {  	_ =	sdelay $0x3  }
0xc5: {  	s4 =	smul.u32 $0x2800, s1;
	_ =	sdelay $0x1  }
0xc6: {  	s7 =	sshrl.u32 s4, $0x3  }
0xc7: {  	s8 =	simm.s32 $0xD680;
	s10 =	sadd.s32 $0x186A000, s4;
	s7 =	sadd.s32 s0, s7  }
0xc8: {  	[tilespmem:s8], [sflag:$0x1] =	stream.linear.gather [hbm4b:s7+s6], $0x2800, $0x38;
	[tilespmem:$0x1B500] =	vst v63  }
0xc9: {  	s7 =	sshrl.u32 s10, $0x3  }
0xca: {  	s11 =	simm.s32 $0xFE80;
	s7 =	sadd.s32 s0, s7  }
0xcb: {  	[tilespmem:s11], [sflag:$0x1] =	stream.linear.gather [hbm4b:s7+s6], $0x80, $0x38;
	[tilespmem:$0x1B500] =	vst v63  }
0xcc: {  	s9 =	simm.s32 $0x10280;
	s12 =	sadd.s32 $0x80, s7  }
0xcd: {  	[tilespmem:s9], [sflag:$0x1] =	stream.linear.gather [hbm4b:s12+s6], $0x80, $0x38;
	[tilespmem:$0x1B500] =	vst v63  }
0xce: {  	s22 =	simm.s32 $0x10680;
	s21 =	sadd.s32 $0x100, s7  }
0xcf: {  	[tilespmem:s22], [sflag:$0x1] =	stream.linear.gather [hbm4b:s21+s6], $0x80, $0x38;
	[tilespmem:$0x1B500] =	vst v63  }
0xd0: {  	s24 =	simm.s32 $0x10A80;
	s23 =	sadd.s32 $0x180, s7  }
0xd1: {  	[tilespmem:s24], [sflag:$0x1] =	stream.linear.gather [hbm4b:s23+s6], $0x80, $0x38;
	[tilespmem:$0x1B500] =	vst v63  }
0xd2: {  	s26 =	simm.s32 $0x10E80;
	s25 =	sadd.s32 $0x200, s7  }
0xd3: {  	[tilespmem:s26], [sflag:$0x1] =	stream.linear.gather [hbm4b:s25+s6], $0x80, $0x38;
	[tilespmem:$0x1B500] =	vst v63  }
0xd4: {  	s29 =	simm.s32 $0x11280;
	s28 =	sadd.s32 $0x280, s7  }
0xd5: {  	[tilespmem:s29], [sflag:$0x1] =	stream.linear.gather [hbm4b:s28+s6], $0x80, $0x38;
	[tilespmem:$0x1B500] =	vst v63  }
0xd6: {  	s10 =	sadd.s32 $0x300, s7;
	s11 =	simm.s32 $0x11680  }
0xd7: {  	[tilespmem:s11], [sflag:$0x1] =	stream.linear.gather [hbm4b:s10+s6], $0x80, $0x38;
	[tilespmem:$0x1B500] =	vst v63  }
0xd8: {  	s12 =	sadd.s32 $0x380, s7;
	s21 =	simm.s32 $0x11A80  }
0xd9: {  	[tilespmem:s21], [sflag:$0x1] =	stream.linear.gather [hbm4b:s12+s6], $0x80, $0x38;
	[tilespmem:$0x1B500] =	vst v63  }
0xda: {  	s22 =	sadd.s32 $0x400, s7;
	s23 =	simm.s32 $0x11E80  }
0xdb: {  	[tilespmem:s23], [sflag:$0x1] =	stream.linear.gather [hbm4b:s22+s6], $0x80, $0x38;
	[tilespmem:$0x1B500] =	vst v63  }
0xdc: {  	s7 =	sadd.s32 $0x480, s7;
	s24 =	simm.s32 $0x12280;
	s25 =	sadd.s32 $0x186A080, s4  }
0xdd: {  	[tilespmem:s24], [sflag:$0x1] =	stream.linear.gather [hbm4b:s7+s6], $0x80, $0x38;
	[tilespmem:$0x1B500] =	vst v63  }
0xde: {  	s7 =	sshrl.u32 s25, $0x3  }
0xdf: {  	s26 =	simm.s32 $0xFF00;
	s7 =	sadd.s32 s0, s7  }
0xe0: {  	[tilespmem:s26], [sflag:$0x1] =	stream.linear.gather [hbm4b:s7+s6], $0x80, $0x38;
	[tilespmem:$0x1B500] =	vst v63  }
0xe1: {  	s29 =	simm.s32 $0x10300;
	s28 =	sadd.s32 $0x80, s7  }
0xe2: {  	[tilespmem:s29], [sflag:$0x1] =	stream.linear.gather [hbm4b:s28+s6], $0x80, $0x38;
	[tilespmem:$0x1B500] =	vst v63  }
0xe3: {  	s10 =	simm.s32 $0x10700;
	s9 =	sadd.s32 $0x100, s7  }
0xe4: {  	[tilespmem:s10], [sflag:$0x1] =	stream.linear.gather [hbm4b:s9+s6], $0x80, $0x38;
	[tilespmem:$0x1B500] =	vst v63  }
0xe5: {  	s12 =	simm.s32 $0x10B00;
	s11 =	sadd.s32 $0x180, s7  }
0xe6: {  	[tilespmem:s12], [sflag:$0x1] =	stream.linear.gather [hbm4b:s11+s6], $0x80, $0x38;
	[tilespmem:$0x1B500] =	vst v63  }
0xe7: {  	s22 =	simm.s32 $0x10F00;
	s21 =	sadd.s32 $0x200, s7  }
0xe8: {  	[tilespmem:s22], [sflag:$0x1] =	stream.linear.gather [hbm4b:s21+s6], $0x80, $0x38;
	[tilespmem:$0x1B500] =	vst v63  }
0xe9: {  	s24 =	simm.s32 $0x11300;
	s23 =	sadd.s32 $0x280, s7  }
0xea: {  	[tilespmem:s24], [sflag:$0x1] =	stream.linear.gather [hbm4b:s23+s6], $0x80, $0x38;
	[tilespmem:$0x1B500] =	vst v63  }
0xeb: {  	s25 =	sadd.s32 $0x300, s7;
	s26 =	simm.s32 $0x11700  }
0xec: {  	[tilespmem:s26], [sflag:$0x1] =	stream.linear.gather [hbm4b:s25+s6], $0x80, $0x38;
	[tilespmem:$0x1B500] =	vst v63  }
0xed: {  	s28 =	sadd.s32 $0x380, s7;
	s29 =	simm.s32 $0x11B00  }
0xee: {  	[tilespmem:s29], [sflag:$0x1] =	stream.linear.gather [hbm4b:s28+s6], $0x80, $0x38;
	[tilespmem:$0x1B500] =	vst v63  }
0xef: {  	s4 =	sadd.s32 $0x186A100, s4;
	s9 =	sadd.s32 $0x400, s7;
	s10 =	simm.s32 $0x11F00  }
0xf0: {  	[tilespmem:s10], [sflag:$0x1] =	stream.linear.gather [hbm4b:s9+s6], $0x80, $0x38;
	[tilespmem:$0x1B500] =	vst v63  }
0xf1: {  	s4 =	sshrl.u32 s4, $0x3;
	s7 =	sadd.s32 $0x480, s7;
	s11 =	simm.s32 $0x12300  }
0xf2: {  	[tilespmem:s11], [sflag:$0x1] =	stream.linear.gather [hbm4b:s7+s6], $0x80, $0x38;
	[tilespmem:$0x1B500] =	vst v63  }
0xf3: {  	s4 =	sadd.s32 s0, s4;
	s12 =	simm.s32 $0xFF80  }
0xf4: {  	[tilespmem:s12], [sflag:$0x1] =	stream.linear.gather [hbm4b:s4+s6], $0x80, $0x38;
	[tilespmem:$0x1B500] =	vst v63  }
0xf5: {  	s21 =	sadd.s32 $0x80, s4;
	s22 =	simm.s32 $0x10380  }
0xf6: {  	[tilespmem:s22], [sflag:$0x1] =	stream.linear.gather [hbm4b:s21+s6], $0x80, $0x38;
	[tilespmem:$0x1B500] =	vst v63  }
0xf7: {  	s23 =	sadd.s32 $0x100, s4;
	s24 =	simm.s32 $0x10780  }
0xf8: {  	[tilespmem:s24], [sflag:$0x1] =	stream.linear.gather [hbm4b:s23+s6], $0x80, $0x38;
	[tilespmem:$0x1B500] =	vst v63  }
0xf9: {  	s25 =	sadd.s32 $0x180, s4;
	s26 =	simm.s32 $0x10B80  }
0xfa: {  	[tilespmem:s26], [sflag:$0x1] =	stream.linear.gather [hbm4b:s25+s6], $0x80, $0x38;
	[tilespmem:$0x1B500] =	vst v63  }
0xfb: {  	s28 =	sadd.s32 $0x200, s4;
	s29 =	simm.s32 $0x10F80  }
0xfc: {  	[tilespmem:s29], [sflag:$0x1] =	stream.linear.gather [hbm4b:s28+s6], $0x80, $0x38;
	[tilespmem:$0x1B500] =	vst v63  }
0xfd: {  	s8 =	sadd.s32 $0x280, s4;
	s9 =	simm.s32 $0x11380  }
0xfe: {  	[tilespmem:s9], [sflag:$0x1] =	stream.linear.gather [hbm4b:s8+s6], $0x80, $0x38;
	[tilespmem:$0x1B500] =	vst v63  }
0xff: {  	s10 =	sadd.s32 $0x300, s4;
	s11 =	simm.s32 $0x11780  }
0x100: {  	[tilespmem:s11], [sflag:$0x1] =	stream.linear.gather [hbm4b:s10+s6], $0x80, $0x38;
	[tilespmem:$0x1B500] =	vst v63  }
0x101: {  	s12 =	sadd.s32 $0x380, s4;
	s21 =	simm.s32 $0x11B80  }
0x102: {  	[tilespmem:s21], [sflag:$0x1] =	stream.linear.gather [hbm4b:s12+s6], $0x80, $0x38;
	[tilespmem:$0x1B500] =	vst v63  }
0x103: {  	s22 =	sadd.s32 $0x400, s4;
	s23 =	simm.s32 $0x11F80;
	s24 =	smul.u32 $0x500, s1  }
0x104: {  	[tilespmem:s23], [sflag:$0x1] =	stream.linear.gather [hbm4b:s22+s6], $0x80, $0x38;
	[tilespmem:$0x1B500] =	vst v63  }
0x105: {  	s4 =	sadd.s32 $0x480, s4;
	s25 =	simm.s32 $0x12380;
	s1 =	sshrl.u32 s24, $0x3  }
0x106: {  	[tilespmem:s25], [sflag:$0x1] =	stream.linear.gather [hbm4b:s4+s6], $0x80, $0x38;
	[tilespmem:$0x1B500] =	vst v63  }
0x107: {  	s26 =	sadd.s32 s2, s1;
	s28 =	simm.s32 $0x17B80  }
0x108: {  	[tilespmem:s28], [sflag:$0x2] =	stream.linear.gather [hbm4b:s26+s6], $0x500, $0x38;
	[tilespmem:$0x1B500] =	vst v63  }
0x109: {  	s1 =	sadd.s32 s3, s1;
	s29 =	simm.s32 $0x18A80  }
0x10a: {  	[tilespmem:s29], [sflag:$0x3] =	stream.linear.gather [hbm4b:s1+s6], $0x500, $0x38;
	[tilespmem:$0x1B500] =	vst v63  }
.LBB2_11:
.Ltmp7:
0x10b: {  	(pc) =	sbr.rel @p0 .LBB2_17-.Ltmp7, $2  }
0x10c: {  	_ =	sdelay $0x2  }
0x10d: {  	s1 =	smov.u32 s20  }
.LBB2_12:
0x10e: {  	_ =	swait.ge [sflag:s16], $0x2800  }
0x10f: {  	[sflag:s16] =	ssyncset.done $0x0  }
0x110: {  	[sflag:s16] =	ssyncadd.s32 $0xFFFFD800  }
0x111: {  	_ =	swait.ge [sflag:s16], $0x500  }
0x112: {  	[sflag:s16] =	ssyncset.done $0x0  }
0x113: {  	[sflag:s16] =	ssyncadd.s32 $0xFFFFFB00  }
0x114: {  	_ =	swait.ge [sflag:s16], $0x500  }
0x115: {  	[sflag:s16] =	ssyncset.done $0x0  }
0x116: {  	s4 =	ssub.s32 s1, s20;
	[sflag:s16] =	ssyncadd.s32 $0xFFFFFB00  }
0x117: {  	s7 =	smulhi.u32 $0x55555556, s4;
	s8 =	sshra.s32 s4, $0x1F;
	_ =	swait.ge [sflag:s16], $0x500  }
0x118: {  	s8 =	smul.u32 $0x55555556, s8;
	[sflag:s16] =	ssyncset.done $0x0  }
0x119: {  	s22 =	sadd.s32 $0x2, s1;
	[sflag:s16] =	ssyncadd.s32 $0xFFFFFB00  }
0x11a: {  	p0 =	sge.s32 s22, s5;
	s7 =	sadd.s32 s8, s7;
	_ =	swait.ge [sflag:s15], $0x500  }
.Ltmp8:
0x11b: {  	s8 =	sshrl.u32 s7, $0x1F;
	[sflag:s15] =	ssyncset.done $0x0;
	(pc) =	sbr.rel @p0 .LBB2_14-.Ltmp8, $4  }
0x11c: {  	s7 =	sadd.s32 s8, s7;
	[sflag:s15] =	ssyncadd.s32 $0xFFFFFB00  }
0x11d: {  	s7 =	smul.u32 $0x3, s7;
	_ =	swait.ge [sflag:s14], $0x500  }
0x11e: {  	[sflag:s14] =	ssyncset.done $0x0  }
0x11f: {  	s21 =	ssub.s32 s4, s7;
	[sflag:s14] =	ssyncadd.s32 $0xFFFFFB00  }
0x120: {  	p0 =	slt.s32 s21, $0x1;
	s4 =	simm.s32 $0x2  }
0x121: {  	s4 =	simm.s32 @!p0 $0xFFFFFFFF  }
0x122: {  	s25 =	smul.u32 $0x2800, s22;
	s23 =	sadd.s32 s21, s4  }
0x123: {  	s4 =	smul.u32 $0x14000, s23;
	_ =	sdelay $0x1  }
0x124: {  	s7 =	sshrl.u32 s25, $0x3;
	s26 =	sadd.s32 $0x186A000, s25;
	s24 =	sshra.s32 s4, $0x2  }
0x125: {  	s11 =	sadd.s32 s0, s7;
	s4 =	sshrl.u32 s26, $0x3;
	s12 =	sadd.s32 $0x8680, s24  }
0x126: {  	[tilespmem:s12], [sflag:$0x1] =	stream.linear.gather [hbm4b:s11+s6], $0x2800, $0x38;
	[tilespmem:$0x1B500] =	vst v63  }
0x127: {  	s4 =	sadd.s32 s0, s4;
	s28 =	sadd.s32 $0xAE80, s24  }
0x128: {  	[tilespmem:s28], [sflag:$0x1] =	stream.linear.gather [hbm4b:s4+s6], $0x80, $0x38;
	[tilespmem:$0x1B500] =	vst v63  }
0x129: {  	s8 =	sadd.s32 $0xB280, s24;
	s29 =	sadd.s32 $0x80, s4  }
0x12a: {  	[tilespmem:s8], [sflag:$0x1] =	stream.linear.gather [hbm4b:s29+s6], $0x80, $0x38;
	[tilespmem:$0x1B500] =	vst v63  }
0x12b: {  	s9 =	sadd.s32 $0xB680, s24;
	s8 =	sadd.s32 $0x100, s4  }
0x12c: {  	[tilespmem:s9], [sflag:$0x1] =	stream.linear.gather [hbm4b:s8+s6], $0x80, $0x38;
	[tilespmem:$0x1B500] =	vst v63  }
0x12d: {  	s10 =	sadd.s32 $0x180, s4;
	s11 =	sadd.s32 $0xBA80, s24  }
0x12e: {  	[tilespmem:s11], [sflag:$0x1] =	stream.linear.gather [hbm4b:s10+s6], $0x80, $0x38;
	[tilespmem:$0x1B500] =	vst v63  }
0x12f: {  	s26 =	sadd.s32 $0xBE80, s24;
	s12 =	sadd.s32 $0x200, s4  }
0x130: {  	[tilespmem:s26], [sflag:$0x1] =	stream.linear.gather [hbm4b:s12+s6], $0x80, $0x38;
	[tilespmem:$0x1B500] =	vst v63  }
0x131: {  	s28 =	sadd.s32 $0x280, s4;
	s29 =	sadd.s32 $0xC280, s24  }
0x132: {  	[tilespmem:s29], [sflag:$0x1] =	stream.linear.gather [hbm4b:s28+s6], $0x80, $0x38;
	[tilespmem:$0x1B500] =	vst v63  }
0x133: {  	s9 =	sadd.s32 $0x300, s4;
	s10 =	sadd.s32 $0xC680, s24  }
0x134: {  	[tilespmem:s10], [sflag:$0x1] =	stream.linear.gather [hbm4b:s9+s6], $0x80, $0x38;
	[tilespmem:$0x1B500] =	vst v63  }
0x135: {  	s11 =	sadd.s32 $0x380, s4;
	s12 =	sadd.s32 $0xCA80, s24  }
0x136: {  	[tilespmem:s12], [sflag:$0x1] =	stream.linear.gather [hbm4b:s11+s6], $0x80, $0x38;
	[tilespmem:$0x1B500] =	vst v63  }
0x137: {  	s26 =	sadd.s32 $0x400, s4;
	s28 =	sadd.s32 $0xCE80, s24  }
0x138: {  	[tilespmem:s28], [sflag:$0x1] =	stream.linear.gather [hbm4b:s26+s6], $0x80, $0x38;
	[tilespmem:$0x1B500] =	vst v63  }
0x139: {  	s8 =	sadd.s32 $0x186A080, s25;
	s4 =	sadd.s32 $0x480, s4;
	s29 =	sadd.s32 $0xD280, s24  }
0x13a: {  	[tilespmem:s29], [sflag:$0x1] =	stream.linear.gather [hbm4b:s4+s6], $0x80, $0x38;
	[tilespmem:$0x1B500] =	vst v63  }
0x13b: {  	s4 =	sshrl.u32 s8, $0x3  }
0x13c: {  	s9 =	sadd.s32 $0xAF00, s24;
	s4 =	sadd.s32 s0, s4  }
0x13d: {  	[tilespmem:s9], [sflag:$0x1] =	stream.linear.gather [hbm4b:s4+s6], $0x80, $0x38;
	[tilespmem:$0x1B500] =	vst v63  }
0x13e: {  	s11 =	sadd.s32 $0xB300, s24;
	s10 =	sadd.s32 $0x80, s4  }
0x13f: {  	[tilespmem:s11], [sflag:$0x1] =	stream.linear.gather [hbm4b:s10+s6], $0x80, $0x38;
	[tilespmem:$0x1B500] =	vst v63  }
0x140: {  	s26 =	sadd.s32 $0xB700, s24;
	s12 =	sadd.s32 $0x100, s4  }
0x141: {  	[tilespmem:s26], [sflag:$0x1] =	stream.linear.gather [hbm4b:s12+s6], $0x80, $0x38;
	[tilespmem:$0x1B500] =	vst v63  }
0x142: {  	s29 =	sadd.s32 $0xBB00, s24;
	s28 =	sadd.s32 $0x180, s4  }
0x143: {  	[tilespmem:s29], [sflag:$0x1] =	stream.linear.gather [hbm4b:s28+s6], $0x80, $0x38;
	[tilespmem:$0x1B500] =	vst v63  }
0x144: {  	s8 =	sadd.s32 $0x200, s4;
	s9 =	sadd.s32 $0xBF00, s24  }
0x145: {  	[tilespmem:s9], [sflag:$0x1] =	stream.linear.gather [hbm4b:s8+s6], $0x80, $0x38;
	[tilespmem:$0x1B500] =	vst v63  }
0x146: {  	s10 =	sadd.s32 $0x280, s4;
	s11 =	sadd.s32 $0xC300, s24  }
0x147: {  	[tilespmem:s11], [sflag:$0x1] =	stream.linear.gather [hbm4b:s10+s6], $0x80, $0x38;
	[tilespmem:$0x1B500] =	vst v63  }
0x148: {  	s12 =	sadd.s32 $0x300, s4;
	s26 =	sadd.s32 $0xC700, s24  }
0x149: {  	[tilespmem:s26], [sflag:$0x1] =	stream.linear.gather [hbm4b:s12+s6], $0x80, $0x38;
	[tilespmem:$0x1B500] =	vst v63  }
0x14a: {  	s28 =	sadd.s32 $0x380, s4;
	s29 =	sadd.s32 $0xCB00, s24  }
0x14b: {  	[tilespmem:s29], [sflag:$0x1] =	stream.linear.gather [hbm4b:s28+s6], $0x80, $0x38;
	[tilespmem:$0x1B500] =	vst v63  }
0x14c: {  	s8 =	sadd.s32 $0x400, s4;
	s9 =	sadd.s32 $0xCF00, s24  }
0x14d: {  	[tilespmem:s9], [sflag:$0x1] =	stream.linear.gather [hbm4b:s8+s6], $0x80, $0x38;
	[tilespmem:$0x1B500] =	vst v63  }
0x14e: {  	s4 =	sadd.s32 $0x480, s4;
	s10 =	sadd.s32 $0xD300, s24;
	s11 =	sadd.s32 $0x186A100, s25  }
0x14f: {  	[tilespmem:s10], [sflag:$0x1] =	stream.linear.gather [hbm4b:s4+s6], $0x80, $0x38;
	[tilespmem:$0x1B500] =	vst v63  }
0x150: {  	s4 =	sshrl.u32 s11, $0x3  }
0x151: {  	s12 =	sadd.s32 $0xAF80, s24;
	s4 =	sadd.s32 s0, s4  }
0x152: {  	[tilespmem:s12], [sflag:$0x1] =	stream.linear.gather [hbm4b:s4+s6], $0x80, $0x38;
	[tilespmem:$0x1B500] =	vst v63  }
0x153: {  	s26 =	sadd.s32 $0xB380, s24;
	s25 =	sadd.s32 $0x80, s4  }
0x154: {  	[tilespmem:s26], [sflag:$0x1] =	stream.linear.gather [hbm4b:s25+s6], $0x80, $0x38;
	[tilespmem:$0x1B500] =	vst v63  }
0x155: {  	s29 =	sadd.s32 $0xB780, s24;
	s28 =	sadd.s32 $0x100, s4  }
0x156: {  	[tilespmem:s29], [sflag:$0x1] =	stream.linear.gather [hbm4b:s28+s6], $0x80, $0x38;
	[tilespmem:$0x1B500] =	vst v63  }
0x157: {  	s10 =	sadd.s32 $0xBB80, s24;
	s9 =	sadd.s32 $0x180, s4  }
0x158: {  	[tilespmem:s10], [sflag:$0x1] =	stream.linear.gather [hbm4b:s9+s6], $0x80, $0x38;
	[tilespmem:$0x1B500] =	vst v63  }
0x159: {  	s11 =	sadd.s32 $0x200, s4;
	s12 =	sadd.s32 $0xBF80, s24  }
0x15a: {  	[tilespmem:s12], [sflag:$0x1] =	stream.linear.gather [hbm4b:s11+s6], $0x80, $0x38;
	[tilespmem:$0x1B500] =	vst v63  }
0x15b: {  	s25 =	sadd.s32 $0x280, s4;
	s26 =	sadd.s32 $0xC380, s24  }
0x15c: {  	[tilespmem:s26], [sflag:$0x1] =	stream.linear.gather [hbm4b:s25+s6], $0x80, $0x38;
	[tilespmem:$0x1B500] =	vst v63  }
0x15d: {  	s28 =	sadd.s32 $0x300, s4;
	s29 =	sadd.s32 $0xC780, s24  }
0x15e: {  	[tilespmem:s29], [sflag:$0x1] =	stream.linear.gather [hbm4b:s28+s6], $0x80, $0x38;
	[tilespmem:$0x1B500] =	vst v63  }
0x15f: {  	s9 =	sadd.s32 $0x380, s4;
	s10 =	sadd.s32 $0xCB80, s24  }
0x160: {  	[tilespmem:s10], [sflag:$0x1] =	stream.linear.gather [hbm4b:s9+s6], $0x80, $0x38;
	[tilespmem:$0x1B500] =	vst v63  }
0x161: {  	s11 =	sadd.s32 $0x400, s4;
	s12 =	sadd.s32 $0xCF80, s24;
	s26 =	smul.u32 $0x500, s22  }
0x162: {  	[tilespmem:s12], [sflag:$0x1] =	stream.linear.gather [hbm4b:s11+s6], $0x80, $0x38;
	[tilespmem:$0x1B500] =	vst v63  }
0x163: {  	s4 =	sadd.s32 $0x480, s4;
	s25 =	sadd.s32 $0xD380, s24;
	s28 =	smul.u32 $0x500, s23  }
0x164: {  	[tilespmem:s25], [sflag:$0x1] =	stream.linear.gather [hbm4b:s4+s6], $0x80, $0x38;
	[tilespmem:$0x1B500] =	vst v63  }
0x165: {  	s4 =	sshrl.u32 s26, $0x3  }
0x166: {  	s29 =	sadd.s32 $0x17680, s28;
	s9 =	sadd.s32 s2, s4  }
0x167: {  	[tilespmem:s29], [sflag:$0x2] =	stream.linear.gather [hbm4b:s9+s6], $0x500, $0x38;
	[tilespmem:$0x1B500] =	vst v63  }
0x168: {  	s7 =	sadd.s32 $0x18580, s28;
	s4 =	sadd.s32 s3, s4  }
0x169: {  	[tilespmem:s7], [sflag:$0x3] =	stream.linear.gather [hbm4b:s4+s6], $0x500, $0x38;
	[tilespmem:$0x1B500] =	vst v63  }
.LBB2_14:
0x16a: {  	s4 =	sshll.u32 s21, $0x4  }
0x16b: {  	v6 =	vmov s4  }
0x16c: {  	v6 =	vshrl.u32 v6, $0x3  }
0x16d: {  	s7 =	sor.u32 $0x8, s4;
	v12 =	vmul.u32 $0x2800, v6  }
0x16e: {  	s8 =	sor.u32 $0x9, s4;
	s4 =	sor.u32 $0xA, s4;
	v13 =	vmov s7  }
0x16f: {  	v14 =	vmov s8;
	v15 =	vmov s4;
	v7 =	vor.u32 $0x80, v12  }
0x170: {  	v6 =	vbroadcast v12, $0x0;
	v8 =	vor.u32 $0x100, v12;
	v9 =	vor.u32 $0x180, v12  }
0x171: {  	v10 =	vor.u32 $0x200, v12;
	v11 =	vor.u32 $0x280, v12;
	v16 =	vor.u32 $0x300, v12  }
0x172: {  	v17 =	vor.u32 $0x380, v12;
	v12 =	vshrl.u32 v13, $0x3;
	v7 =	vbroadcast v7, $0x0  }
0x173: {  	v13 =	vshrl.u32 v14, $0x3;
	v8 =	vbroadcast v8, $0x0;
	v9 =	vbroadcast v9, $0x0  }
0x174: {  	v14 =	vshrl.u32 v15, $0x3;
	v10 =	vbroadcast v10, $0x0;
	v11 =	vbroadcast v11, $0x0  }
0x175: {  	v15 =	vmul.u32 $0x2800, v12;
	v18 =	vmul.u32 $0x2800, v13;
	v19 =	vmul.u32 $0x2800, v14  }
0x176: {  	v12 =	vbroadcast v16, $0x0;
	v13 =	vbroadcast v17, $0x0  }
0x177: {  	s21 =	smul.u32 $0x500, s21;
	v14 =	vbroadcast v15, $0x0;
	v15 =	vor.u32 $0x80, v18;
	v16 =	vor.u32 $0x100, v19  }
0x178: {  	s22 =	simm.s32 $0x0;
	v15 =	vbroadcast v15, $0x0;
	v16 =	vbroadcast v16, $0x0  }
.LBB2_15:
0x179: {  	s23 =	sadd.s32 s22, s21  }
0x17a: {  	v17 =	vadd.s32 s23, v5;
	_ =	sdelay $0x4  }
0x17b: {  	v18 =	vld.idx.msk [tilespmem:v17+s18+$0x0], $0xffff  }
0x17c: {  	v19 =	vadd.s32 s22, v5  }
0x17d: {  	v20 =	vshll.u32 v19, $0x3  }
0x17e: {  	v20 =	vand.u32 $0x7C00, v20  }
0x17f: {  	v19 =	vand.u32 $0x7F, v19;
	v22 =	vadd.s32 v6, v20  }
0x180: {  	v23 =	vadd.s32 v7, v20;
	v22 =	vor.u32 v19, v22;
	v18 =	vsub.s32 v18, v0  }
0x181: {  	v24 =	vadd.s32 v8, v20;
	v23 =	vor.u32 v19, v23;
	vm0 =	vlt.u32 v18, $0xC35  }
0x182: {  	v24 =	vor.u32 v19, v24;
	v18 =	vnsel vm0, $0x0, v18  }
0x183: {  	v25 =	vadd.s32 v9, v20;
	v21 =	vadd.s32 v2, v18  }
0x184: {  	v26 =	vadd.s32 v10, v20;
	v25 =	vor.u32 v19, v25;
	v17 =	vld.idx.msk [tilespmem:v17+s19+$0x0], $0xffff  }
0x185: {  	v27 =	vadd.s32 v11, v20;
	v26 =	vor.u32 v19, v26;
	v22 =	vld.idx.msk [tilespmem:v22+s17+$0x0], $0xffff  }
0x186: {  	v28 =	vadd.s32 v12, v20;
	v27 =	vor.u32 v19, v27;
	v23 =	vld.idx.msk [tilespmem:v23+s17+$0x0], $0xffff  }
0x187: {  	v29 =	vadd.s32 v13, v20;
	v28 =	vor.u32 v19, v28;
	v24 =	vld.idx.msk [tilespmem:v24+s17+$0x0], $0xffff  }
0x188: {  	v30 =	vadd.s32 v14, v20;
	v29 =	vor.u32 v19, v29;
	v21 =	vld.idx.msk [tilespmem:v21+s13+$0x0], $0xffff  }
0x189: {  	v31 =	vadd.s32 v15, v20;
	v30 =	vor.u32 v19, v30;
	v25 =	vld.idx.msk [tilespmem:v25+s17+$0x0], $0xffff  }
0x18a: {  	v20 =	vadd.s32 v16, v20;
	v31 =	vor.u32 v19, v31;
	v26 =	vld.idx.msk [tilespmem:v26+s17+$0x0], $0xffff  }
0x18b: {  	v19 =	vor.u32 v19, v20;
	v27 =	vld.idx.msk [tilespmem:v27+s17+$0x0], $0xffff;
	v18 =	vmul.u32 $0xB, v18  }
0x18c: {  	v63 =	vld.idx.msk [tilespmem:v28+s17+$0x0], $0xffff;
	v17 =	vnsel vm0, $0x0, v17  }
0x18d: {  	v36 =	vld.idx.msk [tilespmem:v29+s17+$0x0], $0xffff;
	v37 =	vadd.s32 $0x1, v18;
	v17 =	vmul.f32 v17, v21  }
0x18e: {  	v38 =	vld.idx.msk [tilespmem:v30+s17+$0x0], $0xffff;
	v39 =	vadd.s32 $0x2, v18  }
0x18f: {  	v31 =	vld.idx.msk [tilespmem:v31+s17+$0x0], $0xffff;
	v32 =	vadd.s32 $0x3, v18;
	v22 =	vmul.f32 v17, v22  }
0x190: {  	v19 =	vld.idx.msk [tilespmem:v19+s17+$0x0], $0xffff;
	v33 =	vadd.s32 $0x4, v18;
	v23 =	vmul.f32 v17, v23  }
0x191: {  	v40 =	vadd.s32 $0x5, v18;
	v24 =	vmul.f32 v24, v17;
	[tilespmem:v18+s6+$0x0] =	vst.idx.add.f32.msk $0xffff, v22  }
0x192: {  	v41 =	vadd.s32 $0x6, v18;
	v25 =	vmul.f32 v25, v17;
	[tilespmem:v37+s6+$0x0] =	vst.idx.add.f32.msk $0xffff, v23  }
0x193: {  	v42 =	vadd.s32 $0x7, v18;
	v26 =	vmul.f32 v26, v17;
	[tilespmem:v39+s6+$0x0] =	vst.idx.add.f32.msk $0xffff, v24  }
0x194: {  	v43 =	vadd.s32 $0x8, v18;
	v27 =	vmul.f32 v27, v17;
	[tilespmem:v32+s6+$0x0] =	vst.idx.add.f32.msk $0xffff, v25  }
0x195: {  	v44 =	vadd.s32 $0x9, v18;
	v20 =	vmul.f32 v63, v17;
	[tilespmem:v33+s6+$0x0] =	vst.idx.add.f32.msk $0xffff, v26  }
0x196: {  	s4 =	sadd.s32 $0x1, s23;
	v21 =	vmul.f32 v36, v17;
	v18 =	vadd.s32 $0xA, v18;
	[tilespmem:v40+s6+$0x0] =	vst.idx.add.f32.msk $0xffff, v27  }
0x197: {  	v46 =	vadd.s32 s4, v5;
	v45 =	vmul.f32 v38, v17;
	[tilespmem:v41+s6+$0x0] =	vst.idx.add.f32.msk $0xffff, v20  }
0x198: {  	v47 =	vmul.f32 v31, v17;
	[tilespmem:v42+s6+$0x0] =	vst.idx.add.f32.msk $0xffff, v21  }
0x199: {  	v17 =	vmul.f32 v19, v17;
	[tilespmem:v43+s6+$0x0] =	vst.idx.add.f32.msk $0xffff, v45  }
0x19a: {  	[tilespmem:v44+s6+$0x0] =	vst.idx.add.f32.msk $0xffff, v47  }
0x19b: {  	[tilespmem:v18+s6+$0x0] =	vst.idx.add.f32.msk $0xffff, v17  }
0x19c: {  	s11 =	sadd.s32 $0x1, s22;
	v17 =	vld.idx.msk [tilespmem:v46+s18+$0x0], $0xffff  }
0x19d: {  	v18 =	vadd.s32 s11, v5  }
0x19e: {  	v19 =	vshll.u32 v18, $0x3  }
0x19f: {  	v19 =	vand.u32 $0x7FFFFC00, v19  }
0x1a0: {  	v18 =	vand.u32 $0x7F, v18;
	v49 =	vadd.s32 v6, v19  }
0x1a1: {  	v50 =	vadd.s32 v7, v19;
	v22 =	vor.u32 v18, v49;
	v17 =	vsub.s32 v17, v0  }
0x1a2: {  	v51 =	vadd.s32 v8, v19;
	v23 =	vor.u32 v18, v50;
	vm12 =	vlt.u32 v17, $0xC35  }
0x1a3: {  	v24 =	vor.u32 v18, v51;
	v17 =	vnsel vm12, $0x0, v17  }
0x1a4: {  	v52 =	vadd.s32 v9, v19;
	v48 =	vadd.s32 v2, v17  }
0x1a5: {  	v20 =	vld.idx.msk [tilespmem:v46+s19+$0x0], $0xffff;
	v53 =	vadd.s32 v10, v19;
	v25 =	vor.u32 v18, v52  }
0x1a6: {  	v54 =	vadd.s32 v11, v19;
	v26 =	vor.u32 v18, v53;
	v22 =	vld.idx.msk [tilespmem:v22+s17+$0x0], $0xffff  }
0x1a7: {  	v55 =	vadd.s32 v12, v19;
	v27 =	vor.u32 v18, v54;
	v23 =	vld.idx.msk [tilespmem:v23+s17+$0x0], $0xffff  }
0x1a8: {  	v56 =	vadd.s32 v13, v19;
	v28 =	vor.u32 v18, v55;
	v24 =	vld.idx.msk [tilespmem:v24+s17+$0x0], $0xffff  }
0x1a9: {  	v57 =	vadd.s32 v14, v19;
	v29 =	vor.u32 v18, v56;
	v21 =	vld.idx.msk [tilespmem:v48+s13+$0x0], $0xffff  }
0x1aa: {  	v58 =	vadd.s32 v15, v19;
	v30 =	vor.u32 v18, v57;
	v25 =	vld.idx.msk [tilespmem:v25+s17+$0x0], $0xffff  }
0x1ab: {  	v19 =	vadd.s32 v16, v19;
	v31 =	vor.u32 v18, v58;
	v26 =	vld.idx.msk [tilespmem:v26+s17+$0x0], $0xffff  }
0x1ac: {  	v18 =	vor.u32 v18, v19;
	v17 =	vmul.u32 $0xB, v17;
	v27 =	vld.idx.msk [tilespmem:v27+s17+$0x0], $0xffff  }
0x1ad: {  	v19 =	vnsel vm12, $0x0, v20;
	v59 =	vld.idx.msk [tilespmem:v28+s17+$0x0], $0xffff  }
0x1ae: {  	v60 =	vld.idx.msk [tilespmem:v29+s17+$0x0], $0xffff;
	v61 =	vadd.s32 $0x1, v17;
	v19 =	vmul.f32 v19, v21  }
0x1af: {  	v62 =	vld.idx.msk [tilespmem:v30+s17+$0x0], $0xffff;
	v63 =	vadd.s32 $0x2, v17  }
0x1b0: {  	v31 =	vld.idx.msk [tilespmem:v31+s17+$0x0], $0xffff;
	v36 =	vadd.s32 $0x3, v17;
	v22 =	vmul.f32 v19, v22  }
0x1b1: {  	v18 =	vld.idx.msk [tilespmem:v18+s17+$0x0], $0xffff;
	v37 =	vadd.s32 $0x4, v17;
	v23 =	vmul.f32 v19, v23  }
0x1b2: {  	v38 =	vadd.s32 $0x5, v17;
	v24 =	vmul.f32 v24, v19;
	[tilespmem:v17+s6+$0x0] =	vst.idx.add.f32.msk $0xffff, v22  }
0x1b3: {  	v39 =	vadd.s32 $0x6, v17;
	v25 =	vmul.f32 v25, v19;
	[tilespmem:v61+s6+$0x0] =	vst.idx.add.f32.msk $0xffff, v23  }
0x1b4: {  	v40 =	vadd.s32 $0x7, v17;
	v26 =	vmul.f32 v26, v19;
	[tilespmem:v63+s6+$0x0] =	vst.idx.add.f32.msk $0xffff, v24  }
0x1b5: {  	v41 =	vadd.s32 $0x8, v17;
	v27 =	vmul.f32 v27, v19;
	[tilespmem:v36+s6+$0x0] =	vst.idx.add.f32.msk $0xffff, v25  }
0x1b6: {  	v42 =	vadd.s32 $0x9, v17;
	v20 =	vmul.f32 v59, v19;
	[tilespmem:v37+s6+$0x0] =	vst.idx.add.f32.msk $0xffff, v26  }
0x1b7: {  	s12 =	sadd.s32 $0x2, s23;
	v21 =	vmul.f32 v60, v19;
	v17 =	vadd.s32 $0xA, v17;
	[tilespmem:v38+s6+$0x0] =	vst.idx.add.f32.msk $0xffff, v27  }
0x1b8: {  	v44 =	vadd.s32 s12, v5;
	v43 =	vmul.f32 v62, v19;
	[tilespmem:v39+s6+$0x0] =	vst.idx.add.f32.msk $0xffff, v20  }
0x1b9: {  	v45 =	vmul.f32 v31, v19;
	[tilespmem:v40+s6+$0x0] =	vst.idx.add.f32.msk $0xffff, v21  }
0x1ba: {  	v18 =	vmul.f32 v18, v19;
	[tilespmem:v41+s6+$0x0] =	vst.idx.add.f32.msk $0xffff, v43  }
0x1bb: {  	[tilespmem:v42+s6+$0x0] =	vst.idx.add.f32.msk $0xffff, v45  }
0x1bc: {  	[tilespmem:v17+s6+$0x0] =	vst.idx.add.f32.msk $0xffff, v18  }
0x1bd: {  	s24 =	sadd.s32 $0x2, s22;
	v17 =	vld.idx.msk [tilespmem:v44+s18+$0x0], $0xffff  }
0x1be: {  	v18 =	vadd.s32 s24, v5  }
0x1bf: {  	v19 =	vshll.u32 v18, $0x3  }
0x1c0: {  	v19 =	vand.u32 $0x7FFFFC00, v19  }
0x1c1: {  	v18 =	vand.u32 $0x7F, v18;
	v47 =	vadd.s32 v6, v19  }
0x1c2: {  	v48 =	vadd.s32 v7, v19;
	v22 =	vor.u32 v18, v47;
	v17 =	vsub.s32 v17, v0  }
0x1c3: {  	v49 =	vadd.s32 v8, v19;
	v23 =	vor.u32 v18, v48;
	vm13 =	vlt.u32 v17, $0xC35  }
0x1c4: {  	v24 =	vor.u32 v18, v49;
	v17 =	vnsel vm13, $0x0, v17  }
0x1c5: {  	v50 =	vadd.s32 v9, v19;
	v46 =	vadd.s32 v2, v17  }
0x1c6: {  	v20 =	vld.idx.msk [tilespmem:v44+s19+$0x0], $0xffff;
	v51 =	vadd.s32 v10, v19;
	v25 =	vor.u32 v18, v50  }
0x1c7: {  	v52 =	vadd.s32 v11, v19;
	v26 =	vor.u32 v18, v51;
	v22 =	vld.idx.msk [tilespmem:v22+s17+$0x0], $0xffff  }
0x1c8: {  	v53 =	vadd.s32 v12, v19;
	v27 =	vor.u32 v18, v52;
	v23 =	vld.idx.msk [tilespmem:v23+s17+$0x0], $0xffff  }
0x1c9: {  	v54 =	vadd.s32 v13, v19;
	v28 =	vor.u32 v18, v53;
	v24 =	vld.idx.msk [tilespmem:v24+s17+$0x0], $0xffff  }
0x1ca: {  	v55 =	vadd.s32 v14, v19;
	v29 =	vor.u32 v18, v54;
	v21 =	vld.idx.msk [tilespmem:v46+s13+$0x0], $0xffff  }
0x1cb: {  	v56 =	vadd.s32 v15, v19;
	v30 =	vor.u32 v18, v55;
	v25 =	vld.idx.msk [tilespmem:v25+s17+$0x0], $0xffff  }
0x1cc: {  	v19 =	vadd.s32 v16, v19;
	v31 =	vor.u32 v18, v56;
	v26 =	vld.idx.msk [tilespmem:v26+s17+$0x0], $0xffff  }
0x1cd: {  	v18 =	vor.u32 v18, v19;
	v17 =	vmul.u32 $0xB, v17;
	v27 =	vld.idx.msk [tilespmem:v27+s17+$0x0], $0xffff  }
0x1ce: {  	v19 =	vnsel vm13, $0x0, v20;
	v57 =	vld.idx.msk [tilespmem:v28+s17+$0x0], $0xffff  }
0x1cf: {  	v58 =	vld.idx.msk [tilespmem:v29+s17+$0x0], $0xffff;
	v59 =	vadd.s32 $0x1, v17;
	v19 =	vmul.f32 v19, v21  }
0x1d0: {  	v60 =	vld.idx.msk [tilespmem:v30+s17+$0x0], $0xffff;
	v61 =	vadd.s32 $0x2, v17  }
0x1d1: {  	v31 =	vld.idx.msk [tilespmem:v31+s17+$0x0], $0xffff;
	v62 =	vadd.s32 $0x3, v17;
	v22 =	vmul.f32 v19, v22  }
0x1d2: {  	v18 =	vld.idx.msk [tilespmem:v18+s17+$0x0], $0xffff;
	v63 =	vadd.s32 $0x4, v17;
	v23 =	vmul.f32 v19, v23  }
0x1d3: {  	v35 =	vadd.s32 $0x5, v17;
	v24 =	vmul.f32 v24, v19;
	[tilespmem:v17+s6+$0x0] =	vst.idx.add.f32.msk $0xffff, v22  }
0x1d4: {  	v36 =	vadd.s32 $0x6, v17;
	v25 =	vmul.f32 v25, v19;
	[tilespmem:v59+s6+$0x0] =	vst.idx.add.f32.msk $0xffff, v23  }
0x1d5: {  	v37 =	vadd.s32 $0x7, v17;
	v26 =	vmul.f32 v26, v19;
	[tilespmem:v61+s6+$0x0] =	vst.idx.add.f32.msk $0xffff, v24  }
0x1d6: {  	v38 =	vadd.s32 $0x8, v17;
	v27 =	vmul.f32 v27, v19;
	[tilespmem:v62+s6+$0x0] =	vst.idx.add.f32.msk $0xffff, v25  }
0x1d7: {  	v39 =	vadd.s32 $0x9, v17;
	v20 =	vmul.f32 v57, v19;
	[tilespmem:v63+s6+$0x0] =	vst.idx.add.f32.msk $0xffff, v26  }
0x1d8: {  	s25 =	sadd.s32 $0x3, s23;
	v21 =	vmul.f32 v58, v19;
	v17 =	vadd.s32 $0xA, v17;
	[tilespmem:v35+s6+$0x0] =	vst.idx.add.f32.msk $0xffff, v27  }
0x1d9: {  	v41 =	vadd.s32 s25, v5;
	v40 =	vmul.f32 v60, v19;
	[tilespmem:v36+s6+$0x0] =	vst.idx.add.f32.msk $0xffff, v20  }
0x1da: {  	v42 =	vmul.f32 v31, v19;
	[tilespmem:v37+s6+$0x0] =	vst.idx.add.f32.msk $0xffff, v21  }
0x1db: {  	v18 =	vmul.f32 v18, v19;
	[tilespmem:v38+s6+$0x0] =	vst.idx.add.f32.msk $0xffff, v40  }
0x1dc: {  	[tilespmem:v39+s6+$0x0] =	vst.idx.add.f32.msk $0xffff, v42  }
0x1dd: {  	[tilespmem:v17+s6+$0x0] =	vst.idx.add.f32.msk $0xffff, v18  }
0x1de: {  	s26 =	sadd.s32 $0x3, s22;
	v17 =	vld.idx.msk [tilespmem:v41+s18+$0x0], $0xffff  }
0x1df: {  	v18 =	vadd.s32 s26, v5  }
0x1e0: {  	v19 =	vshll.u32 v18, $0x3  }
0x1e1: {  	v19 =	vand.u32 $0x7FFFFC00, v19  }
0x1e2: {  	v18 =	vand.u32 $0x7F, v18;
	v44 =	vadd.s32 v6, v19  }
0x1e3: {  	v45 =	vadd.s32 v7, v19;
	v22 =	vor.u32 v18, v44;
	v17 =	vsub.s32 v17, v0  }
0x1e4: {  	v46 =	vadd.s32 v8, v19;
	v23 =	vor.u32 v18, v45;
	vm14 =	vlt.u32 v17, $0xC35  }
0x1e5: {  	v24 =	vor.u32 v18, v46;
	v17 =	vnsel vm14, $0x0, v17  }
0x1e6: {  	v47 =	vadd.s32 v9, v19;
	v43 =	vadd.s32 v2, v17  }
0x1e7: {  	v20 =	vld.idx.msk [tilespmem:v41+s19+$0x0], $0xffff;
	v48 =	vadd.s32 v10, v19;
	v25 =	vor.u32 v18, v47  }
0x1e8: {  	v49 =	vadd.s32 v11, v19;
	v26 =	vor.u32 v18, v48;
	v22 =	vld.idx.msk [tilespmem:v22+s17+$0x0], $0xffff  }
0x1e9: {  	v50 =	vadd.s32 v12, v19;
	v27 =	vor.u32 v18, v49;
	v23 =	vld.idx.msk [tilespmem:v23+s17+$0x0], $0xffff  }
0x1ea: {  	v51 =	vadd.s32 v13, v19;
	v28 =	vor.u32 v18, v50;
	v24 =	vld.idx.msk [tilespmem:v24+s17+$0x0], $0xffff  }
0x1eb: {  	v52 =	vadd.s32 v14, v19;
	v29 =	vor.u32 v18, v51;
	v21 =	vld.idx.msk [tilespmem:v43+s13+$0x0], $0xffff  }
0x1ec: {  	v53 =	vadd.s32 v15, v19;
	v30 =	vor.u32 v18, v52;
	v25 =	vld.idx.msk [tilespmem:v25+s17+$0x0], $0xffff  }
0x1ed: {  	v19 =	vadd.s32 v16, v19;
	v31 =	vor.u32 v18, v53;
	v26 =	vld.idx.msk [tilespmem:v26+s17+$0x0], $0xffff  }
0x1ee: {  	v18 =	vor.u32 v18, v19;
	v17 =	vmul.u32 $0xB, v17;
	v27 =	vld.idx.msk [tilespmem:v27+s17+$0x0], $0xffff  }
0x1ef: {  	v19 =	vnsel vm14, $0x0, v20;
	v54 =	vld.idx.msk [tilespmem:v28+s17+$0x0], $0xffff  }
0x1f0: {  	v55 =	vld.idx.msk [tilespmem:v29+s17+$0x0], $0xffff;
	v56 =	vadd.s32 $0x1, v17;
	v19 =	vmul.f32 v19, v21  }
0x1f1: {  	v57 =	vld.idx.msk [tilespmem:v30+s17+$0x0], $0xffff;
	v58 =	vadd.s32 $0x2, v17  }
0x1f2: {  	v31 =	vld.idx.msk [tilespmem:v31+s17+$0x0], $0xffff;
	v59 =	vadd.s32 $0x3, v17;
	v22 =	vmul.f32 v19, v22  }
0x1f3: {  	v18 =	vld.idx.msk [tilespmem:v18+s17+$0x0], $0xffff;
	v60 =	vadd.s32 $0x4, v17;
	v23 =	vmul.f32 v19, v23  }
0x1f4: {  	v61 =	vadd.s32 $0x5, v17;
	v24 =	vmul.f32 v24, v19;
	[tilespmem:v17+s6+$0x0] =	vst.idx.add.f32.msk $0xffff, v22  }
0x1f5: {  	v62 =	vadd.s32 $0x6, v17;
	v25 =	vmul.f32 v25, v19;
	[tilespmem:v56+s6+$0x0] =	vst.idx.add.f32.msk $0xffff, v23  }
0x1f6: {  	v63 =	vadd.s32 $0x7, v17;
	v26 =	vmul.f32 v26, v19;
	[tilespmem:v58+s6+$0x0] =	vst.idx.add.f32.msk $0xffff, v24  }
0x1f7: {  	v30 =	vadd.s32 $0x8, v17;
	v27 =	vmul.f32 v27, v19;
	[tilespmem:v59+s6+$0x0] =	vst.idx.add.f32.msk $0xffff, v25  }
0x1f8: {  	v32 =	vadd.s32 $0x9, v17;
	v20 =	vmul.f32 v54, v19;
	[tilespmem:v60+s6+$0x0] =	vst.idx.add.f32.msk $0xffff, v26  }
0x1f9: {  	s28 =	sadd.s32 $0x4, s23;
	v21 =	vmul.f32 v55, v19;
	v17 =	vadd.s32 $0xA, v17;
	[tilespmem:v61+s6+$0x0] =	vst.idx.add.f32.msk $0xffff, v27  }
0x1fa: {  	v34 =	vadd.s32 s28, v5;
	v33 =	vmul.f32 v57, v19;
	[tilespmem:v62+s6+$0x0] =	vst.idx.add.f32.msk $0xffff, v20  }
0x1fb: {  	v35 =	vmul.f32 v31, v19;
	[tilespmem:v63+s6+$0x0] =	vst.idx.add.f32.msk $0xffff, v21  }
0x1fc: {  	v18 =	vmul.f32 v18, v19;
	[tilespmem:v30+s6+$0x0] =	vst.idx.add.f32.msk $0xffff, v33  }
0x1fd: {  	[tilespmem:v32+s6+$0x0] =	vst.idx.add.f32.msk $0xffff, v35  }
0x1fe: {  	[tilespmem:v17+s6+$0x0] =	vst.idx.add.f32.msk $0xffff, v18  }
0x1ff: {  	s29 =	sadd.s32 $0x4, s22;
	v17 =	vld.idx.msk [tilespmem:v34+s18+$0x0], $0xffff  }
0x200: {  	v18 =	vadd.s32 s29, v5  }
0x201: {  	v19 =	vshll.u32 v18, $0x3  }
0x202: {  	v19 =	vand.u32 $0x7FFFFC00, v19  }
0x203: {  	v18 =	vand.u32 $0x7F, v18;
	v37 =	vadd.s32 v6, v19  }
0x204: {  	v38 =	vadd.s32 v7, v19;
	v22 =	vor.u32 v18, v37;
	v17 =	vsub.s32 v17, v0  }
0x205: {  	v39 =	vadd.s32 v8, v19;
	v23 =	vor.u32 v18, v38;
	vm15 =	vlt.u32 v17, $0xC35  }
0x206: {  	v24 =	vor.u32 v18, v39;
	v17 =	vnsel vm15, $0x0, v17  }
0x207: {  	v40 =	vadd.s32 v9, v19;
	v36 =	vadd.s32 v2, v17  }
0x208: {  	v20 =	vld.idx.msk [tilespmem:v34+s19+$0x0], $0xffff;
	v41 =	vadd.s32 v10, v19;
	v25 =	vor.u32 v18, v40  }
0x209: {  	v42 =	vadd.s32 v11, v19;
	v26 =	vor.u32 v18, v41;
	v22 =	vld.idx.msk [tilespmem:v22+s17+$0x0], $0xffff  }
0x20a: {  	v43 =	vadd.s32 v12, v19;
	v27 =	vor.u32 v18, v42;
	v23 =	vld.idx.msk [tilespmem:v23+s17+$0x0], $0xffff  }
0x20b: {  	v44 =	vadd.s32 v13, v19;
	v28 =	vor.u32 v18, v43;
	v24 =	vld.idx.msk [tilespmem:v24+s17+$0x0], $0xffff  }
0x20c: {  	v45 =	vadd.s32 v14, v19;
	v29 =	vor.u32 v18, v44;
	v21 =	vld.idx.msk [tilespmem:v36+s13+$0x0], $0xffff  }
0x20d: {  	v46 =	vadd.s32 v15, v19;
	v30 =	vor.u32 v18, v45;
	v25 =	vld.idx.msk [tilespmem:v25+s17+$0x0], $0xffff  }
0x20e: {  	v19 =	vadd.s32 v16, v19;
	v31 =	vor.u32 v18, v46;
	v26 =	vld.idx.msk [tilespmem:v26+s17+$0x0], $0xffff  }
0x20f: {  	v18 =	vor.u32 v18, v19;
	v17 =	vmul.u32 $0xB, v17;
	v27 =	vld.idx.msk [tilespmem:v27+s17+$0x0], $0xffff  }
0x210: {  	v19 =	vnsel vm15, $0x0, v20;
	v47 =	vld.idx.msk [tilespmem:v28+s17+$0x0], $0xffff  }
0x211: {  	v48 =	vld.idx.msk [tilespmem:v29+s17+$0x0], $0xffff;
	v49 =	vadd.s32 $0x1, v17;
	v19 =	vmul.f32 v19, v21  }
0x212: {  	v50 =	vld.idx.msk [tilespmem:v30+s17+$0x0], $0xffff;
	v51 =	vadd.s32 $0x2, v17  }
0x213: {  	v31 =	vld.idx.msk [tilespmem:v31+s17+$0x0], $0xffff;
	v52 =	vadd.s32 $0x3, v17;
	v22 =	vmul.f32 v19, v22  }
0x214: {  	v18 =	vld.idx.msk [tilespmem:v18+s17+$0x0], $0xffff;
	v53 =	vadd.s32 $0x4, v17;
	v23 =	vmul.f32 v19, v23  }
0x215: {  	v54 =	vadd.s32 $0x5, v17;
	v24 =	vmul.f32 v24, v19;
	[tilespmem:v17+s6+$0x0] =	vst.idx.add.f32.msk $0xffff, v22  }
0x216: {  	v56 =	vadd.s32 $0x6, v17;
	v55 =	vmul.f32 v25, v19;
	[tilespmem:v49+s6+$0x0] =	vst.idx.add.f32.msk $0xffff, v23  }
0x217: {  	v58 =	vadd.s32 $0x7, v17;
	v57 =	vmul.f32 v26, v19;
	[tilespmem:v51+s6+$0x0] =	vst.idx.add.f32.msk $0xffff, v24  }
0x218: {  	v60 =	vadd.s32 $0x8, v17;
	v59 =	vmul.f32 v27, v19;
	[tilespmem:v52+s6+$0x0] =	vst.idx.add.f32.msk $0xffff, v55  }
0x219: {  	v61 =	vadd.s32 $0x9, v17;
	v20 =	vmul.f32 v47, v19;
	[tilespmem:v53+s6+$0x0] =	vst.idx.add.f32.msk $0xffff, v57  }
0x21a: {  	p0 =	sne.s32 s22, $0x4B;
	v21 =	vmul.f32 v48, v19;
	v17 =	vadd.s32 $0xA, v17;
	[tilespmem:v54+s6+$0x0] =	vst.idx.add.f32.msk $0xffff, v59  }
.Ltmp9:
0x21b: {  	v62 =	vmul.f32 v50, v19;
	[tilespmem:v56+s6+$0x0] =	vst.idx.add.f32.msk $0xffff, v20;
	(pc) =	sbr.rel @p0 .LBB2_15-.Ltmp9, $4  }
0x21c: {  	v63 =	vmul.f32 v31, v19;
	[tilespmem:v58+s6+$0x0] =	vst.idx.add.f32.msk $0xffff, v21  }
0x21d: {  	v18 =	vmul.f32 v18, v19;
	[tilespmem:v60+s6+$0x0] =	vst.idx.add.f32.msk $0xffff, v62  }
0x21e: {  	[tilespmem:v61+s6+$0x0] =	vst.idx.add.f32.msk $0xffff, v63  }
0x21f: {  	s22 =	sadd.s32 $0x5, s22;
	[tilespmem:v17+s6+$0x0] =	vst.idx.add.f32.msk $0xffff, v18  }
0x220: {  	s1 =	sadd.s32 $0x1, s1  }
0x221: {  	p0 =	slt.s32 s1, s5  }
.Ltmp10:
0x222: {  	_ = 	snop;
	(pc) =	sbr.rel @p0 .LBB2_12-.Ltmp10, $4  }
.Ltmp11:
0x223: {  	_ = 	snop;
	(pc) =	sbr.rel @!p0 .LBB2_17-.Ltmp11, $4  }
0x224: {  	_ = 	snop  }
0x225: {  	_ = 	snop  }
0x226: {  	_ = 	snop  }
0x227: {  	_ = 	snop  }
.LBB2_18:
0x228: {  	_ =	sfence.sel $0x180000  }
0x229: {  	[bflag:$0x0] =	sbarrier.arrive $0xFFFF  }
0x22a: {  	_ =	strace $0x90000047  }
0x22b: {  	s0 =	stileid.u32;
	[bflag:$0x2] =	sbarrier.arrive $0xFFFF  }
0x22c: {  	p0 =	sne.s32 s0, $0x0;
	s0 =	rddreg [dreg:$0x6]  }
0x22d: {  	s0 =	sadd.s32 @!p0 $0x100000, s0  }
0x22e: {  	[sflag:s0] =	ssyncadd.tile.s32 @!p0 $0x1;
	_ =	shalt  }
.Lfunc_end2:
_tile_overlayer_lowered:
.L_overlay_start_2:
0x22f: {  	(tag) =	ssettag $0x2  }
0x230: {  	s0 =	rddreg [dreg:$0x0];
	s2 =	stileid.u32  }
0x231: {  	s1 =	rddreg [dreg:$0x1];
	p0 =	sne.s32 s2, $0x0  }
0x232: {  	s3 =	rddreg [dreg:$0x2];
	[bflag:$0x3] =	sbarrier.arrive $0xFFFF;
	s2 =	simm.s32 @!p0 $0x1C04  }
0x233: {  	[timem:s3], [sflag:s2] =	dma.local @!p0 [hbm:s0], s1  }
0x234: {  	s0 =	simm.s32 @!p0 $0x4  }
0x235: {  	_ =	swait.ge @!p0 [sflag:s0], s1  }
0x236: {  	s1 =	ssub.s32 @!p0 $0x0, s1;
	[sflag:s0] =	ssyncset.done @!p0 $0x0  }
0x237: {  	[sflag:s0] =	ssyncadd.s32 @!p0 s1  }
0x238: {  	[bflag:$0x3] =	sbarrier.arrive $0xFFFF  }
0x239: {  	_ =	shalt  }

</sc_bundles>
